<compile_context>
chip_gen: v7x
topology: tpu7x:2x2x1
jax: 0.10.2.dev20260603
libtpu: 0.0.44.dev20260713+nightly
codegen_flags: <defaults>
</compile_context>

<pallas_src>
import functools

import jax
import jax.numpy as jnp
from jax import lax
from jax.experimental import pallas as pl
from jax.experimental.pallas import tpu as pltpu
from jax.experimental.pallas import tpu_sc as plsc

N = 10000
E = 320000
D = 128
G = 64
NB = 5
BLK = N // NB
NC = 2
NS = 16
NW = NC * NS
EPT = E // NW
CH = 64
NR = 4
NFULL = EPT // CH
TAIL = EPT - NFULL * CH
ROWS_A = 632
ROWS_B = 624

_HI = jax.lax.Precision.HIGHEST


def _dot(a, b):
    return jnp.dot(a, b, precision=_HI, preferred_element_type=jnp.float32)



def _mid_body(x_ref, p_ref, wcat_ref, bd1_ref, bd2_ref, b1_ref, b2_ref,
              o_ref):
    u = x_ref[...] + p_ref[0] + p_ref[1]
    z1 = _dot(u, wcat_ref[...])
    a = jnp.maximum(z1 + b1_ref[...], 0.0)
    h = jnp.maximum(_dot(a, bd1_ref[...]) + b2_ref[...], 0.0)
    o_ref[...] = _dot(h, bd2_ref[...])


def _fin_body(z_ref, p_ref, bd3_ref, b3_ref, b4_ref, lnw_ref, lnb_ref,
              bt_ref, o_ref, acc_ref):
    i = pl.program_id(0)
    v = jnp.maximum(z_ref[...] + p_ref[0] + p_ref[1] + b3_ref[...], 0.0)
    h2 = jnp.maximum(_dot(v, bd3_ref[...]) + b4_ref[...], 0.0)
    bt = bt_ref[0]
    onehot = (lax.broadcasted_iota(jnp.int32, (G, BLK), 0) == bt
              ).astype(jnp.float32)
    contrib = _dot(onehot, h2)

    @pl.when(i == 0)
    def _():
        acc_ref[...] = contrib

    @pl.when(i > 0)
    def _():
        acc_ref[...] += contrib

    @pl.when(i == NB - 1)
    def _():
        o_ref[...] = _dot(acc_ref[...], lnw_ref[...]) + lnb_ref[...]


def _tc_mid(x, p, wcat, bd1, bd2, b1, b2):
    return pl.pallas_call(
        _mid_body,
        grid=(NB,),
        in_specs=[
            pl.BlockSpec((BLK, D), lambda i: (i, 0)),
            pl.BlockSpec((2, BLK, D), lambda i: (0, i, 0)),
            pl.BlockSpec((D, D), lambda i: (0, 0)),
            pl.BlockSpec((D, D), lambda i: (0, 0)),
            pl.BlockSpec((D, D), lambda i: (0, 0)),
            pl.BlockSpec((1, D), lambda i: (0, 0)),
            pl.BlockSpec((1, D), lambda i: (0, 0)),
        ],
        out_specs=pl.BlockSpec((BLK, D), lambda i: (i, 0)),
        out_shape=jax.ShapeDtypeStruct((N, D), jnp.float32),
    )(x, p, wcat, bd1, bd2, b1, b2)


def _tc_fin(z, p, bd3, b3, b4, lnw, lnb, batch3):
    return pl.pallas_call(
        _fin_body,
        grid=(NB,),
        in_specs=[
            pl.BlockSpec((BLK, D), lambda i: (i, 0)),
            pl.BlockSpec((2, BLK, D), lambda i: (0, i, 0)),
            pl.BlockSpec((D, D), lambda i: (0, 0)),
            pl.BlockSpec((1, D), lambda i: (0, 0)),
            pl.BlockSpec((1, D), lambda i: (0, 0)),
            pl.BlockSpec((D, G), lambda i: (0, 0)),
            pl.BlockSpec((1, G), lambda i: (0, 0)),
            pl.BlockSpec((1, 1, BLK), lambda i: (i, 0, 0)),
        ],
        out_specs=pl.BlockSpec((G, G), lambda i: (0, 0)),
        out_shape=jax.ShapeDtypeStruct((G, G), jnp.float32),
        scratch_shapes=[pltpu.VMEM((G, D), jnp.float32)],
    )(z, p, bd3, b3, b4, lnw, lnb, batch3)



def _sc_body(z_hbm, src_hbm, dst_hbm, out_hbm,
             srcb, dstb, rows, srcv_t, dstv_t, rows_t,
             sem_g, sem_i, sem_s, acc):
    cid = lax.axis_index("c")
    sid = lax.axis_index("s")
    wid = cid * NS + sid

    @pl.loop(0, CH)
    def _(r):
        @pl.loop(0, D // 16)
        def _(c):
            rows[0, r, pl.ds(c * 16, 16)] = jnp.zeros((16,), jnp.float32)

    base_r = jnp.where(sid < 2, sid * ROWS_A,
                       2 * ROWS_A + (sid - 2) * ROWS_B)

    @pl.loop(0, 9)
    def _(j):
        pltpu.sync_copy(rows.at[0], acc.at[pl.ds(base_r + j * CH, CH)])

    @pl.when(sid < 2)
    def _():
        pltpu.sync_copy(rows.at[0].at[pl.ds(0, ROWS_A - 9 * CH)],
                        acc.at[pl.ds(base_r + 9 * CH, ROWS_A - 9 * CH)])

    @pl.when(sid >= 2)
    def _():
        pltpu.sync_copy(rows.at[0].at[pl.ds(0, ROWS_B - 9 * CH)],
                        acc.at[pl.ds(base_r + 9 * CH, ROWS_B - 9 * CH)])

    plsc.subcore_barrier()

    base_e = wid * EPT

    def _idx_load(j, b):
        off = base_e + j * CH
        pltpu.async_copy(src_hbm.at[pl.ds(off, CH)], srcb.at[b], sem_i[b])
        pltpu.async_copy(dst_hbm.at[pl.ds(off, CH)], dstb.at[b], sem_i[b])

    def _idx_wait(j, b):
        off = base_e + j * CH
        pltpu.make_async_copy(
            src_hbm.at[pl.ds(off, CH)], srcb.at[b], sem_i[b]).wait()
        pltpu.make_async_copy(
            dst_hbm.at[pl.ds(off, CH)], dstb.at[b], sem_i[b]).wait()

    def _gather(b):
        return pltpu.make_async_copy(
            z_hbm.at[srcb.at[b]], rows.at[b], sem_g[b])

    def _scatter_start(b):
        pltpu.async_copy(rows.at[b], acc.at[dstb.at[b]], sem_s[b], add=True)

    def _scatter_wait(b):
        pltpu.make_async_copy(
            rows.at[b], acc.at[dstb.at[b]], sem_s[b]).wait()

    _idx_load(0, 0)
    _idx_load(1, 1)
    _idx_wait(0, 0)
    _gather(0).start()

    def _step(c, u):
        @pl.when(c >= 2)
        def _():
            _scatter_wait((u + 2) % NR)

        @pl.when(c + 2 < NFULL)
        def _():
            _idx_load(c + 2, (u + 2) % NR)

        @pl.when(c + 1 < NFULL)
        def _():
            _idx_wait(c + 1, (u + 1) % NR)
            _gather((u + 1) % NR).start()

        _gather(u).wait()
        _scatter_start(u)

    @pl.loop(0, NFULL // NR)
    def _(g):
        for u in range(NR):
            _step(NR * g + u, u)

    _scatter_wait((NFULL - 2) % NR)
    _scatter_wait((NFULL - 1) % NR)

    offt = base_e + NFULL * CH
    pltpu.sync_copy(src_hbm.at[pl.ds(offt, TAIL)], srcv_t)
    pltpu.sync_copy(dst_hbm.at[pl.ds(offt, TAIL)], dstv_t)
    pltpu.sync_copy(z_hbm.at[srcv_t], rows_t)
    pltpu.sync_copy(rows_t, acc.at[dstv_t], add=True)
    plsc.subcore_barrier()

    @pl.when(sid < 2)
    def _():
        pltpu.sync_copy(acc.at[pl.ds(base_r, ROWS_A)],
                        out_hbm.at[cid, pl.ds(base_r, ROWS_A)])

    @pl.when(sid >= 2)
    def _():
        pltpu.sync_copy(acc.at[pl.ds(base_r, ROWS_B)],
                        out_hbm.at[cid, pl.ds(base_r, ROWS_B)])


@functools.partial(
    pl.kernel,
    out_type=jax.ShapeDtypeStruct((NC, N, D), jnp.float32),
    mesh=plsc.VectorSubcoreMesh(core_axis_name="c", subcore_axis_name="s"),
    scratch_types=[
        pltpu.VMEM((NR, CH), jnp.int32),
        pltpu.VMEM((NR, CH), jnp.int32),
        pltpu.VMEM((NR, CH, D), jnp.float32),
        pltpu.VMEM((TAIL,), jnp.int32),
        pltpu.VMEM((TAIL,), jnp.int32),
        pltpu.VMEM((TAIL, D), jnp.float32),
    ] + [pltpu.SemaphoreType.DMA] * (3 * NR) + [
        pltpu.VMEM_SHARED((N, D), jnp.float32),
    ],
)
def _sc_edge_segsum(z_hbm, src_hbm, dst_hbm, out_hbm,
                    srcb, dstb, rows, srcv_t, dstv_t, rows_t,
                    sg0, sg1, sg2, sg3, si0, si1, si2, si3,
                    ss0, ss1, ss2, ss3, acc):
    _sc_body(z_hbm, src_hbm, dst_hbm, out_hbm,
             srcb, dstb, rows, srcv_t, dstv_t, rows_t,
             (sg0, sg1, sg2, sg3), (si0, si1, si2, si3),
             (ss0, ss1, ss2, ss3), acc)



def kernel(x, edge_index, batch,
           g1_l1_W1, g1_l1_b1, g1_l1_W2, g1_l1_b2,
           g1_l2_W1, g1_l2_b1, g1_l2_W2, g1_l2_b2,
           g2_l1_W1, g2_l1_b1, g2_l1_W2, g2_l1_b2,
           g2_l2_W1, g2_l2_b1, g2_l2_W2, g2_l2_b2,
           ln_W, ln_b):
    f32 = jnp.float32
    H = 64

    src = edge_index[0]
    dst = edge_index[1]

    z64 = jnp.zeros((H, H), f32)
    z1_64 = jnp.zeros((D - 1, H), f32)
    z64_1 = jnp.zeros((1, H), f32)
    wcat = jnp.concatenate([
        jnp.concatenate([z1_64, g2_l1_W1], axis=1),
        jnp.concatenate([g1_l1_W1, z64_1], axis=1),
    ], axis=0)
    bd1 = jnp.concatenate([
        jnp.concatenate([g1_l1_W2, z64], axis=1),
        jnp.concatenate([z64, g2_l1_W2], axis=1),
    ], axis=0)
    bd2 = jnp.concatenate([
        jnp.concatenate([g1_l2_W1, z64], axis=1),
        jnp.concatenate([z64, g2_l2_W1], axis=1),
    ], axis=0)
    bd3 = jnp.concatenate([
        jnp.concatenate([g1_l2_W2, z64], axis=1),
        jnp.concatenate([z64, g2_l2_W2], axis=1),
    ], axis=0)
    b1 = jnp.concatenate([g1_l1_b1, g2_l1_b1]).reshape(1, D)
    b2 = jnp.concatenate([g1_l1_b2, g2_l1_b2]).reshape(1, D)
    b3 = jnp.concatenate([g1_l2_b1, g2_l2_b1]).reshape(1, D)
    b4 = jnp.concatenate([g1_l2_b2, g2_l2_b2]).reshape(1, D)
    lnb = ln_b.reshape(1, G)
    batch3 = batch.reshape(NB, 1, BLK)

    p1 = _sc_edge_segsum(x, src, dst)
    z2 = _tc_mid(x, p1, wcat, bd1, bd2, b1, b2)
    p2 = _sc_edge_segsum(z2, src, dst)
    out = _tc_fin(z2, p2, bd3, b3, b4, ln_W, lnb, batch3)
    return out

# --- scband reference (transcript-rebuilt; emitter-appended) ---
"""Pipeline reference for scband-model-adapter-22574348108088 (READ-ONLY COPY).

The authoritative reference and input builder live on the scoring server;
editing this copy changes nothing except your own understanding.
"""

import jax, jax.numpy as jnp
import numpy as np

N = 10000
E = 320000
FEA = 128
HID = 64
TGT = 64
G = 64


def _lin(key, i, o):
    return jax.random.normal(key, (i, o), dtype=jnp.float32) * (1.0 / np.sqrt(i))


def setup_inputs(seed: int = 0) -> dict:
    key = jax.random.key(seed)
    ks = jax.random.split(key, 32)
    inp = {}
    inp['x'] = jax.random.normal(ks[0], (N, FEA), dtype=jnp.float32)
    inp['edge_index'] = jax.random.randint(ks[1], (2, E), 0, N, dtype=jnp.int32)
    inp['batch'] = jnp.sort(jax.random.randint(ks[2], (N,), 0, G, dtype=jnp.int32))
    # GIN1 operates on x[..., -1:] (in_dim=1); two GINConv layers, each MLP Linear->ReLU->Linear
    inp['g1_l1_W1'] = _lin(ks[3], 1, HID);   inp['g1_l1_b1'] = jnp.zeros((HID,), jnp.float32)
    inp['g1_l1_W2'] = _lin(ks[4], HID, HID); inp['g1_l1_b2'] = jnp.zeros((HID,), jnp.float32)
    inp['g1_l2_W1'] = _lin(ks[5], HID, HID); inp['g1_l2_b1'] = jnp.zeros((HID,), jnp.float32)
    inp['g1_l2_W2'] = _lin(ks[6], HID, HID); inp['g1_l2_b2'] = jnp.zeros((HID,), jnp.float32)
    # GIN2 operates on x[..., :-1] (in_dim=127)
    inp['g2_l1_W1'] = _lin(ks[7], FEA - 1, HID); inp['g2_l1_b1'] = jnp.zeros((HID,), jnp.float32)
    inp['g2_l1_W2'] = _lin(ks[8], HID, HID);     inp['g2_l1_b2'] = jnp.zeros((HID,), jnp.float32)
    inp['g2_l2_W1'] = _lin(ks[9], HID, HID);     inp['g2_l2_b1'] = jnp.zeros((HID,), jnp.float32)
    inp['g2_l2_W2'] = _lin(ks[10], HID, HID);    inp['g2_l2_b2'] = jnp.zeros((HID,), jnp.float32)
    # final linear: Linear(2*HID, TGT)
    inp['ln_W'] = _lin(ks[11], 2 * HID, TGT)
    inp['ln_b'] = jnp.zeros((TGT,), jnp.float32)
    return inp


def _gin(x, edge_index, batch, layers):
    src = edge_index[0]
    dst = edge_index[1]
    h = x
    for (W1, b1, W2, b2) in layers:
        # GINConv: h = MLP((1+eps)*h + sum_{j in N(i)} h_j), eps=0
        agg = jax.ops.segment_sum(h[src], dst, num_segments=N)
        h = h + agg
        h = jax.nn.relu(h @ W1 + b1)
        h = jax.nn.relu(h @ W2 + b2)
    # global add pool over graphs
    return jax.ops.segment_sum(h, batch, num_segments=G)


def reference(x, edge_index, batch,
              g1_l1_W1, g1_l1_b1, g1_l1_W2, g1_l1_b2,
              g1_l2_W1, g1_l2_b1, g1_l2_W2, g1_l2_b2,
              g2_l1_W1, g2_l1_b1, g2_l1_W2, g2_l1_b2,
              g2_l2_W1, g2_l2_b1, g2_l2_W2, g2_l2_b2,
              ln_W, ln_b):
    out1 = _gin(x[..., -1:], edge_index, batch,
                [(g1_l1_W1, g1_l1_b1, g1_l1_W2, g1_l1_b2),
                 (g1_l2_W1, g1_l2_b1, g1_l2_W2, g1_l2_b2)])
    out2 = _gin(x[..., :-1], edge_index, batch,
                [(g2_l1_W1, g2_l1_b1, g2_l1_W2, g2_l1_b2),
                 (g2_l2_W1, g2_l2_b1, g2_l2_W2, g2_l2_b2)])
    out = jnp.concatenate([out1, out2], axis=-1) @ ln_W + ln_b
    return out

if __name__ == "__main__":
    import jax
    _d = setup_inputs()
    print(jax.jit(kernel)(*tuple(_d.values())))

</pallas_src>

<mosaic_0001>
#map = affine_map<(d0, d1) -> (0, 0)>
#map1 = affine_map<(d0, d1) -> (0)>
#map2 = affine_map<(d0, d1) -> (0, 0, 0)>
module attributes {stable_mosaic.version = 14 : i64} {
  func.func @_sc_edge_segsum(%arg0: i32, %arg1: i32, %arg2: memref<10000x128xf32, #tpu.memory_space<hbm>>, %arg3: memref<320000xi32, #tpu.memory_space<hbm>>, %arg4: memref<320000xi32, #tpu.memory_space<hbm>>, %arg5: memref<2x10000x128xf32, #tpu.memory_space<hbm>>, %arg6: memref<4x64xi32, #tpu.memory_space<vmem>>, %arg7: memref<4x64xi32, #tpu.memory_space<vmem>>, %arg8: memref<4x64x128xf32, #tpu.memory_space<vmem>>, %arg9: memref<16xi32, #tpu.memory_space<vmem>>, %arg10: memref<16xi32, #tpu.memory_space<vmem>>, %arg11: memref<16x128xf32, #tpu.memory_space<vmem>>, %arg12: memref<!tpu.dma_semaphore, #tpu.memory_space<semaphore_mem>>, %arg13: memref<!tpu.dma_semaphore, #tpu.memory_space<semaphore_mem>>, %arg14: memref<!tpu.dma_semaphore, #tpu.memory_space<semaphore_mem>>, %arg15: memref<!tpu.dma_semaphore, #tpu.memory_space<semaphore_mem>>, %arg16: memref<!tpu.dma_semaphore, #tpu.memory_space<semaphore_mem>>, %arg17: memref<!tpu.dma_semaphore, #tpu.memory_space<semaphore_mem>>, %arg18: memref<!tpu.dma_semaphore, #tpu.memory_space<semaphore_mem>>, %arg19: memref<!tpu.dma_semaphore, #tpu.memory_space<semaphore_mem>>, %arg20: memref<!tpu.dma_semaphore, #tpu.memory_space<semaphore_mem>>, %arg21: memref<!tpu.dma_semaphore, #tpu.memory_space<semaphore_mem>>, %arg22: memref<!tpu.dma_semaphore, #tpu.memory_space<semaphore_mem>>, %arg23: memref<!tpu.dma_semaphore, #tpu.memory_space<semaphore_mem>>, %arg24: memref<10000x128xf32, #tpu.memory_space<vmem_shared>>) attributes {dimension_semantics = [#tpu.dimension_semantics<core_parallel>, #tpu.dimension_semantics<subcore_parallel>], iteration_bounds = array<i64: 2, 16>, scalar_prefetch = 0 : i64, scratch_operands = 19 : i64, tpu.core_type = #tpu.core_type<sc_vector_subcore>, window_params = [{transform_indices = #map}, {transform_indices = #map1}, {transform_indices = #map1}, {transform_indices = #map2}]} {
    %mul3A = arith.constant 16 : i32
    %mul3A_0 = arith.muli %arg0, %mul3A : i32
    %add3A = arith.addi %mul3A_0, %arg1 : i32
    %scan3A = arith.constant 0 : i32
    %scan3A_1 = arith.constant 64 : i32
    %scan3A_2 = arith.addi %scan3A, %scan3A_1 : i32
    %scan3A_3 = arith.constant 1 : i32
    scf.for %scan3A_139 = %scan3A to %scan3A_2 step %scan3A_3  : i32 {
      %mul3A_140 = arith.constant 1 : i32
      %mul3A_141 = arith.muli %scan3A_139, %mul3A_140 : i32
      %add3A_142 = arith.constant 0 : i32
      %add3A_143 = arith.addi %add3A_142, %mul3A_141 : i32
      %scan3A_144 = arith.constant 0 : i32
      %scan3A_145 = arith.constant 8 : i32
      %scan3A_146 = arith.addi %scan3A_144, %scan3A_145 : i32
      %scan3A_147 = arith.constant 1 : i32
      scf.for %scan3A_149 = %scan3A_144 to %scan3A_146 step %scan3A_147  : i32 {
        %mul3A_150 = arith.constant 1 : i32
        %mul3A_151 = arith.muli %scan3A_149, %mul3A_150 : i32
        %add3A_152 = arith.constant 0 : i32
        %add3A_153 = arith.addi %add3A_152, %mul3A_151 : i32
        %broadcast_in_dim3A = arith.constant 0.000000e+00 : f32
        %broadcast_in_dim3A_154 = vector.broadcast %broadcast_in_dim3A : f32 to vector<16xf32>
        %mul3A_155 = arith.constant 16 : i32
        %mul3A_156 = arith.muli %add3A_153, %mul3A_155 : i32
        %swap3A = arith.constant 0 : i32
        %swap3A_157 = arith.index_cast %swap3A : i32 to index
        %swap3A_158 = arith.index_cast %add3A_143 : i32 to index
        %swap3A_159 = arith.index_cast %mul3A_156 : i32 to index
        %swap3A_160 = tpu.vector_load %arg8[%swap3A_157, %swap3A_158, %swap3A_159] {strides = array<i32>} : memref<4x64x128xf32, #tpu.memory_space<vmem>>, vector<1x1x16xf32>,
        %swap3A_161 = vector.shape_cast %swap3A_160 : vector<1x1x16xf32> to vector<16xf32>
        %swap3A_162 = vector.shape_cast %broadcast_in_dim3A_154 : vector<16xf32> to vector<1x1x16xf32>
        tpu.vector_store %arg8[%swap3A_157, %swap3A_158, %swap3A_159], %swap3A_162 {strides = array<i32>} : memref<4x64x128xf32, #tpu.memory_space<vmem>>, vector<1x1x16xf32>,
      }
      %scan3A_148 = arith.constant 8 : i32
    }
    %scan3A_4 = arith.constant 64 : i32
    %lt3A = arith.constant 2 : i32
    %lt3A_5 = arith.cmpi slt, %arg1, %lt3A : i32
    %mul3A_6 = arith.constant 632 : i32
    %mul3A_7 = arith.muli %arg1, %mul3A_6 : i32
    %sub3A = arith.constant 2 : i32
    %sub3A_8 = arith.subi %arg1, %sub3A : i32
    %mul3A_9 = arith.constant 624 : i32
    %mul3A_10 = arith.muli %sub3A_8, %mul3A_9 : i32
    %add3A_11 = arith.constant 1264 : i32
    %add3A_12 = arith.addi %add3A_11, %mul3A_10 : i32
    %select_n3A = arith.select %lt3A_5, %mul3A_7, %add3A_12 : i32
    %scan3A_13 = arith.constant 0 : i32
    %scan3A_14 = arith.constant 9 : i32
    %scan3A_15 = arith.addi %scan3A_13, %scan3A_14 : i32
    %scan3A_16 = arith.constant 1 : i32
    scf.for %scan3A_139 = %scan3A_13 to %scan3A_15 step %scan3A_16  : i32 {
      %mul3A_140 = arith.constant 1 : i32
      %mul3A_141 = arith.muli %scan3A_139, %mul3A_140 : i32
      %add3A_142 = arith.constant 0 : i32
      %add3A_143 = arith.addi %add3A_142, %mul3A_141 : i32
      %mul3A_144 = arith.constant 64 : i32
      %mul3A_145 = arith.muli %add3A_143, %mul3A_144 : i32
      %add3A_146 = arith.addi %select_n3A, %mul3A_145 : i32
      %run_scoped3A = arith.constant 0 : i32
      "tpu.region"() ({
        %run_scoped3A_147 = tpu.sem_alloc : memref<!tpu.dma_semaphore, #tpu.memory_space<semaphore_mem>>
        %dma_start3A_148 = arith.constant 0 : i32
        %dma_start3A_149 = arith.constant 0 : i32
        %dma_start3A_150 = tpu.memref_slice %arg8[%run_scoped3A, %dma_start3A_148, %dma_start3A_149] : memref<4x64x128xf32, #tpu.memory_space<vmem>> -> memref<1x64x128xf32, #tpu.memory_space<vmem>>
        %dma_start3A_151 = tpu.memref_squeeze %dma_start3A_150 : memref<1x64x128xf32, #tpu.memory_space<vmem>> -> memref<64x128xf32, #tpu.memory_space<vmem>>
        %dma_start3A_152 = arith.constant 0 : i32
        %dma_start3A_153 = tpu.memref_slice %arg24[%add3A_146, %dma_start3A_152] : memref<10000x128xf32, #tpu.memory_space<vmem_shared>> -> memref<64x128xf32, #tpu.memory_space<vmem_shared>>
        %dma_start3A_154 = arith.constant 0 : i32
        %dma_start3A_155 = tpu.memref_slice %arg24[%add3A_146, %dma_start3A_154] : memref<10000x128xf32, #tpu.memory_space<vmem_shared>> -> memref<64x128xf32, #tpu.memory_space<vmem_shared>>
        %dma_start3A_156 = arith.constant 0 : i32
        %dma_start3A_157 = arith.constant 0 : i32
        %dma_start3A_158 = tpu.memref_slice %arg8[%run_scoped3A, %dma_start3A_156, %dma_start3A_157] : memref<4x64x128xf32, #tpu.memory_space<vmem>> -> memref<1x64x128xf32, #tpu.memory_space<vmem>>
        %dma_start3A_159 = tpu.memref_squeeze %dma_start3A_158 : memref<1x64x128xf32, #tpu.memory_space<vmem>> -> memref<64x128xf32, #tpu.memory_space<vmem>>
        tpu.enqueue_dma source(%dma_start3A_159 : memref<64x128xf32, #tpu.memory_space<vmem>>) target(%dma_start3A_155 : memref<64x128xf32, #tpu.memory_space<vmem_shared>>) target_semaphore(%run_scoped3A_147 : memref<!tpu.dma_semaphore, #tpu.memory_space<semaphore_mem>>)
        %dma_wait3A_160 = arith.constant 0 : i32
        %dma_wait3A_161 = arith.constant 0 : i32
        %dma_wait3A_162 = tpu.memref_slice %arg8[%run_scoped3A, %dma_wait3A_160, %dma_wait3A_161] : memref<4x64x128xf32, #tpu.memory_space<vmem>> -> memref<1x64x128xf32, #tpu.memory_space<vmem>>
        %dma_wait3A_163 = tpu.memref_squeeze %dma_wait3A_162 : memref<1x64x128xf32, #tpu.memory_space<vmem>> -> memref<64x128xf32, #tpu.memory_space<vmem>>
        %dma_wait3A_164 = arith.constant 0 : i32
        %dma_wait3A_165 = tpu.memref_slice %arg24[%add3A_146, %dma_wait3A_164] : memref<10000x128xf32, #tpu.memory_space<vmem_shared>> -> memref<64x128xf32, #tpu.memory_space<vmem_shared>>
        %dma_wait3A_166 = arith.constant 0 : i32
        %dma_wait3A_167 = tpu.memref_slice %arg24[%add3A_146, %dma_wait3A_166] : memref<10000x128xf32, #tpu.memory_space<vmem_shared>> -> memref<64x128xf32, #tpu.memory_space<vmem_shared>>
        %dma_wait3A_168 = arith.constant 0 : i32
        %dma_wait3A_169 = arith.constant 0 : i32
        %dma_wait3A_170 = tpu.memref_slice %arg8[%run_scoped3A, %dma_wait3A_168, %dma_wait3A_169] : memref<4x64x128xf32, #tpu.memory_space<vmem>> -> memref<1x64x128xf32, #tpu.memory_space<vmem>>
        %dma_wait3A_171 = tpu.memref_squeeze %dma_wait3A_170 : memref<1x64x128xf32, #tpu.memory_space<vmem>> -> memref<64x128xf32, #tpu.memory_space<vmem>>
        tpu.wait_dma2 semaphore(%run_scoped3A_147 : memref<!tpu.dma_semaphore, #tpu.memory_space<semaphore_mem>>) src(%dma_wait3A_171 : memref<64x128xf32, #tpu.memory_space<vmem>>) dst(%dma_wait3A_167 : memref<64x128xf32, #tpu.memory_space<vmem_shared>>)
        tpu.yield
      }) : () -> ()
    }
    %scan3A_17 = arith.constant 9 : i32
    %lt3A_18 = arith.constant 2 : i32
    %lt3A_19 = arith.cmpi slt, %arg1, %lt3A_18 : i32
    %convert_element_type3A = arith.extui %lt3A_19 : i1 to i32
    %cond3A = arith.constant 0 : i32
    %cond3A_20 = arith.cmpi ne, %convert_element_type3A, %cond3A : i32
    scf.if %cond3A_20 {
      %add3A_139 = arith.constant 576 : i32
      %add3A_140 = arith.addi %select_n3A, %add3A_139 : i32
      %run_scoped3A = arith.constant 0 : i32
      "tpu.region"() ({
        %run_scoped3A_141 = tpu.sem_alloc : memref<!tpu.dma_semaphore, #tpu.memory_space<semaphore_mem>>
        %dma_start3A_142 = arith.constant 0 : i32
        %dma_start3A_143 = arith.constant 0 : i32
        %dma_start3A_144 = tpu.memref_slice %arg8[%run_scoped3A, %dma_start3A_142, %dma_start3A_143] : memref<4x64x128xf32, #tpu.memory_space<vmem>> -> memref<1x64x128xf32, #tpu.memory_space<vmem>>
        %dma_start3A_145 = tpu.memref_squeeze %dma_start3A_144 : memref<1x64x128xf32, #tpu.memory_space<vmem>> -> memref<64x128xf32, #tpu.memory_space<vmem>>
        %dma_start3A_146 = arith.constant 0 : i32
        %dma_start3A_147 = arith.constant 0 : i32
        %dma_start3A_148 = tpu.memref_slice %dma_start3A_145[%dma_start3A_146, %dma_start3A_147] : memref<64x128xf32, #tpu.memory_space<vmem>> -> memref<56x128xf32, #tpu.memory_space<vmem>>
        %dma_start3A_149 = arith.constant 0 : i32
        %dma_start3A_150 = tpu.memref_slice %arg24[%add3A_140, %dma_start3A_149] : memref<10000x128xf32, #tpu.memory_space<vmem_shared>> -> memref<56x128xf32, #tpu.memory_space<vmem_shared>>
        %dma_start3A_151 = arith.constant 0 : i32
        %dma_start3A_152 = tpu.memref_slice %arg24[%add3A_140, %dma_start3A_151] : memref<10000x128xf32, #tpu.memory_space<vmem_shared>> -> memref<56x128xf32, #tpu.memory_space<vmem_shared>>
        %dma_start3A_153 = arith.constant 0 : i32
        %dma_start3A_154 = arith.constant 0 : i32
        %dma_start3A_155 = tpu.memref_slice %arg8[%run_scoped3A, %dma_start3A_153, %dma_start3A_154] : memref<4x64x128xf32, #tpu.memory_space<vmem>> -> memref<1x64x128xf32, #tpu.memory_space<vmem>>
        %dma_start3A_156 = tpu.memref_squeeze %dma_start3A_155 : memref<1x64x128xf32, #tpu.memory_space<vmem>> -> memref<64x128xf32, #tpu.memory_space<vmem>>
        %dma_start3A_157 = arith.constant 0 : i32
        %dma_start3A_158 = arith.constant 0 : i32
        %dma_start3A_159 = tpu.memref_slice %dma_start3A_156[%dma_start3A_157, %dma_start3A_158] : memref<64x128xf32, #tpu.memory_space<vmem>> -> memref<56x128xf32, #tpu.memory_space<vmem>>
        tpu.enqueue_dma source(%dma_start3A_159 : memref<56x128xf32, #tpu.memory_space<vmem>>) target(%dma_start3A_152 : memref<56x128xf32, #tpu.memory_space<vmem_shared>>) target_semaphore(%run_scoped3A_141 : memref<!tpu.dma_semaphore, #tpu.memory_space<semaphore_mem>>)
        %dma_wait3A_160 = arith.constant 0 : i32
        %dma_wait3A_161 = arith.constant 0 : i32
        %dma_wait3A_162 = tpu.memref_slice %arg8[%run_scoped3A, %dma_wait3A_160, %dma_wait3A_161] : memref<4x64x128xf32, #tpu.memory_space<vmem>> -> memref<1x64x128xf32, #tpu.memory_space<vmem>>
        %dma_wait3A_163 = tpu.memref_squeeze %dma_wait3A_162 : memref<1x64x128xf32, #tpu.memory_space<vmem>> -> memref<64x128xf32, #tpu.memory_space<vmem>>
        %dma_wait3A_164 = arith.constant 0 : i32
        %dma_wait3A_165 = arith.constant 0 : i32
        %dma_wait3A_166 = tpu.memref_slice %dma_wait3A_163[%dma_wait3A_164, %dma_wait3A_165] : memref<64x128xf32, #tpu.memory_space<vmem>> -> memref<56x128xf32, #tpu.memory_space<vmem>>
        %dma_wait3A_167 = arith.constant 0 : i32
        %dma_wait3A_168 = tpu.memref_slice %arg24[%add3A_140, %dma_wait3A_167] : memref<10000x128xf32, #tpu.memory_space<vmem_shared>> -> memref<56x128xf32, #tpu.memory_space<vmem_shared>>
        %dma_wait3A_169 = arith.constant 0 : i32
        %dma_wait3A_170 = tpu.memref_slice %arg24[%add3A_140, %dma_wait3A_169] : memref<10000x128xf32, #tpu.memory_space<vmem_shared>> -> memref<56x128xf32, #tpu.memory_space<vmem_shared>>
        %dma_wait3A_171 = arith.constant 0 : i32
        %dma_wait3A_172 = arith.constant 0 : i32
        %dma_wait3A_173 = tpu.memref_slice %arg8[%run_scoped3A, %dma_wait3A_171, %dma_wait3A_172] : memref<4x64x128xf32, #tpu.memory_space<vmem>> -> memref<1x64x128xf32, #tpu.memory_space<vmem>>
        %dma_wait3A_174 = tpu.memref_squeeze %dma_wait3A_173 : memref<1x64x128xf32, #tpu.memory_space<vmem>> -> memref<64x128xf32, #tpu.memory_space<vmem>>
        %dma_wait3A_175 = arith.constant 0 : i32
        %dma_wait3A_176 = arith.constant 0 : i32
        %dma_wait3A_177 = tpu.memref_slice %dma_wait3A_174[%dma_wait3A_175, %dma_wait3A_176] : memref<64x128xf32, #tpu.memory_space<vmem>> -> memref<56x128xf32, #tpu.memory_space<vmem>>
        tpu.wait_dma2 semaphore(%run_scoped3A_141 : memref<!tpu.dma_semaphore, #tpu.memory_space<semaphore_mem>>) src(%dma_wait3A_177 : memref<56x128xf32, #tpu.memory_space<vmem>>) dst(%dma_wait3A_170 : memref<56x128xf32, #tpu.memory_space<vmem_shared>>)
        tpu.yield
      }) : () -> ()
    } else {
    }
    %ge3A = arith.constant 2 : i32
    %ge3A_21 = arith.cmpi sge, %arg1, %ge3A : i32
    %convert_element_type3A_22 = arith.extui %ge3A_21 : i1 to i32
    %cond3A_23 = arith.constant 0 : i32
    %cond3A_24 = arith.cmpi ne, %convert_element_type3A_22, %cond3A_23 : i32
    scf.if %cond3A_24 {
      %add3A_139 = arith.constant 576 : i32
      %add3A_140 = arith.addi %select_n3A, %add3A_139 : i32
      %run_scoped3A = arith.constant 0 : i32
      "tpu.region"() ({
        %run_scoped3A_141 = tpu.sem_alloc : memref<!tpu.dma_semaphore, #tpu.memory_space<semaphore_mem>>
        %dma_start3A_142 = arith.constant 0 : i32
        %dma_start3A_143 = arith.constant 0 : i32
        %dma_start3A_144 = tpu.memref_slice %arg8[%run_scoped3A, %dma_start3A_142, %dma_start3A_143] : memref<4x64x128xf32, #tpu.memory_space<vmem>> -> memref<1x64x128xf32, #tpu.memory_space<vmem>>
        %dma_start3A_145 = tpu.memref_squeeze %dma_start3A_144 : memref<1x64x128xf32, #tpu.memory_space<vmem>> -> memref<64x128xf32, #tpu.memory_space<vmem>>
        %dma_start3A_146 = arith.constant 0 : i32
        %dma_start3A_147 = arith.constant 0 : i32
        %dma_start3A_148 = tpu.memref_slice %dma_start3A_145[%dma_start3A_146, %dma_start3A_147] : memref<64x128xf32, #tpu.memory_space<vmem>> -> memref<48x128xf32, #tpu.memory_space<vmem>>
        %dma_start3A_149 = arith.constant 0 : i32
        %dma_start3A_150 = tpu.memref_slice %arg24[%add3A_140, %dma_start3A_149] : memref<10000x128xf32, #tpu.memory_space<vmem_shared>> -> memref<48x128xf32, #tpu.memory_space<vmem_shared>>
        %dma_start3A_151 = arith.constant 0 : i32
        %dma_start3A_152 = tpu.memref_slice %arg24[%add3A_140, %dma_start3A_151] : memref<10000x128xf32, #tpu.memory_space<vmem_shared>> -> memref<48x128xf32, #tpu.memory_space<vmem_shared>>
        %dma_start3A_153 = arith.constant 0 : i32
        %dma_start3A_154 = arith.constant 0 : i32
        %dma_start3A_155 = tpu.memref_slice %arg8[%run_scoped3A, %dma_start3A_153, %dma_start3A_154] : memref<4x64x128xf32, #tpu.memory_space<vmem>> -> memref<1x64x128xf32, #tpu.memory_space<vmem>>
        %dma_start3A_156 = tpu.memref_squeeze %dma_start3A_155 : memref<1x64x128xf32, #tpu.memory_space<vmem>> -> memref<64x128xf32, #tpu.memory_space<vmem>>
        %dma_start3A_157 = arith.constant 0 : i32
        %dma_start3A_158 = arith.constant 0 : i32
        %dma_start3A_159 = tpu.memref_slice %dma_start3A_156[%dma_start3A_157, %dma_start3A_158] : memref<64x128xf32, #tpu.memory_space<vmem>> -> memref<48x128xf32, #tpu.memory_space<vmem>>
        tpu.enqueue_dma source(%dma_start3A_159 : memref<48x128xf32, #tpu.memory_space<vmem>>) target(%dma_start3A_152 : memref<48x128xf32, #tpu.memory_space<vmem_shared>>) target_semaphore(%run_scoped3A_141 : memref<!tpu.dma_semaphore, #tpu.memory_space<semaphore_mem>>)
        %dma_wait3A_160 = arith.constant 0 : i32
        %dma_wait3A_161 = arith.constant 0 : i32
        %dma_wait3A_162 = tpu.memref_slice %arg8[%run_scoped3A, %dma_wait3A_160, %dma_wait3A_161] : memref<4x64x128xf32, #tpu.memory_space<vmem>> -> memref<1x64x128xf32, #tpu.memory_space<vmem>>
        %dma_wait3A_163 = tpu.memref_squeeze %dma_wait3A_162 : memref<1x64x128xf32, #tpu.memory_space<vmem>> -> memref<64x128xf32, #tpu.memory_space<vmem>>
        %dma_wait3A_164 = arith.constant 0 : i32
        %dma_wait3A_165 = arith.constant 0 : i32
        %dma_wait3A_166 = tpu.memref_slice %dma_wait3A_163[%dma_wait3A_164, %dma_wait3A_165] : memref<64x128xf32, #tpu.memory_space<vmem>> -> memref<48x128xf32, #tpu.memory_space<vmem>>
        %dma_wait3A_167 = arith.constant 0 : i32
        %dma_wait3A_168 = tpu.memref_slice %arg24[%add3A_140, %dma_wait3A_167] : memref<10000x128xf32, #tpu.memory_space<vmem_shared>> -> memref<48x128xf32, #tpu.memory_space<vmem_shared>>
        %dma_wait3A_169 = arith.constant 0 : i32
        %dma_wait3A_170 = tpu.memref_slice %arg24[%add3A_140, %dma_wait3A_169] : memref<10000x128xf32, #tpu.memory_space<vmem_shared>> -> memref<48x128xf32, #tpu.memory_space<vmem_shared>>
        %dma_wait3A_171 = arith.constant 0 : i32
        %dma_wait3A_172 = arith.constant 0 : i32
        %dma_wait3A_173 = tpu.memref_slice %arg8[%run_scoped3A, %dma_wait3A_171, %dma_wait3A_172] : memref<4x64x128xf32, #tpu.memory_space<vmem>> -> memref<1x64x128xf32, #tpu.memory_space<vmem>>
        %dma_wait3A_174 = tpu.memref_squeeze %dma_wait3A_173 : memref<1x64x128xf32, #tpu.memory_space<vmem>> -> memref<64x128xf32, #tpu.memory_space<vmem>>
        %dma_wait3A_175 = arith.constant 0 : i32
        %dma_wait3A_176 = arith.constant 0 : i32
        %dma_wait3A_177 = tpu.memref_slice %dma_wait3A_174[%dma_wait3A_175, %dma_wait3A_176] : memref<64x128xf32, #tpu.memory_space<vmem>> -> memref<48x128xf32, #tpu.memory_space<vmem>>
        tpu.wait_dma2 semaphore(%run_scoped3A_141 : memref<!tpu.dma_semaphore, #tpu.memory_space<semaphore_mem>>) src(%dma_wait3A_177 : memref<48x128xf32, #tpu.memory_space<vmem>>) dst(%dma_wait3A_170 : memref<48x128xf32, #tpu.memory_space<vmem_shared>>)
        tpu.yield
      }) : () -> ()
    } else {
    }
    %barrier3A = arith.constant 0 : index
    tpu.barrier barrier_id(%barrier3A)
    %mul3A_25 = arith.constant 10000 : i32
    %mul3A_26 = arith.muli %add3A, %mul3A_25 : i32
    %add3A_27 = arith.constant 0 : i32
    %add3A_28 = arith.addi %mul3A_26, %add3A_27 : i32
    %dma_start3A = arith.constant 0 : i32
    %dma_start3A_29 = arith.constant 0 : i32
    %dma_start3A_30 = tpu.memref_slice %arg6[%dma_start3A, %dma_start3A_29] : memref<4x64xi32, #tpu.memory_space<vmem>> -> memref<1x64xi32, #tpu.memory_space<vmem>>
    %dma_start3A_31 = tpu.memref_squeeze %dma_start3A_30 : memref<1x64xi32, #tpu.memory_space<vmem>> -> memref<64xi32, #tpu.memory_space<vmem>>
    %dma_start3A_32 = tpu.memref_slice %arg3[%add3A_28] : memref<320000xi32, #tpu.memory_space<hbm>> -> memref<64xi32, #tpu.memory_space<hbm>>
    %dma_start3A_33 = arith.constant 0 : i32
    %dma_start3A_34 = tpu.memref_slice %arg6[%dma_start3A, %dma_start3A_33] : memref<4x64xi32, #tpu.memory_space<vmem>> -> memref<1x64xi32, #tpu.memory_space<vmem>>
    %dma_start3A_35 = tpu.memref_squeeze %dma_start3A_34 : memref<1x64xi32, #tpu.memory_space<vmem>> -> memref<64xi32, #tpu.memory_space<vmem>>
    %dma_start3A_36 = tpu.memref_slice %arg3[%add3A_28] : memref<320000xi32, #tpu.memory_space<hbm>> -> memref<64xi32, #tpu.memory_space<hbm>>
    tpu.enqueue_dma source(%dma_start3A_36 : memref<64xi32, #tpu.memory_space<hbm>>) target(%dma_start3A_35 : memref<64xi32, #tpu.memory_space<vmem>>) target_semaphore(%arg16 : memref<!tpu.dma_semaphore, #tpu.memory_space<semaphore_mem>>)
    %dma_start3A_37 = arith.constant 0 : i32
    %dma_start3A_38 = arith.constant 0 : i32
    %dma_start3A_39 = tpu.memref_slice %arg7[%dma_start3A_37, %dma_start3A_38] : memref<4x64xi32, #tpu.memory_space<vmem>> -> memref<1x64xi32, #tpu.memory_space<vmem>>
    %dma_start3A_40 = tpu.memref_squeeze %dma_start3A_39 : memref<1x64xi32, #tpu.memory_space<vmem>> -> memref<64xi32, #tpu.memory_space<vmem>>
    %dma_start3A_41 = tpu.memref_slice %arg4[%add3A_28] : memref<320000xi32, #tpu.memory_space<hbm>> -> memref<64xi32, #tpu.memory_space<hbm>>
    %dma_start3A_42 = arith.constant 0 : i32
    %dma_start3A_43 = tpu.memref_slice %arg7[%dma_start3A_37, %dma_start3A_42] : memref<4x64xi32, #tpu.memory_space<vmem>> -> memref<1x64xi32, #tpu.memory_space<vmem>>
    %dma_start3A_44 = tpu.memref_squeeze %dma_start3A_43 : memref<1x64xi32, #tpu.memory_space<vmem>> -> memref<64xi32, #tpu.memory_space<vmem>>
    %dma_start3A_45 = tpu.memref_slice %arg4[%add3A_28] : memref<320000xi32, #tpu.memory_space<hbm>> -> memref<64xi32, #tpu.memory_space<hbm>>
    tpu.enqueue_dma source(%dma_start3A_45 : memref<64xi32, #tpu.memory_space<hbm>>) target(%dma_start3A_44 : memref<64xi32, #tpu.memory_space<vmem>>) target_semaphore(%arg16 : memref<!tpu.dma_semaphore, #tpu.memory_space<semaphore_mem>>)
    %add3A_46 = arith.constant 64 : i32
    %add3A_47 = arith.addi %mul3A_26, %add3A_46 : i32
    %dma_start3A_48 = arith.constant 1 : i32
    %dma_start3A_49 = arith.constant 0 : i32
    %dma_start3A_50 = tpu.memref_slice %arg6[%dma_start3A_48, %dma_start3A_49] : memref<4x64xi32, #tpu.memory_space<vmem>> -> memref<1x64xi32, #tpu.memory_space<vmem>>
    %dma_start3A_51 = tpu.memref_squeeze %dma_start3A_50 : memref<1x64xi32, #tpu.memory_space<vmem>> -> memref<64xi32, #tpu.memory_space<vmem>>
    %dma_start3A_52 = tpu.memref_slice %arg3[%add3A_47] : memref<320000xi32, #tpu.memory_space<hbm>> -> memref<64xi32, #tpu.memory_space<hbm>>
    %dma_start3A_53 = arith.constant 0 : i32
    %dma_start3A_54 = tpu.memref_slice %arg6[%dma_start3A_48, %dma_start3A_53] : memref<4x64xi32, #tpu.memory_space<vmem>> -> memref<1x64xi32, #tpu.memory_space<vmem>>
    %dma_start3A_55 = tpu.memref_squeeze %dma_start3A_54 : memref<1x64xi32, #tpu.memory_space<vmem>> -> memref<64xi32, #tpu.memory_space<vmem>>
    %dma_start3A_56 = tpu.memref_slice %arg3[%add3A_47] : memref<320000xi32, #tpu.memory_space<hbm>> -> memref<64xi32, #tpu.memory_space<hbm>>
    tpu.enqueue_dma source(%dma_start3A_56 : memref<64xi32, #tpu.memory_space<hbm>>) target(%dma_start3A_55 : memref<64xi32, #tpu.memory_space<vmem>>) target_semaphore(%arg17 : memref<!tpu.dma_semaphore, #tpu.memory_space<semaphore_mem>>)
    %dma_start3A_57 = arith.constant 1 : i32
    %dma_start3A_58 = arith.constant 0 : i32
    %dma_start3A_59 = tpu.memref_slice %arg7[%dma_start3A_57, %dma_start3A_58] : memref<4x64xi32, #tpu.memory_space<vmem>> -> memref<1x64xi32, #tpu.memory_space<vmem>>
    %dma_start3A_60 = tpu.memref_squeeze %dma_start3A_59 : memref<1x64xi32, #tpu.memory_space<vmem>> -> memref<64xi32, #tpu.memory_space<vmem>>
    %dma_start3A_61 = tpu.memref_slice %arg4[%add3A_47] : memref<320000xi32, #tpu.memory_space<hbm>> -> memref<64xi32, #tpu.memory_space<hbm>>
    %dma_start3A_62 = arith.constant 0 : i32
    %dma_start3A_63 = tpu.memref_slice %arg7[%dma_start3A_57, %dma_start3A_62] : memref<4x64xi32, #tpu.memory_space<vmem>> -> memref<1x64xi32, #tpu.memory_space<vmem>>
    %dma_start3A_64 = tpu.memref_squeeze %dma_start3A_63 : memref<1x64xi32, #tpu.memory_space<vmem>> -> memref<64xi32, #tpu.memory_space<vmem>>
    %dma_start3A_65 = tpu.memref_slice %arg4[%add3A_47] : memref<320000xi32, #tpu.memory_space<hbm>> -> memref<64xi32, #tpu.memory_space<hbm>>
    tpu.enqueue_dma source(%dma_start3A_65 : memref<64xi32, #tpu.memory_space<hbm>>) target(%dma_start3A_64 : memref<64xi32, #tpu.memory_space<vmem>>) target_semaphore(%arg17 : memref<!tpu.dma_semaphore, #tpu.memory_space<semaphore_mem>>)
    %add3A_66 = arith.constant 0 : i32
    %add3A_67 = arith.addi %mul3A_26, %add3A_66 : i32
    %dma_wait3A = arith.constant 0 : i32
    %dma_wait3A_68 = arith.constant 0 : i32
    %dma_wait3A_69 = tpu.memref_slice %arg6[%dma_wait3A, %dma_wait3A_68] : memref<4x64xi32, #tpu.memory_space<vmem>> -> memref<1x64xi32, #tpu.memory_space<vmem>>
    %dma_wait3A_70 = tpu.memref_squeeze %dma_wait3A_69 : memref<1x64xi32, #tpu.memory_space<vmem>> -> memref<64xi32, #tpu.memory_space<vmem>>
    %dma_wait3A_71 = tpu.memref_slice %arg3[%add3A_67] : memref<320000xi32, #tpu.memory_space<hbm>> -> memref<64xi32, #tpu.memory_space<hbm>>
    %dma_wait3A_72 = arith.constant 0 : i32
    %dma_wait3A_73 = tpu.memref_slice %arg6[%dma_wait3A, %dma_wait3A_72] : memref<4x64xi32, #tpu.memory_space<vmem>> -> memref<1x64xi32, #tpu.memory_space<vmem>>
    %dma_wait3A_74 = tpu.memref_squeeze %dma_wait3A_73 : memref<1x64xi32, #tpu.memory_space<vmem>> -> memref<64xi32, #tpu.memory_space<vmem>>
    %dma_wait3A_75 = tpu.memref_slice %arg3[%add3A_67] : memref<320000xi32, #tpu.memory_space<hbm>> -> memref<64xi32, #tpu.memory_space<hbm>>
    tpu.wait_dma2 semaphore(%arg16 : memref<!tpu.dma_semaphore, #tpu.memory_space<semaphore_mem>>) src(%dma_wait3A_75 : memref<64xi32, #tpu.memory_space<hbm>>) dst(%dma_wait3A_74 : memref<64xi32, #tpu.memory_space<vmem>>)
    %dma_wait3A_76 = arith.constant 0 : i32
    %dma_wait3A_77 = arith.constant 0 : i32
    %dma_wait3A_78 = tpu.memref_slice %arg7[%dma_wait3A_76, %dma_wait3A_77] : memref<4x64xi32, #tpu.memory_space<vmem>> -> memref<1x64xi32, #tpu.memory_space<vmem>>
    %dma_wait3A_79 = tpu.memref_squeeze %dma_wait3A_78 : memref<1x64xi32, #tpu.memory_space<vmem>> -> memref<64xi32, #tpu.memory_space<vmem>>
    %dma_wait3A_80 = tpu.memref_slice %arg4[%add3A_67] : memref<320000xi32, #tpu.memory_space<hbm>> -> memref<64xi32, #tpu.memory_space<hbm>>
    %dma_wait3A_81 = arith.constant 0 : i32
    %dma_wait3A_82 = tpu.memref_slice %arg7[%dma_wait3A_76, %dma_wait3A_81] : memref<4x64xi32, #tpu.memory_space<vmem>> -> memref<1x64xi32, #tpu.memory_space<vmem>>
    %dma_wait3A_83 = tpu.memref_squeeze %dma_wait3A_82 : memref<1x64xi32, #tpu.memory_space<vmem>> -> memref<64xi32, #tpu.memory_space<vmem>>
    %dma_wait3A_84 = tpu.memref_slice %arg4[%add3A_67] : memref<320000xi32, #tpu.memory_space<hbm>> -> memref<64xi32, #tpu.memory_space<hbm>>
    tpu.wait_dma2 semaphore(%arg16 : memref<!tpu.dma_semaphore, #tpu.memory_space<semaphore_mem>>) src(%dma_wait3A_84 : memref<64xi32, #tpu.memory_space<hbm>>) dst(%dma_wait3A_83 : memref<64xi32, #tpu.memory_space<vmem>>)
    %dma_start3A_85 = arith.constant 0 : i32
    %dma_start3A_86 = arith.constant 0 : i32
    %dma_start3A_87 = arith.constant 0 : i32
    %dma_start3A_88 = arith.constant 0 : i32
    %dma_start3A_89 = tpu.memref_slice %arg8[%dma_start3A_86, %dma_start3A_87, %dma_start3A_88] : memref<4x64x128xf32, #tpu.memory_space<vmem>> -> memref<1x64x128xf32, #tpu.memory_space<vmem>>
    %dma_start3A_90 = tpu.memref_squeeze %dma_start3A_89 : memref<1x64x128xf32, #tpu.memory_space<vmem>> -> memref<64x128xf32, #tpu.memory_space<vmem>>
    %dma_start3A_91 = arith.constant 0 : i32
    %dma_start3A_92 = tpu.memref_slice %arg6[%dma_start3A_85, %dma_start3A_91] : memref<4x64xi32, #tpu.memory_space<vmem>> -> memref<1x64xi32, #tpu.memory_space<vmem>>
    %dma_start3A_93 = tpu.memref_squeeze %dma_start3A_92 : memref<1x64xi32, #tpu.memory_space<vmem>> -> memref<64xi32, #tpu.memory_space<vmem>>
    %dma_start3A_94 = arith.constant 0 : i32
    %dma_start3A_95 = arith.constant 0 : i32
    %dma_start3A_96 = tpu.memref_slice %arg2[%dma_start3A_94, %dma_start3A_95] : memref<10000x128xf32, #tpu.memory_space<hbm>> -> memref<10000x128xf32, #tpu.memory_space<hbm>>
    tpu.enqueue_indirect_dma source(%dma_start3A_96 : memref<10000x128xf32, #tpu.memory_space<hbm>>) target(%dma_start3A_90 : memref<64x128xf32, #tpu.memory_space<vmem>>) offsets(%dma_start3A_93 : memref<64xi32, #tpu.memory_space<vmem>>) semaphore(%arg12 : memref<!tpu.dma_semaphore, #tpu.memory_space<semaphore_mem>>)
    %scan3A_97 = arith.constant 0 : i32
    %scan3A_98 = arith.constant 39 : i32
    %scan3A_99 = arith.addi %scan3A_97, %scan3A_98 : i32
    %scan3A_100 = arith.constant 1 : i32
    scf.for %scan3A_139 = %scan3A_97 to %scan3A_99 step %scan3A_100  : i32 {
      %mul3A_140 = arith.constant 1 : i32
      %mul3A_141 = arith.muli %scan3A_139, %mul3A_140 : i32
      %add3A_142 = arith.constant 0 : i32
      %add3A_143 = arith.addi %add3A_142, %mul3A_141 : i32
      %mul3A_144 = arith.constant 4 : i32
      %mul3A_145 = arith.muli %mul3A_144, %add3A_143 : i32
      %add3A_146 = arith.constant 0 : i32
      %add3A_147 = arith.addi %mul3A_145, %add3A_146 : i32
      %ge3A_148 = arith.constant 2 : i32
      %ge3A_149 = arith.cmpi sge, %add3A_147, %ge3A_148 : i32
      %convert_element_type3A_150 = arith.extui %ge3A_149 : i1 to i32
      %cond3A_151 = arith.constant 0 : i32
      %cond3A_152 = arith.cmpi ne, %convert_element_type3A_150, %cond3A_151 : i32
      scf.if %cond3A_152 {
        %dma_wait3A_332 = arith.constant 2 : i32
        %dma_wait3A_333 = arith.constant 2 : i32
        %dma_wait3A_334 = arith.constant 0 : i32
        %dma_wait3A_335 = arith.constant 0 : i32
        %dma_wait3A_336 = tpu.memref_slice %arg8[%dma_wait3A_332, %dma_wait3A_334, %dma_wait3A_335] : memref<4x64x128xf32, #tpu.memory_space<vmem>> -> memref<1x64x128xf32, #tpu.memory_space<vmem>>
        %dma_wait3A_337 = tpu.memref_squeeze %dma_wait3A_336 : memref<1x64x128xf32, #tpu.memory_space<vmem>> -> memref<64x128xf32, #tpu.memory_space<vmem>>
        %dma_wait3A_338 = arith.constant 0 : i32
        %dma_wait3A_339 = tpu.memref_slice %arg7[%dma_wait3A_333, %dma_wait3A_338] : memref<4x64xi32, #tpu.memory_space<vmem>> -> memref<1x64xi32, #tpu.memory_space<vmem>>
        %dma_wait3A_340 = tpu.memref_squeeze %dma_wait3A_339 : memref<1x64xi32, #tpu.memory_space<vmem>> -> memref<64xi32, #tpu.memory_space<vmem>>
        %dma_wait3A_341 = arith.constant 0 : i32
        %dma_wait3A_342 = arith.constant 0 : i32
        %dma_wait3A_343 = tpu.memref_slice %arg24[%dma_wait3A_341, %dma_wait3A_342] : memref<10000x128xf32, #tpu.memory_space<vmem_shared>> -> memref<10000x128xf32, #tpu.memory_space<vmem_shared>>
        tpu.wait_indirect_dma semaphore(%arg22 : memref<!tpu.dma_semaphore, #tpu.memory_space<semaphore_mem>>) src(%dma_wait3A_337 : memref<64x128xf32, #tpu.memory_space<vmem>>) dst(%dma_wait3A_343 : memref<10000x128xf32, #tpu.memory_space<vmem_shared>>)
      } else {
      }
      %add3A_153 = arith.constant 2 : i32
      %add3A_154 = arith.addi %add3A_147, %add3A_153 : i32
      %lt3A_155 = arith.constant 156 : i32
      %lt3A_156 = arith.cmpi slt, %add3A_154, %lt3A_155 : i32
      %convert_element_type3A_157 = arith.extui %lt3A_156 : i1 to i32
      %cond3A_158 = arith.constant 0 : i32
      %cond3A_159 = arith.cmpi ne, %convert_element_type3A_157, %cond3A_158 : i32
      scf.if %cond3A_159 {
        %add3A_332 = arith.constant 2 : i32
        %add3A_333 = arith.addi %add3A_147, %add3A_332 : i32
        %mul3A_334 = arith.constant 64 : i32
        %mul3A_335 = arith.muli %add3A_333, %mul3A_334 : i32
        %add3A_336 = arith.addi %mul3A_26, %mul3A_335 : i32
        %dma_start3A_337 = arith.constant 2 : i32
        %dma_start3A_338 = arith.constant 0 : i32
        %dma_start3A_339 = tpu.memref_slice %arg6[%dma_start3A_337, %dma_start3A_338] : memref<4x64xi32, #tpu.memory_space<vmem>> -> memref<1x64xi32, #tpu.memory_space<vmem>>
        %dma_start3A_340 = tpu.memref_squeeze %dma_start3A_339 : memref<1x64xi32, #tpu.memory_space<vmem>> -> memref<64xi32, #tpu.memory_space<vmem>>
        %dma_start3A_341 = tpu.memref_slice %arg3[%add3A_336] : memref<320000xi32, #tpu.memory_space<hbm>> -> memref<64xi32, #tpu.memory_space<hbm>>
        %dma_start3A_342 = arith.constant 0 : i32
        %dma_start3A_343 = tpu.memref_slice %arg6[%dma_start3A_337, %dma_start3A_342] : memref<4x64xi32, #tpu.memory_space<vmem>> -> memref<1x64xi32, #tpu.memory_space<vmem>>
        %dma_start3A_344 = tpu.memref_squeeze %dma_start3A_343 : memref<1x64xi32, #tpu.memory_space<vmem>> -> memref<64xi32, #tpu.memory_space<vmem>>
        %dma_start3A_345 = tpu.memref_slice %arg3[%add3A_336] : memref<320000xi32, #tpu.memory_space<hbm>> -> memref<64xi32, #tpu.memory_space<hbm>>
        tpu.enqueue_dma source(%dma_start3A_345 : memref<64xi32, #tpu.memory_space<hbm>>) target(%dma_start3A_344 : memref<64xi32, #tpu.memory_space<vmem>>) target_semaphore(%arg18 : memref<!tpu.dma_semaphore, #tpu.memory_space<semaphore_mem>>)
        %dma_start3A_346 = arith.constant 2 : i32
        %dma_start3A_347 = arith.constant 0 : i32
        %dma_start3A_348 = tpu.memref_slice %arg7[%dma_start3A_346, %dma_start3A_347] : memref<4x64xi32, #tpu.memory_space<vmem>> -> memref<1x64xi32, #tpu.memory_space<vmem>>
        %dma_start3A_349 = tpu.memref_squeeze %dma_start3A_348 : memref<1x64xi32, #tpu.memory_space<vmem>> -> memref<64xi32, #tpu.memory_space<vmem>>
        %dma_start3A_350 = tpu.memref_slice %arg4[%add3A_336] : memref<320000xi32, #tpu.memory_space<hbm>> -> memref<64xi32, #tpu.memory_space<hbm>>
        %dma_start3A_351 = arith.constant 0 : i32
        %dma_start3A_352 = tpu.memref_slice %arg7[%dma_start3A_346, %dma_start3A_351] : memref<4x64xi32, #tpu.memory_space<vmem>> -> memref<1x64xi32, #tpu.memory_space<vmem>>
        %dma_start3A_353 = tpu.memref_squeeze %dma_start3A_352 : memref<1x64xi32, #tpu.memory_space<vmem>> -> memref<64xi32, #tpu.memory_space<vmem>>
        %dma_start3A_354 = tpu.memref_slice %arg4[%add3A_336] : memref<320000xi32, #tpu.memory_space<hbm>> -> memref<64xi32, #tpu.memory_space<hbm>>
        tpu.enqueue_dma source(%dma_start3A_354 : memref<64xi32, #tpu.memory_space<hbm>>) target(%dma_start3A_353 : memref<64xi32, #tpu.memory_space<vmem>>) target_semaphore(%arg18 : memref<!tpu.dma_semaphore, #tpu.memory_space<semaphore_mem>>)
      } else {
      }
      %add3A_160 = arith.constant 1 : i32
      %add3A_161 = arith.addi %add3A_147, %add3A_160 : i32
      %lt3A_162 = arith.constant 156 : i32
      %lt3A_163 = arith.cmpi slt, %add3A_161, %lt3A_162 : i32
      %convert_element_type3A_164 = arith.extui %lt3A_163 : i1 to i32
      %cond3A_165 = arith.constant 0 : i32
      %cond3A_166 = arith.cmpi ne, %convert_element_type3A_164, %cond3A_165 : i32
      scf.if %cond3A_166 {
        %add3A_332 = arith.constant 1 : i32
        %add3A_333 = arith.addi %add3A_147, %add3A_332 : i32
        %mul3A_334 = arith.constant 64 : i32
        %mul3A_335 = arith.muli %add3A_333, %mul3A_334 : i32
        %add3A_336 = arith.addi %mul3A_26, %mul3A_335 : i32
        %dma_wait3A_337 = arith.constant 1 : i32
        %dma_wait3A_338 = arith.constant 0 : i32
        %dma_wait3A_339 = tpu.memref_slice %arg6[%dma_wait3A_337, %dma_wait3A_338] : memref<4x64xi32, #tpu.memory_space<vmem>> -> memref<1x64xi32, #tpu.memory_space<vmem>>
        %dma_wait3A_340 = tpu.memref_squeeze %dma_wait3A_339 : memref<1x64xi32, #tpu.memory_space<vmem>> -> memref<64xi32, #tpu.memory_space<vmem>>
        %dma_wait3A_341 = tpu.memref_slice %arg3[%add3A_336] : memref<320000xi32, #tpu.memory_space<hbm>> -> memref<64xi32, #tpu.memory_space<hbm>>
        %dma_wait3A_342 = arith.constant 0 : i32
        %dma_wait3A_343 = tpu.memref_slice %arg6[%dma_wait3A_337, %dma_wait3A_342] : memref<4x64xi32, #tpu.memory_space<vmem>> -> memref<1x64xi32, #tpu.memory_space<vmem>>
        %dma_wait3A_344 = tpu.memref_squeeze %dma_wait3A_343 : memref<1x64xi32, #tpu.memory_space<vmem>> -> memref<64xi32, #tpu.memory_space<vmem>>
        %dma_wait3A_345 = tpu.memref_slice %arg3[%add3A_336] : memref<320000xi32, #tpu.memory_space<hbm>> -> memref<64xi32, #tpu.memory_space<hbm>>
        tpu.wait_dma2 semaphore(%arg17 : memref<!tpu.dma_semaphore, #tpu.memory_space<semaphore_mem>>) src(%dma_wait3A_345 : memref<64xi32, #tpu.memory_space<hbm>>) dst(%dma_wait3A_344 : memref<64xi32, #tpu.memory_space<vmem>>)
        %dma_wait3A_346 = arith.constant 1 : i32
        %dma_wait3A_347 = arith.constant 0 : i32
        %dma_wait3A_348 = tpu.memref_slice %arg7[%dma_wait3A_346, %dma_wait3A_347] : memref<4x64xi32, #tpu.memory_space<vmem>> -> memref<1x64xi32, #tpu.memory_space<vmem>>
        %dma_wait3A_349 = tpu.memref_squeeze %dma_wait3A_348 : memref<1x64xi32, #tpu.memory_space<vmem>> -> memref<64xi32, #tpu.memory_space<vmem>>
        %dma_wait3A_350 = tpu.memref_slice %arg4[%add3A_336] : memref<320000xi32, #tpu.memory_space<hbm>> -> memref<64xi32, #tpu.memory_space<hbm>>
        %dma_wait3A_351 = arith.constant 0 : i32
        %dma_wait3A_352 = tpu.memref_slice %arg7[%dma_wait3A_346, %dma_wait3A_351] : memref<4x64xi32, #tpu.memory_space<vmem>> -> memref<1x64xi32, #tpu.memory_space<vmem>>
        %dma_wait3A_353 = tpu.memref_squeeze %dma_wait3A_352 : memref<1x64xi32, #tpu.memory_space<vmem>> -> memref<64xi32, #tpu.memory_space<vmem>>
        %dma_wait3A_354 = tpu.memref_slice %arg4[%add3A_336] : memref<320000xi32, #tpu.memory_space<hbm>> -> memref<64xi32, #tpu.memory_space<hbm>>
        tpu.wait_dma2 semaphore(%arg17 : memref<!tpu.dma_semaphore, #tpu.memory_space<semaphore_mem>>) src(%dma_wait3A_354 : memref<64xi32, #tpu.memory_space<hbm>>) dst(%dma_wait3A_353 : memref<64xi32, #tpu.memory_space<vmem>>)
        %dma_start3A_355 = arith.constant 1 : i32
        %dma_start3A_356 = arith.constant 1 : i32
        %dma_start3A_357 = arith.constant 0 : i32
        %dma_start3A_358 = arith.constant 0 : i32
        %dma_start3A_359 = tpu.memref_slice %arg8[%dma_start3A_356, %dma_start3A_357, %dma_start3A_358] : memref<4x64x128xf32, #tpu.memory_space<vmem>> -> memref<1x64x128xf32, #tpu.memory_space<vmem>>
        %dma_start3A_360 = tpu.memref_squeeze %dma_start3A_359 : memref<1x64x128xf32, #tpu.memory_space<vmem>> -> memref<64x128xf32, #tpu.memory_space<vmem>>
        %dma_start3A_361 = arith.constant 0 : i32
        %dma_start3A_362 = tpu.memref_slice %arg6[%dma_start3A_355, %dma_start3A_361] : memref<4x64xi32, #tpu.memory_space<vmem>> -> memref<1x64xi32, #tpu.memory_space<vmem>>
        %dma_start3A_363 = tpu.memref_squeeze %dma_start3A_362 : memref<1x64xi32, #tpu.memory_space<vmem>> -> memref<64xi32, #tpu.memory_space<vmem>>
        %dma_start3A_364 = arith.constant 0 : i32
        %dma_start3A_365 = arith.constant 0 : i32
        %dma_start3A_366 = tpu.memref_slice %arg2[%dma_start3A_364, %dma_start3A_365] : memref<10000x128xf32, #tpu.memory_space<hbm>> -> memref<10000x128xf32, #tpu.memory_space<hbm>>
        tpu.enqueue_indirect_dma source(%dma_start3A_366 : memref<10000x128xf32, #tpu.memory_space<hbm>>) target(%dma_start3A_360 : memref<64x128xf32, #tpu.memory_space<vmem>>) offsets(%dma_start3A_363 : memref<64xi32, #tpu.memory_space<vmem>>) semaphore(%arg13 : memref<!tpu.dma_semaphore, #tpu.memory_space<semaphore_mem>>)
      } else {
      }
      %dma_wait3A_167 = arith.constant 0 : i32
      %dma_wait3A_168 = arith.constant 0 : i32
      %dma_wait3A_169 = arith.constant 0 : i32
      %dma_wait3A_170 = arith.constant 0 : i32
      %dma_wait3A_171 = tpu.memref_slice %arg8[%dma_wait3A_168, %dma_wait3A_169, %dma_wait3A_170] : memref<4x64x128xf32, #tpu.memory_space<vmem>> -> memref<1x64x128xf32, #tpu.memory_space<vmem>>
      %dma_wait3A_172 = tpu.memref_squeeze %dma_wait3A_171 : memref<1x64x128xf32, #tpu.memory_space<vmem>> -> memref<64x128xf32, #tpu.memory_space<vmem>>
      %dma_wait3A_173 = arith.constant 0 : i32
      %dma_wait3A_174 = tpu.memref_slice %arg6[%dma_wait3A_167, %dma_wait3A_173] : memref<4x64xi32, #tpu.memory_space<vmem>> -> memref<1x64xi32, #tpu.memory_space<vmem>>
      %dma_wait3A_175 = tpu.memref_squeeze %dma_wait3A_174 : memref<1x64xi32, #tpu.memory_space<vmem>> -> memref<64xi32, #tpu.memory_space<vmem>>
      %dma_wait3A_176 = arith.constant 0 : i32
      %dma_wait3A_177 = arith.constant 0 : i32
      %dma_wait3A_178 = tpu.memref_slice %arg2[%dma_wait3A_176, %dma_wait3A_177] : memref<10000x128xf32, #tpu.memory_space<hbm>> -> memref<10000x128xf32, #tpu.memory_space<hbm>>
      tpu.wait_indirect_dma semaphore(%arg12 : memref<!tpu.dma_semaphore, #tpu.memory_space<semaphore_mem>>) src(%dma_wait3A_178 : memref<10000x128xf32, #tpu.memory_space<hbm>>) dst(%dma_wait3A_172 : memref<64x128xf32, #tpu.memory_space<vmem>>)
      %dma_start3A_179 = arith.constant 0 : i32
      %dma_start3A_180 = arith.constant 0 : i32
      %dma_start3A_181 = arith.constant 0 : i32
      %dma_start3A_182 = arith.constant 0 : i32
      %dma_start3A_183 = tpu.memref_slice %arg8[%dma_start3A_179, %dma_start3A_181, %dma_start3A_182] : memref<4x64x128xf32, #tpu.memory_space<vmem>> -> memref<1x64x128xf32, #tpu.memory_space<vmem>>
      %dma_start3A_184 = tpu.memref_squeeze %dma_start3A_183 : memref<1x64x128xf32, #tpu.memory_space<vmem>> -> memref<64x128xf32, #tpu.memory_space<vmem>>
      %dma_start3A_185 = arith.constant 0 : i32
      %dma_start3A_186 = tpu.memref_slice %arg7[%dma_start3A_180, %dma_start3A_185] : memref<4x64xi32, #tpu.memory_space<vmem>> -> memref<1x64xi32, #tpu.memory_space<vmem>>
      %dma_start3A_187 = tpu.memref_squeeze %dma_start3A_186 : memref<1x64xi32, #tpu.memory_space<vmem>> -> memref<64xi32, #tpu.memory_space<vmem>>
      %dma_start3A_188 = arith.constant 0 : i32
      %dma_start3A_189 = arith.constant 0 : i32
      %dma_start3A_190 = tpu.memref_slice %arg24[%dma_start3A_188, %dma_start3A_189] : memref<10000x128xf32, #tpu.memory_space<vmem_shared>> -> memref<10000x128xf32, #tpu.memory_space<vmem_shared>>
      tpu.enqueue_indirect_dma source(%dma_start3A_184 : memref<64x128xf32, #tpu.memory_space<vmem>>) target(%dma_start3A_190 : memref<10000x128xf32, #tpu.memory_space<vmem_shared>>) offsets(%dma_start3A_187 : memref<64xi32, #tpu.memory_space<vmem>>) semaphore(%arg20 : memref<!tpu.dma_semaphore, #tpu.memory_space<semaphore_mem>>) {add = true}
      %mul3A_191 = arith.constant 4 : i32
      %mul3A_192 = arith.muli %mul3A_191, %add3A_143 : i32
      %add3A_193 = arith.constant 1 : i32
      %add3A_194 = arith.addi %mul3A_192, %add3A_193 : i32
      %ge3A_195 = arith.constant 2 : i32
      %ge3A_196 = arith.cmpi sge, %add3A_194, %ge3A_195 : i32
      %convert_element_type3A_197 = arith.extui %ge3A_196 : i1 to i32
      %cond3A_198 = arith.constant 0 : i32
      %cond3A_199 = arith.cmpi ne, %convert_element_type3A_197, %cond3A_198 : i32
      scf.if %cond3A_199 {
        %dma_wait3A_332 = arith.constant 3 : i32
        %dma_wait3A_333 = arith.constant 3 : i32
        %dma_wait3A_334 = arith.constant 0 : i32
        %dma_wait3A_335 = arith.constant 0 : i32
        %dma_wait3A_336 = tpu.memref_slice %arg8[%dma_wait3A_332, %dma_wait3A_334, %dma_wait3A_335] : memref<4x64x128xf32, #tpu.memory_space<vmem>> -> memref<1x64x128xf32, #tpu.memory_space<vmem>>
        %dma_wait3A_337 = tpu.memref_squeeze %dma_wait3A_336 : memref<1x64x128xf32, #tpu.memory_space<vmem>> -> memref<64x128xf32, #tpu.memory_space<vmem>>
        %dma_wait3A_338 = arith.constant 0 : i32
        %dma_wait3A_339 = tpu.memref_slice %arg7[%dma_wait3A_333, %dma_wait3A_338] : memref<4x64xi32, #tpu.memory_space<vmem>> -> memref<1x64xi32, #tpu.memory_space<vmem>>
        %dma_wait3A_340 = tpu.memref_squeeze %dma_wait3A_339 : memref<1x64xi32, #tpu.memory_space<vmem>> -> memref<64xi32, #tpu.memory_space<vmem>>
        %dma_wait3A_341 = arith.constant 0 : i32
        %dma_wait3A_342 = arith.constant 0 : i32
        %dma_wait3A_343 = tpu.memref_slice %arg24[%dma_wait3A_341, %dma_wait3A_342] : memref<10000x128xf32, #tpu.memory_space<vmem_shared>> -> memref<10000x128xf32, #tpu.memory_space<vmem_shared>>
        tpu.wait_indirect_dma semaphore(%arg23 : memref<!tpu.dma_semaphore, #tpu.memory_space<semaphore_mem>>) src(%dma_wait3A_337 : memref<64x128xf32, #tpu.memory_space<vmem>>) dst(%dma_wait3A_343 : memref<10000x128xf32, #tpu.memory_space<vmem_shared>>)
      } else {
      }
      %add3A_200 = arith.constant 2 : i32
      %add3A_201 = arith.addi %add3A_194, %add3A_200 : i32
      %lt3A_202 = arith.constant 156 : i32
      %lt3A_203 = arith.cmpi slt, %add3A_201, %lt3A_202 : i32
      %convert_element_type3A_204 = arith.extui %lt3A_203 : i1 to i32
      %cond3A_205 = arith.constant 0 : i32
      %cond3A_206 = arith.cmpi ne, %convert_element_type3A_204, %cond3A_205 : i32
      scf.if %cond3A_206 {
        %add3A_332 = arith.constant 2 : i32
        %add3A_333 = arith.addi %add3A_194, %add3A_332 : i32
        %mul3A_334 = arith.constant 64 : i32
        %mul3A_335 = arith.muli %add3A_333, %mul3A_334 : i32
        %add3A_336 = arith.addi %mul3A_26, %mul3A_335 : i32
        %dma_start3A_337 = arith.constant 3 : i32
        %dma_start3A_338 = arith.constant 0 : i32
        %dma_start3A_339 = tpu.memref_slice %arg6[%dma_start3A_337, %dma_start3A_338] : memref<4x64xi32, #tpu.memory_space<vmem>> -> memref<1x64xi32, #tpu.memory_space<vmem>>
        %dma_start3A_340 = tpu.memref_squeeze %dma_start3A_339 : memref<1x64xi32, #tpu.memory_space<vmem>> -> memref<64xi32, #tpu.memory_space<vmem>>
        %dma_start3A_341 = tpu.memref_slice %arg3[%add3A_336] : memref<320000xi32, #tpu.memory_space<hbm>> -> memref<64xi32, #tpu.memory_space<hbm>>
        %dma_start3A_342 = arith.constant 0 : i32
        %dma_start3A_343 = tpu.memref_slice %arg6[%dma_start3A_337, %dma_start3A_342] : memref<4x64xi32, #tpu.memory_space<vmem>> -> memref<1x64xi32, #tpu.memory_space<vmem>>
        %dma_start3A_344 = tpu.memref_squeeze %dma_start3A_343 : memref<1x64xi32, #tpu.memory_space<vmem>> -> memref<64xi32, #tpu.memory_space<vmem>>
        %dma_start3A_345 = tpu.memref_slice %arg3[%add3A_336] : memref<320000xi32, #tpu.memory_space<hbm>> -> memref<64xi32, #tpu.memory_space<hbm>>
        tpu.enqueue_dma source(%dma_start3A_345 : memref<64xi32, #tpu.memory_space<hbm>>) target(%dma_start3A_344 : memref<64xi32, #tpu.memory_space<vmem>>) target_semaphore(%arg19 : memref<!tpu.dma_semaphore, #tpu.memory_space<semaphore_mem>>)
        %dma_start3A_346 = arith.constant 3 : i32
        %dma_start3A_347 = arith.constant 0 : i32
        %dma_start3A_348 = tpu.memref_slice %arg7[%dma_start3A_346, %dma_start3A_347] : memref<4x64xi32, #tpu.memory_space<vmem>> -> memref<1x64xi32, #tpu.memory_space<vmem>>
        %dma_start3A_349 = tpu.memref_squeeze %dma_start3A_348 : memref<1x64xi32, #tpu.memory_space<vmem>> -> memref<64xi32, #tpu.memory_space<vmem>>
        %dma_start3A_350 = tpu.memref_slice %arg4[%add3A_336] : memref<320000xi32, #tpu.memory_space<hbm>> -> memref<64xi32, #tpu.memory_space<hbm>>
        %dma_start3A_351 = arith.constant 0 : i32
        %dma_start3A_352 = tpu.memref_slice %arg7[%dma_start3A_346, %dma_start3A_351] : memref<4x64xi32, #tpu.memory_space<vmem>> -> memref<1x64xi32, #tpu.memory_space<vmem>>
        %dma_start3A_353 = tpu.memref_squeeze %dma_start3A_352 : memref<1x64xi32, #tpu.memory_space<vmem>> -> memref<64xi32, #tpu.memory_space<vmem>>
        %dma_start3A_354 = tpu.memref_slice %arg4[%add3A_336] : memref<320000xi32, #tpu.memory_space<hbm>> -> memref<64xi32, #tpu.memory_space<hbm>>
        tpu.enqueue_dma source(%dma_start3A_354 : memref<64xi32, #tpu.memory_space<hbm>>) target(%dma_start3A_353 : memref<64xi32, #tpu.memory_space<vmem>>) target_semaphore(%arg19 : memref<!tpu.dma_semaphore, #tpu.memory_space<semaphore_mem>>)
      } else {
      }
      %add3A_207 = arith.constant 1 : i32
      %add3A_208 = arith.addi %add3A_194, %add3A_207 : i32
      %lt3A_209 = arith.constant 156 : i32
      %lt3A_210 = arith.cmpi slt, %add3A_208, %lt3A_209 : i32
      %convert_element_type3A_211 = arith.extui %lt3A_210 : i1 to i32
      %cond3A_212 = arith.constant 0 : i32
      %cond3A_213 = arith.cmpi ne, %convert_element_type3A_211, %cond3A_212 : i32
      scf.if %cond3A_213 {
        %add3A_332 = arith.constant 1 : i32
        %add3A_333 = arith.addi %add3A_194, %add3A_332 : i32
        %mul3A_334 = arith.constant 64 : i32
        %mul3A_335 = arith.muli %add3A_333, %mul3A_334 : i32
        %add3A_336 = arith.addi %mul3A_26, %mul3A_335 : i32
        %dma_wait3A_337 = arith.constant 2 : i32
        %dma_wait3A_338 = arith.constant 0 : i32
        %dma_wait3A_339 = tpu.memref_slice %arg6[%dma_wait3A_337, %dma_wait3A_338] : memref<4x64xi32, #tpu.memory_space<vmem>> -> memref<1x64xi32, #tpu.memory_space<vmem>>
        %dma_wait3A_340 = tpu.memref_squeeze %dma_wait3A_339 : memref<1x64xi32, #tpu.memory_space<vmem>> -> memref<64xi32, #tpu.memory_space<vmem>>
        %dma_wait3A_341 = tpu.memref_slice %arg3[%add3A_336] : memref<320000xi32, #tpu.memory_space<hbm>> -> memref<64xi32, #tpu.memory_space<hbm>>
        %dma_wait3A_342 = arith.constant 0 : i32
        %dma_wait3A_343 = tpu.memref_slice %arg6[%dma_wait3A_337, %dma_wait3A_342] : memref<4x64xi32, #tpu.memory_space<vmem>> -> memref<1x64xi32, #tpu.memory_space<vmem>>
        %dma_wait3A_344 = tpu.memref_squeeze %dma_wait3A_343 : memref<1x64xi32, #tpu.memory_space<vmem>> -> memref<64xi32, #tpu.memory_space<vmem>>
        %dma_wait3A_345 = tpu.memref_slice %arg3[%add3A_336] : memref<320000xi32, #tpu.memory_space<hbm>> -> memref<64xi32, #tpu.memory_space<hbm>>
        tpu.wait_dma2 semaphore(%arg18 : memref<!tpu.dma_semaphore, #tpu.memory_space<semaphore_mem>>) src(%dma_wait3A_345 : memref<64xi32, #tpu.memory_space<hbm>>) dst(%dma_wait3A_344 : memref<64xi32, #tpu.memory_space<vmem>>)
        %dma_wait3A_346 = arith.constant 2 : i32
        %dma_wait3A_347 = arith.constant 0 : i32
        %dma_wait3A_348 = tpu.memref_slice %arg7[%dma_wait3A_346, %dma_wait3A_347] : memref<4x64xi32, #tpu.memory_space<vmem>> -> memref<1x64xi32, #tpu.memory_space<vmem>>
        %dma_wait3A_349 = tpu.memref_squeeze %dma_wait3A_348 : memref<1x64xi32, #tpu.memory_space<vmem>> -> memref<64xi32, #tpu.memory_space<vmem>>
        %dma_wait3A_350 = tpu.memref_slice %arg4[%add3A_336] : memref<320000xi32, #tpu.memory_space<hbm>> -> memref<64xi32, #tpu.memory_space<hbm>>
        %dma_wait3A_351 = arith.constant 0 : i32
        %dma_wait3A_352 = tpu.memref_slice %arg7[%dma_wait3A_346, %dma_wait3A_351] : memref<4x64xi32, #tpu.memory_space<vmem>> -> memref<1x64xi32, #tpu.memory_space<vmem>>
        %dma_wait3A_353 = tpu.memref_squeeze %dma_wait3A_352 : memref<1x64xi32, #tpu.memory_space<vmem>> -> memref<64xi32, #tpu.memory_space<vmem>>
        %dma_wait3A_354 = tpu.memref_slice %arg4[%add3A_336] : memref<320000xi32, #tpu.memory_space<hbm>> -> memref<64xi32, #tpu.memory_space<hbm>>
        tpu.wait_dma2 semaphore(%arg18 : memref<!tpu.dma_semaphore, #tpu.memory_space<semaphore_mem>>) src(%dma_wait3A_354 : memref<64xi32, #tpu.memory_space<hbm>>) dst(%dma_wait3A_353 : memref<64xi32, #tpu.memory_space<vmem>>)
        %dma_start3A_355 = arith.constant 2 : i32
        %dma_start3A_356 = arith.constant 2 : i32
        %dma_start3A_357 = arith.constant 0 : i32
        %dma_start3A_358 = arith.constant 0 : i32
        %dma_start3A_359 = tpu.memref_slice %arg8[%dma_start3A_356, %dma_start3A_357, %dma_start3A_358] : memref<4x64x128xf32, #tpu.memory_space<vmem>> -> memref<1x64x128xf32, #tpu.memory_space<vmem>>
        %dma_start3A_360 = tpu.memref_squeeze %dma_start3A_359 : memref<1x64x128xf32, #tpu.memory_space<vmem>> -> memref<64x128xf32, #tpu.memory_space<vmem>>
        %dma_start3A_361 = arith.constant 0 : i32
        %dma_start3A_362 = tpu.memref_slice %arg6[%dma_start3A_355, %dma_start3A_361] : memref<4x64xi32, #tpu.memory_space<vmem>> -> memref<1x64xi32, #tpu.memory_space<vmem>>
        %dma_start3A_363 = tpu.memref_squeeze %dma_start3A_362 : memref<1x64xi32, #tpu.memory_space<vmem>> -> memref<64xi32, #tpu.memory_space<vmem>>
        %dma_start3A_364 = arith.constant 0 : i32
        %dma_start3A_365 = arith.constant 0 : i32
        %dma_start3A_366 = tpu.memref_slice %arg2[%dma_start3A_364, %dma_start3A_365] : memref<10000x128xf32, #tpu.memory_space<hbm>> -> memref<10000x128xf32, #tpu.memory_space<hbm>>
        tpu.enqueue_indirect_dma source(%dma_start3A_366 : memref<10000x128xf32, #tpu.memory_space<hbm>>) target(%dma_start3A_360 : memref<64x128xf32, #tpu.memory_space<vmem>>) offsets(%dma_start3A_363 : memref<64xi32, #tpu.memory_space<vmem>>) semaphore(%arg14 : memref<!tpu.dma_semaphore, #tpu.memory_space<semaphore_mem>>)
      } else {
      }
      %dma_wait3A_214 = arith.constant 1 : i32
      %dma_wait3A_215 = arith.constant 1 : i32
      %dma_wait3A_216 = arith.constant 0 : i32
      %dma_wait3A_217 = arith.constant 0 : i32
      %dma_wait3A_218 = tpu.memref_slice %arg8[%dma_wait3A_215, %dma_wait3A_216, %dma_wait3A_217] : memref<4x64x128xf32, #tpu.memory_space<vmem>> -> memref<1x64x128xf32, #tpu.memory_space<vmem>>
      %dma_wait3A_219 = tpu.memref_squeeze %dma_wait3A_218 : memref<1x64x128xf32, #tpu.memory_space<vmem>> -> memref<64x128xf32, #tpu.memory_space<vmem>>
      %dma_wait3A_220 = arith.constant 0 : i32
      %dma_wait3A_221 = tpu.memref_slice %arg6[%dma_wait3A_214, %dma_wait3A_220] : memref<4x64xi32, #tpu.memory_space<vmem>> -> memref<1x64xi32, #tpu.memory_space<vmem>>
      %dma_wait3A_222 = tpu.memref_squeeze %dma_wait3A_221 : memref<1x64xi32, #tpu.memory_space<vmem>> -> memref<64xi32, #tpu.memory_space<vmem>>
      %dma_wait3A_223 = arith.constant 0 : i32
      %dma_wait3A_224 = arith.constant 0 : i32
      %dma_wait3A_225 = tpu.memref_slice %arg2[%dma_wait3A_223, %dma_wait3A_224] : memref<10000x128xf32, #tpu.memory_space<hbm>> -> memref<10000x128xf32, #tpu.memory_space<hbm>>
      tpu.wait_indirect_dma semaphore(%arg13 : memref<!tpu.dma_semaphore, #tpu.memory_space<semaphore_mem>>) src(%dma_wait3A_225 : memref<10000x128xf32, #tpu.memory_space<hbm>>) dst(%dma_wait3A_219 : memref<64x128xf32, #tpu.memory_space<vmem>>)
      %dma_start3A_226 = arith.constant 1 : i32
      %dma_start3A_227 = arith.constant 1 : i32
      %dma_start3A_228 = arith.constant 0 : i32
      %dma_start3A_229 = arith.constant 0 : i32
      %dma_start3A_230 = tpu.memref_slice %arg8[%dma_start3A_226, %dma_start3A_228, %dma_start3A_229] : memref<4x64x128xf32, #tpu.memory_space<vmem>> -> memref<1x64x128xf32, #tpu.memory_space<vmem>>
      %dma_start3A_231 = tpu.memref_squeeze %dma_start3A_230 : memref<1x64x128xf32, #tpu.memory_space<vmem>> -> memref<64x128xf32, #tpu.memory_space<vmem>>
      %dma_start3A_232 = arith.constant 0 : i32
      %dma_start3A_233 = tpu.memref_slice %arg7[%dma_start3A_227, %dma_start3A_232] : memref<4x64xi32, #tpu.memory_space<vmem>> -> memref<1x64xi32, #tpu.memory_space<vmem>>
      %dma_start3A_234 = tpu.memref_squeeze %dma_start3A_233 : memref<1x64xi32, #tpu.memory_space<vmem>> -> memref<64xi32, #tpu.memory_space<vmem>>
      %dma_start3A_235 = arith.constant 0 : i32
      %dma_start3A_236 = arith.constant 0 : i32
      %dma_start3A_237 = tpu.memref_slice %arg24[%dma_start3A_235, %dma_start3A_236] : memref<10000x128xf32, #tpu.memory_space<vmem_shared>> -> memref<10000x128xf32, #tpu.memory_space<vmem_shared>>
      tpu.enqueue_indirect_dma source(%dma_start3A_231 : memref<64x128xf32, #tpu.memory_space<vmem>>) target(%dma_start3A_237 : memref<10000x128xf32, #tpu.memory_space<vmem_shared>>) offsets(%dma_start3A_234 : memref<64xi32, #tpu.memory_space<vmem>>) semaphore(%arg21 : memref<!tpu.dma_semaphore, #tpu.memory_space<semaphore_mem>>) {add = true}
      %mul3A_238 = arith.constant 4 : i32
      %mul3A_239 = arith.muli %mul3A_238, %add3A_143 : i32
      %add3A_240 = arith.constant 2 : i32
      %add3A_241 = arith.addi %mul3A_239, %add3A_240 : i32
      %ge3A_242 = arith.constant 2 : i32
      %ge3A_243 = arith.cmpi sge, %add3A_241, %ge3A_242 : i32
      %convert_element_type3A_244 = arith.extui %ge3A_243 : i1 to i32
      %cond3A_245 = arith.constant 0 : i32
      %cond3A_246 = arith.cmpi ne, %convert_element_type3A_244, %cond3A_245 : i32
      scf.if %cond3A_246 {
        %dma_wait3A_332 = arith.constant 0 : i32
        %dma_wait3A_333 = arith.constant 0 : i32
        %dma_wait3A_334 = arith.constant 0 : i32
        %dma_wait3A_335 = arith.constant 0 : i32
        %dma_wait3A_336 = tpu.memref_slice %arg8[%dma_wait3A_332, %dma_wait3A_334, %dma_wait3A_335] : memref<4x64x128xf32, #tpu.memory_space<vmem>> -> memref<1x64x128xf32, #tpu.memory_space<vmem>>
        %dma_wait3A_337 = tpu.memref_squeeze %dma_wait3A_336 : memref<1x64x128xf32, #tpu.memory_space<vmem>> -> memref<64x128xf32, #tpu.memory_space<vmem>>
        %dma_wait3A_338 = arith.constant 0 : i32
        %dma_wait3A_339 = tpu.memref_slice %arg7[%dma_wait3A_333, %dma_wait3A_338] : memref<4x64xi32, #tpu.memory_space<vmem>> -> memref<1x64xi32, #tpu.memory_space<vmem>>
        %dma_wait3A_340 = tpu.memref_squeeze %dma_wait3A_339 : memref<1x64xi32, #tpu.memory_space<vmem>> -> memref<64xi32, #tpu.memory_space<vmem>>
        %dma_wait3A_341 = arith.constant 0 : i32
        %dma_wait3A_342 = arith.constant 0 : i32
        %dma_wait3A_343 = tpu.memref_slice %arg24[%dma_wait3A_341, %dma_wait3A_342] : memref<10000x128xf32, #tpu.memory_space<vmem_shared>> -> memref<10000x128xf32, #tpu.memory_space<vmem_shared>>
        tpu.wait_indirect_dma semaphore(%arg20 : memref<!tpu.dma_semaphore, #tpu.memory_space<semaphore_mem>>) src(%dma_wait3A_337 : memref<64x128xf32, #tpu.memory_space<vmem>>) dst(%dma_wait3A_343 : memref<10000x128xf32, #tpu.memory_space<vmem_shared>>)
      } else {
      }
      %add3A_247 = arith.constant 2 : i32
      %add3A_248 = arith.addi %add3A_241, %add3A_247 : i32
      %lt3A_249 = arith.constant 156 : i32
      %lt3A_250 = arith.cmpi slt, %add3A_248, %lt3A_249 : i32
      %convert_element_type3A_251 = arith.extui %lt3A_250 : i1 to i32
      %cond3A_252 = arith.constant 0 : i32
      %cond3A_253 = arith.cmpi ne, %convert_element_type3A_251, %cond3A_252 : i32
      scf.if %cond3A_253 {
        %add3A_332 = arith.constant 2 : i32
        %add3A_333 = arith.addi %add3A_241, %add3A_332 : i32
        %mul3A_334 = arith.constant 64 : i32
        %mul3A_335 = arith.muli %add3A_333, %mul3A_334 : i32
        %add3A_336 = arith.addi %mul3A_26, %mul3A_335 : i32
        %dma_start3A_337 = arith.constant 0 : i32
        %dma_start3A_338 = arith.constant 0 : i32
        %dma_start3A_339 = tpu.memref_slice %arg6[%dma_start3A_337, %dma_start3A_338] : memref<4x64xi32, #tpu.memory_space<vmem>> -> memref<1x64xi32, #tpu.memory_space<vmem>>
        %dma_start3A_340 = tpu.memref_squeeze %dma_start3A_339 : memref<1x64xi32, #tpu.memory_space<vmem>> -> memref<64xi32, #tpu.memory_space<vmem>>
        %dma_start3A_341 = tpu.memref_slice %arg3[%add3A_336] : memref<320000xi32, #tpu.memory_space<hbm>> -> memref<64xi32, #tpu.memory_space<hbm>>
        %dma_start3A_342 = arith.constant 0 : i32
        %dma_start3A_343 = tpu.memref_slice %arg6[%dma_start3A_337, %dma_start3A_342] : memref<4x64xi32, #tpu.memory_space<vmem>> -> memref<1x64xi32, #tpu.memory_space<vmem>>
        %dma_start3A_344 = tpu.memref_squeeze %dma_start3A_343 : memref<1x64xi32, #tpu.memory_space<vmem>> -> memref<64xi32, #tpu.memory_space<vmem>>
        %dma_start3A_345 = tpu.memref_slice %arg3[%add3A_336] : memref<320000xi32, #tpu.memory_space<hbm>> -> memref<64xi32, #tpu.memory_space<hbm>>
        tpu.enqueue_dma source(%dma_start3A_345 : memref<64xi32, #tpu.memory_space<hbm>>) target(%dma_start3A_344 : memref<64xi32, #tpu.memory_space<vmem>>) target_semaphore(%arg16 : memref<!tpu.dma_semaphore, #tpu.memory_space<semaphore_mem>>)
        %dma_start3A_346 = arith.constant 0 : i32
        %dma_start3A_347 = arith.constant 0 : i32
        %dma_start3A_348 = tpu.memref_slice %arg7[%dma_start3A_346, %dma_start3A_347] : memref<4x64xi32, #tpu.memory_space<vmem>> -> memref<1x64xi32, #tpu.memory_space<vmem>>
        %dma_start3A_349 = tpu.memref_squeeze %dma_start3A_348 : memref<1x64xi32, #tpu.memory_space<vmem>> -> memref<64xi32, #tpu.memory_space<vmem>>
        %dma_start3A_350 = tpu.memref_slice %arg4[%add3A_336] : memref<320000xi32, #tpu.memory_space<hbm>> -> memref<64xi32, #tpu.memory_space<hbm>>
        %dma_start3A_351 = arith.constant 0 : i32
        %dma_start3A_352 = tpu.memref_slice %arg7[%dma_start3A_346, %dma_start3A_351] : memref<4x64xi32, #tpu.memory_space<vmem>> -> memref<1x64xi32, #tpu.memory_space<vmem>>
        %dma_start3A_353 = tpu.memref_squeeze %dma_start3A_352 : memref<1x64xi32, #tpu.memory_space<vmem>> -> memref<64xi32, #tpu.memory_space<vmem>>
        %dma_start3A_354 = tpu.memref_slice %arg4[%add3A_336] : memref<320000xi32, #tpu.memory_space<hbm>> -> memref<64xi32, #tpu.memory_space<hbm>>
        tpu.enqueue_dma source(%dma_start3A_354 : memref<64xi32, #tpu.memory_space<hbm>>) target(%dma_start3A_353 : memref<64xi32, #tpu.memory_space<vmem>>) target_semaphore(%arg16 : memref<!tpu.dma_semaphore, #tpu.memory_space<semaphore_mem>>)
      } else {
      }
      %add3A_254 = arith.constant 1 : i32
      %add3A_255 = arith.addi %add3A_241, %add3A_254 : i32
      %lt3A_256 = arith.constant 156 : i32
      %lt3A_257 = arith.cmpi slt, %add3A_255, %lt3A_256 : i32
      %convert_element_type3A_258 = arith.extui %lt3A_257 : i1 to i32
      %cond3A_259 = arith.constant 0 : i32
      %cond3A_260 = arith.cmpi ne, %convert_element_type3A_258, %cond3A_259 : i32
      scf.if %cond3A_260 {
        %add3A_332 = arith.constant 1 : i32
        %add3A_333 = arith.addi %add3A_241, %add3A_332 : i32
        %mul3A_334 = arith.constant 64 : i32
        %mul3A_335 = arith.muli %add3A_333, %mul3A_334 : i32
        %add3A_336 = arith.addi %mul3A_26, %mul3A_335 : i32
        %dma_wait3A_337 = arith.constant 3 : i32
        %dma_wait3A_338 = arith.constant 0 : i32
        %dma_wait3A_339 = tpu.memref_slice %arg6[%dma_wait3A_337, %dma_wait3A_338] : memref<4x64xi32, #tpu.memory_space<vmem>> -> memref<1x64xi32, #tpu.memory_space<vmem>>
        %dma_wait3A_340 = tpu.memref_squeeze %dma_wait3A_339 : memref<1x64xi32, #tpu.memory_space<vmem>> -> memref<64xi32, #tpu.memory_space<vmem>>
        %dma_wait3A_341 = tpu.memref_slice %arg3[%add3A_336] : memref<320000xi32, #tpu.memory_space<hbm>> -> memref<64xi32, #tpu.memory_space<hbm>>
        %dma_wait3A_342 = arith.constant 0 : i32
        %dma_wait3A_343 = tpu.memref_slice %arg6[%dma_wait3A_337, %dma_wait3A_342] : memref<4x64xi32, #tpu.memory_space<vmem>> -> memref<1x64xi32, #tpu.memory_space<vmem>>
        %dma_wait3A_344 = tpu.memref_squeeze %dma_wait3A_343 : memref<1x64xi32, #tpu.memory_space<vmem>> -> memref<64xi32, #tpu.memory_space<vmem>>
        %dma_wait3A_345 = tpu.memref_slice %arg3[%add3A_336] : memref<320000xi32, #tpu.memory_space<hbm>> -> memref<64xi32, #tpu.memory_space<hbm>>
        tpu.wait_dma2 semaphore(%arg19 : memref<!tpu.dma_semaphore, #tpu.memory_space<semaphore_mem>>) src(%dma_wait3A_345 : memref<64xi32, #tpu.memory_space<hbm>>) dst(%dma_wait3A_344 : memref<64xi32, #tpu.memory_space<vmem>>)
        %dma_wait3A_346 = arith.constant 3 : i32
        %dma_wait3A_347 = arith.constant 0 : i32
        %dma_wait3A_348 = tpu.memref_slice %arg7[%dma_wait3A_346, %dma_wait3A_347] : memref<4x64xi32, #tpu.memory_space<vmem>> -> memref<1x64xi32, #tpu.memory_space<vmem>>
        %dma_wait3A_349 = tpu.memref_squeeze %dma_wait3A_348 : memref<1x64xi32, #tpu.memory_space<vmem>> -> memref<64xi32, #tpu.memory_space<vmem>>
        %dma_wait3A_350 = tpu.memref_slice %arg4[%add3A_336] : memref<320000xi32, #tpu.memory_space<hbm>> -> memref<64xi32, #tpu.memory_space<hbm>>
        %dma_wait3A_351 = arith.constant 0 : i32
        %dma_wait3A_352 = tpu.memref_slice %arg7[%dma_wait3A_346, %dma_wait3A_351] : memref<4x64xi32, #tpu.memory_space<vmem>> -> memref<1x64xi32, #tpu.memory_space<vmem>>
        %dma_wait3A_353 = tpu.memref_squeeze %dma_wait3A_352 : memref<1x64xi32, #tpu.memory_space<vmem>> -> memref<64xi32, #tpu.memory_space<vmem>>
        %dma_wait3A_354 = tpu.memref_slice %arg4[%add3A_336] : memref<320000xi32, #tpu.memory_space<hbm>> -> memref<64xi32, #tpu.memory_space<hbm>>
        tpu.wait_dma2 semaphore(%arg19 : memref<!tpu.dma_semaphore, #tpu.memory_space<semaphore_mem>>) src(%dma_wait3A_354 : memref<64xi32, #tpu.memory_space<hbm>>) dst(%dma_wait3A_353 : memref<64xi32, #tpu.memory_space<vmem>>)
        %dma_start3A_355 = arith.constant 3 : i32
        %dma_start3A_356 = arith.constant 3 : i32
        %dma_start3A_357 = arith.constant 0 : i32
        %dma_start3A_358 = arith.constant 0 : i32
        %dma_start3A_359 = tpu.memref_slice %arg8[%dma_start3A_356, %dma_start3A_357, %dma_start3A_358] : memref<4x64x128xf32, #tpu.memory_space<vmem>> -> memref<1x64x128xf32, #tpu.memory_space<vmem>>
        %dma_start3A_360 = tpu.memref_squeeze %dma_start3A_359 : memref<1x64x128xf32, #tpu.memory_space<vmem>> -> memref<64x128xf32, #tpu.memory_space<vmem>>
        %dma_start3A_361 = arith.constant 0 : i32
        %dma_start3A_362 = tpu.memref_slice %arg6[%dma_start3A_355, %dma_start3A_361] : memref<4x64xi32, #tpu.memory_space<vmem>> -> memref<1x64xi32, #tpu.memory_space<vmem>>
        %dma_start3A_363 = tpu.memref_squeeze %dma_start3A_362 : memref<1x64xi32, #tpu.memory_space<vmem>> -> memref<64xi32, #tpu.memory_space<vmem>>
        %dma_start3A_364 = arith.constant 0 : i32
        %dma_start3A_365 = arith.constant 0 : i32
        %dma_start3A_366 = tpu.memref_slice %arg2[%dma_start3A_364, %dma_start3A_365] : memref<10000x128xf32, #tpu.memory_space<hbm>> -> memref<10000x128xf32, #tpu.memory_space<hbm>>
        tpu.enqueue_indirect_dma source(%dma_start3A_366 : memref<10000x128xf32, #tpu.memory_space<hbm>>) target(%dma_start3A_360 : memref<64x128xf32, #tpu.memory_space<vmem>>) offsets(%dma_start3A_363 : memref<64xi32, #tpu.memory_space<vmem>>) semaphore(%arg15 : memref<!tpu.dma_semaphore, #tpu.memory_space<semaphore_mem>>)
      } else {
      }
      %dma_wait3A_261 = arith.constant 2 : i32
      %dma_wait3A_262 = arith.constant 2 : i32
      %dma_wait3A_263 = arith.constant 0 : i32
      %dma_wait3A_264 = arith.constant 0 : i32
      %dma_wait3A_265 = tpu.memref_slice %arg8[%dma_wait3A_262, %dma_wait3A_263, %dma_wait3A_264] : memref<4x64x128xf32, #tpu.memory_space<vmem>> -> memref<1x64x128xf32, #tpu.memory_space<vmem>>
      %dma_wait3A_266 = tpu.memref_squeeze %dma_wait3A_265 : memref<1x64x128xf32, #tpu.memory_space<vmem>> -> memref<64x128xf32, #tpu.memory_space<vmem>>
      %dma_wait3A_267 = arith.constant 0 : i32
      %dma_wait3A_268 = tpu.memref_slice %arg6[%dma_wait3A_261, %dma_wait3A_267] : memref<4x64xi32, #tpu.memory_space<vmem>> -> memref<1x64xi32, #tpu.memory_space<vmem>>
      %dma_wait3A_269 = tpu.memref_squeeze %dma_wait3A_268 : memref<1x64xi32, #tpu.memory_space<vmem>> -> memref<64xi32, #tpu.memory_space<vmem>>
      %dma_wait3A_270 = arith.constant 0 : i32
      %dma_wait3A_271 = arith.constant 0 : i32
      %dma_wait3A_272 = tpu.memref_slice %arg2[%dma_wait3A_270, %dma_wait3A_271] : memref<10000x128xf32, #tpu.memory_space<hbm>> -> memref<10000x128xf32, #tpu.memory_space<hbm>>
      tpu.wait_indirect_dma semaphore(%arg14 : memref<!tpu.dma_semaphore, #tpu.memory_space<semaphore_mem>>) src(%dma_wait3A_272 : memref<10000x128xf32, #tpu.memory_space<hbm>>) dst(%dma_wait3A_266 : memref<64x128xf32, #tpu.memory_space<vmem>>)
      %dma_start3A_273 = arith.constant 2 : i32
      %dma_start3A_274 = arith.constant 2 : i32
      %dma_start3A_275 = arith.constant 0 : i32
      %dma_start3A_276 = arith.constant 0 : i32
      %dma_start3A_277 = tpu.memref_slice %arg8[%dma_start3A_273, %dma_start3A_275, %dma_start3A_276] : memref<4x64x128xf32, #tpu.memory_space<vmem>> -> memref<1x64x128xf32, #tpu.memory_space<vmem>>
      %dma_start3A_278 = tpu.memref_squeeze %dma_start3A_277 : memref<1x64x128xf32, #tpu.memory_space<vmem>> -> memref<64x128xf32, #tpu.memory_space<vmem>>
      %dma_start3A_279 = arith.constant 0 : i32
      %dma_start3A_280 = tpu.memref_slice %arg7[%dma_start3A_274, %dma_start3A_279] : memref<4x64xi32, #tpu.memory_space<vmem>> -> memref<1x64xi32, #tpu.memory_space<vmem>>
      %dma_start3A_281 = tpu.memref_squeeze %dma_start3A_280 : memref<1x64xi32, #tpu.memory_space<vmem>> -> memref<64xi32, #tpu.memory_space<vmem>>
      %dma_start3A_282 = arith.constant 0 : i32
      %dma_start3A_283 = arith.constant 0 : i32
      %dma_start3A_284 = tpu.memref_slice %arg24[%dma_start3A_282, %dma_start3A_283] : memref<10000x128xf32, #tpu.memory_space<vmem_shared>> -> memref<10000x128xf32, #tpu.memory_space<vmem_shared>>
      tpu.enqueue_indirect_dma source(%dma_start3A_278 : memref<64x128xf32, #tpu.memory_space<vmem>>) target(%dma_start3A_284 : memref<10000x128xf32, #tpu.memory_space<vmem_shared>>) offsets(%dma_start3A_281 : memref<64xi32, #tpu.memory_space<vmem>>) semaphore(%arg22 : memref<!tpu.dma_semaphore, #tpu.memory_space<semaphore_mem>>) {add = true}
      %mul3A_285 = arith.constant 4 : i32
      %mul3A_286 = arith.muli %mul3A_285, %add3A_143 : i32
      %add3A_287 = arith.constant 3 : i32
      %add3A_288 = arith.addi %mul3A_286, %add3A_287 : i32
      %ge3A_289 = arith.constant 2 : i32
      %ge3A_290 = arith.cmpi sge, %add3A_288, %ge3A_289 : i32
      %convert_element_type3A_291 = arith.extui %ge3A_290 : i1 to i32
      %cond3A_292 = arith.constant 0 : i32
      %cond3A_293 = arith.cmpi ne, %convert_element_type3A_291, %cond3A_292 : i32
      scf.if %cond3A_293 {
        %dma_wait3A_332 = arith.constant 1 : i32
        %dma_wait3A_333 = arith.constant 1 : i32
        %dma_wait3A_334 = arith.constant 0 : i32
        %dma_wait3A_335 = arith.constant 0 : i32
        %dma_wait3A_336 = tpu.memref_slice %arg8[%dma_wait3A_332, %dma_wait3A_334, %dma_wait3A_335] : memref<4x64x128xf32, #tpu.memory_space<vmem>> -> memref<1x64x128xf32, #tpu.memory_space<vmem>>
        %dma_wait3A_337 = tpu.memref_squeeze %dma_wait3A_336 : memref<1x64x128xf32, #tpu.memory_space<vmem>> -> memref<64x128xf32, #tpu.memory_space<vmem>>
        %dma_wait3A_338 = arith.constant 0 : i32
        %dma_wait3A_339 = tpu.memref_slice %arg7[%dma_wait3A_333, %dma_wait3A_338] : memref<4x64xi32, #tpu.memory_space<vmem>> -> memref<1x64xi32, #tpu.memory_space<vmem>>
        %dma_wait3A_340 = tpu.memref_squeeze %dma_wait3A_339 : memref<1x64xi32, #tpu.memory_space<vmem>> -> memref<64xi32, #tpu.memory_space<vmem>>
        %dma_wait3A_341 = arith.constant 0 : i32
        %dma_wait3A_342 = arith.constant 0 : i32
        %dma_wait3A_343 = tpu.memref_slice %arg24[%dma_wait3A_341, %dma_wait3A_342] : memref<10000x128xf32, #tpu.memory_space<vmem_shared>> -> memref<10000x128xf32, #tpu.memory_space<vmem_shared>>
        tpu.wait_indirect_dma semaphore(%arg21 : memref<!tpu.dma_semaphore, #tpu.memory_space<semaphore_mem>>) src(%dma_wait3A_337 : memref<64x128xf32, #tpu.memory_space<vmem>>) dst(%dma_wait3A_343 : memref<10000x128xf32, #tpu.memory_space<vmem_shared>>)
      } else {
      }
      %add3A_294 = arith.constant 2 : i32
      %add3A_295 = arith.addi %add3A_288, %add3A_294 : i32
      %lt3A_296 = arith.constant 156 : i32
      %lt3A_297 = arith.cmpi slt, %add3A_295, %lt3A_296 : i32
      %convert_element_type3A_298 = arith.extui %lt3A_297 : i1 to i32
      %cond3A_299 = arith.constant 0 : i32
      %cond3A_300 = arith.cmpi ne, %convert_element_type3A_298, %cond3A_299 : i32
      scf.if %cond3A_300 {
        %add3A_332 = arith.constant 2 : i32
        %add3A_333 = arith.addi %add3A_288, %add3A_332 : i32
        %mul3A_334 = arith.constant 64 : i32
        %mul3A_335 = arith.muli %add3A_333, %mul3A_334 : i32
        %add3A_336 = arith.addi %mul3A_26, %mul3A_335 : i32
        %dma_start3A_337 = arith.constant 1 : i32
        %dma_start3A_338 = arith.constant 0 : i32
        %dma_start3A_339 = tpu.memref_slice %arg6[%dma_start3A_337, %dma_start3A_338] : memref<4x64xi32, #tpu.memory_space<vmem>> -> memref<1x64xi32, #tpu.memory_space<vmem>>
        %dma_start3A_340 = tpu.memref_squeeze %dma_start3A_339 : memref<1x64xi32, #tpu.memory_space<vmem>> -> memref<64xi32, #tpu.memory_space<vmem>>
        %dma_start3A_341 = tpu.memref_slice %arg3[%add3A_336] : memref<320000xi32, #tpu.memory_space<hbm>> -> memref<64xi32, #tpu.memory_space<hbm>>
        %dma_start3A_342 = arith.constant 0 : i32
        %dma_start3A_343 = tpu.memref_slice %arg6[%dma_start3A_337, %dma_start3A_342] : memref<4x64xi32, #tpu.memory_space<vmem>> -> memref<1x64xi32, #tpu.memory_space<vmem>>
        %dma_start3A_344 = tpu.memref_squeeze %dma_start3A_343 : memref<1x64xi32, #tpu.memory_space<vmem>> -> memref<64xi32, #tpu.memory_space<vmem>>
        %dma_start3A_345 = tpu.memref_slice %arg3[%add3A_336] : memref<320000xi32, #tpu.memory_space<hbm>> -> memref<64xi32, #tpu.memory_space<hbm>>
        tpu.enqueue_dma source(%dma_start3A_345 : memref<64xi32, #tpu.memory_space<hbm>>) target(%dma_start3A_344 : memref<64xi32, #tpu.memory_space<vmem>>) target_semaphore(%arg17 : memref<!tpu.dma_semaphore, #tpu.memory_space<semaphore_mem>>)
        %dma_start3A_346 = arith.constant 1 : i32
        %dma_start3A_347 = arith.constant 0 : i32
        %dma_start3A_348 = tpu.memref_slice %arg7[%dma_start3A_346, %dma_start3A_347] : memref<4x64xi32, #tpu.memory_space<vmem>> -> memref<1x64xi32, #tpu.memory_space<vmem>>
        %dma_start3A_349 = tpu.memref_squeeze %dma_start3A_348 : memref<1x64xi32, #tpu.memory_space<vmem>> -> memref<64xi32, #tpu.memory_space<vmem>>
        %dma_start3A_350 = tpu.memref_slice %arg4[%add3A_336] : memref<320000xi32, #tpu.memory_space<hbm>> -> memref<64xi32, #tpu.memory_space<hbm>>
        %dma_start3A_351 = arith.constant 0 : i32
        %dma_start3A_352 = tpu.memref_slice %arg7[%dma_start3A_346, %dma_start3A_351] : memref<4x64xi32, #tpu.memory_space<vmem>> -> memref<1x64xi32, #tpu.memory_space<vmem>>
        %dma_start3A_353 = tpu.memref_squeeze %dma_start3A_352 : memref<1x64xi32, #tpu.memory_space<vmem>> -> memref<64xi32, #tpu.memory_space<vmem>>
        %dma_start3A_354 = tpu.memref_slice %arg4[%add3A_336] : memref<320000xi32, #tpu.memory_space<hbm>> -> memref<64xi32, #tpu.memory_space<hbm>>
        tpu.enqueue_dma source(%dma_start3A_354 : memref<64xi32, #tpu.memory_space<hbm>>) target(%dma_start3A_353 : memref<64xi32, #tpu.memory_space<vmem>>) target_semaphore(%arg17 : memref<!tpu.dma_semaphore, #tpu.memory_space<semaphore_mem>>)
      } else {
      }
      %add3A_301 = arith.constant 1 : i32
      %add3A_302 = arith.addi %add3A_288, %add3A_301 : i32
      %lt3A_303 = arith.constant 156 : i32
      %lt3A_304 = arith.cmpi slt, %add3A_302, %lt3A_303 : i32
      %convert_element_type3A_305 = arith.extui %lt3A_304 : i1 to i32
      %cond3A_306 = arith.constant 0 : i32
      %cond3A_307 = arith.cmpi ne, %convert_element_type3A_305, %cond3A_306 : i32
      scf.if %cond3A_307 {
        %add3A_332 = arith.constant 1 : i32
        %add3A_333 = arith.addi %add3A_288, %add3A_332 : i32
        %mul3A_334 = arith.constant 64 : i32
        %mul3A_335 = arith.muli %add3A_333, %mul3A_334 : i32
        %add3A_336 = arith.addi %mul3A_26, %mul3A_335 : i32
        %dma_wait3A_337 = arith.constant 0 : i32
        %dma_wait3A_338 = arith.constant 0 : i32
        %dma_wait3A_339 = tpu.memref_slice %arg6[%dma_wait3A_337, %dma_wait3A_338] : memref<4x64xi32, #tpu.memory_space<vmem>> -> memref<1x64xi32, #tpu.memory_space<vmem>>
        %dma_wait3A_340 = tpu.memref_squeeze %dma_wait3A_339 : memref<1x64xi32, #tpu.memory_space<vmem>> -> memref<64xi32, #tpu.memory_space<vmem>>
        %dma_wait3A_341 = tpu.memref_slice %arg3[%add3A_336] : memref<320000xi32, #tpu.memory_space<hbm>> -> memref<64xi32, #tpu.memory_space<hbm>>
        %dma_wait3A_342 = arith.constant 0 : i32
        %dma_wait3A_343 = tpu.memref_slice %arg6[%dma_wait3A_337, %dma_wait3A_342] : memref<4x64xi32, #tpu.memory_space<vmem>> -> memref<1x64xi32, #tpu.memory_space<vmem>>
        %dma_wait3A_344 = tpu.memref_squeeze %dma_wait3A_343 : memref<1x64xi32, #tpu.memory_space<vmem>> -> memref<64xi32, #tpu.memory_space<vmem>>
        %dma_wait3A_345 = tpu.memref_slice %arg3[%add3A_336] : memref<320000xi32, #tpu.memory_space<hbm>> -> memref<64xi32, #tpu.memory_space<hbm>>
        tpu.wait_dma2 semaphore(%arg16 : memref<!tpu.dma_semaphore, #tpu.memory_space<semaphore_mem>>) src(%dma_wait3A_345 : memref<64xi32, #tpu.memory_space<hbm>>) dst(%dma_wait3A_344 : memref<64xi32, #tpu.memory_space<vmem>>)
        %dma_wait3A_346 = arith.constant 0 : i32
        %dma_wait3A_347 = arith.constant 0 : i32
        %dma_wait3A_348 = tpu.memref_slice %arg7[%dma_wait3A_346, %dma_wait3A_347] : memref<4x64xi32, #tpu.memory_space<vmem>> -> memref<1x64xi32, #tpu.memory_space<vmem>>
        %dma_wait3A_349 = tpu.memref_squeeze %dma_wait3A_348 : memref<1x64xi32, #tpu.memory_space<vmem>> -> memref<64xi32, #tpu.memory_space<vmem>>
        %dma_wait3A_350 = tpu.memref_slice %arg4[%add3A_336] : memref<320000xi32, #tpu.memory_space<hbm>> -> memref<64xi32, #tpu.memory_space<hbm>>
        %dma_wait3A_351 = arith.constant 0 : i32
        %dma_wait3A_352 = tpu.memref_slice %arg7[%dma_wait3A_346, %dma_wait3A_351] : memref<4x64xi32, #tpu.memory_space<vmem>> -> memref<1x64xi32, #tpu.memory_space<vmem>>
        %dma_wait3A_353 = tpu.memref_squeeze %dma_wait3A_352 : memref<1x64xi32, #tpu.memory_space<vmem>> -> memref<64xi32, #tpu.memory_space<vmem>>
        %dma_wait3A_354 = tpu.memref_slice %arg4[%add3A_336] : memref<320000xi32, #tpu.memory_space<hbm>> -> memref<64xi32, #tpu.memory_space<hbm>>
        tpu.wait_dma2 semaphore(%arg16 : memref<!tpu.dma_semaphore, #tpu.memory_space<semaphore_mem>>) src(%dma_wait3A_354 : memref<64xi32, #tpu.memory_space<hbm>>) dst(%dma_wait3A_353 : memref<64xi32, #tpu.memory_space<vmem>>)
        %dma_start3A_355 = arith.constant 0 : i32
        %dma_start3A_356 = arith.constant 0 : i32
        %dma_start3A_357 = arith.constant 0 : i32
        %dma_start3A_358 = arith.constant 0 : i32
        %dma_start3A_359 = tpu.memref_slice %arg8[%dma_start3A_356, %dma_start3A_357, %dma_start3A_358] : memref<4x64x128xf32, #tpu.memory_space<vmem>> -> memref<1x64x128xf32, #tpu.memory_space<vmem>>
        %dma_start3A_360 = tpu.memref_squeeze %dma_start3A_359 : memref<1x64x128xf32, #tpu.memory_space<vmem>> -> memref<64x128xf32, #tpu.memory_space<vmem>>
        %dma_start3A_361 = arith.constant 0 : i32
        %dma_start3A_362 = tpu.memref_slice %arg6[%dma_start3A_355, %dma_start3A_361] : memref<4x64xi32, #tpu.memory_space<vmem>> -> memref<1x64xi32, #tpu.memory_space<vmem>>
        %dma_start3A_363 = tpu.memref_squeeze %dma_start3A_362 : memref<1x64xi32, #tpu.memory_space<vmem>> -> memref<64xi32, #tpu.memory_space<vmem>>
        %dma_start3A_364 = arith.constant 0 : i32
        %dma_start3A_365 = arith.constant 0 : i32
        %dma_start3A_366 = tpu.memref_slice %arg2[%dma_start3A_364, %dma_start3A_365] : memref<10000x128xf32, #tpu.memory_space<hbm>> -> memref<10000x128xf32, #tpu.memory_space<hbm>>
        tpu.enqueue_indirect_dma source(%dma_start3A_366 : memref<10000x128xf32, #tpu.memory_space<hbm>>) target(%dma_start3A_360 : memref<64x128xf32, #tpu.memory_space<vmem>>) offsets(%dma_start3A_363 : memref<64xi32, #tpu.memory_space<vmem>>) semaphore(%arg12 : memref<!tpu.dma_semaphore, #tpu.memory_space<semaphore_mem>>)
      } else {
      }
      %dma_wait3A_308 = arith.constant 3 : i32
      %dma_wait3A_309 = arith.constant 3 : i32
      %dma_wait3A_310 = arith.constant 0 : i32
      %dma_wait3A_311 = arith.constant 0 : i32
      %dma_wait3A_312 = tpu.memref_slice %arg8[%dma_wait3A_309, %dma_wait3A_310, %dma_wait3A_311] : memref<4x64x128xf32, #tpu.memory_space<vmem>> -> memref<1x64x128xf32, #tpu.memory_space<vmem>>
      %dma_wait3A_313 = tpu.memref_squeeze %dma_wait3A_312 : memref<1x64x128xf32, #tpu.memory_space<vmem>> -> memref<64x128xf32, #tpu.memory_space<vmem>>
      %dma_wait3A_314 = arith.constant 0 : i32
      %dma_wait3A_315 = tpu.memref_slice %arg6[%dma_wait3A_308, %dma_wait3A_314] : memref<4x64xi32, #tpu.memory_space<vmem>> -> memref<1x64xi32, #tpu.memory_space<vmem>>
      %dma_wait3A_316 = tpu.memref_squeeze %dma_wait3A_315 : memref<1x64xi32, #tpu.memory_space<vmem>> -> memref<64xi32, #tpu.memory_space<vmem>>
      %dma_wait3A_317 = arith.constant 0 : i32
      %dma_wait3A_318 = arith.constant 0 : i32
      %dma_wait3A_319 = tpu.memref_slice %arg2[%dma_wait3A_317, %dma_wait3A_318] : memref<10000x128xf32, #tpu.memory_space<hbm>> -> memref<10000x128xf32, #tpu.memory_space<hbm>>
      tpu.wait_indirect_dma semaphore(%arg15 : memref<!tpu.dma_semaphore, #tpu.memory_space<semaphore_mem>>) src(%dma_wait3A_319 : memref<10000x128xf32, #tpu.memory_space<hbm>>) dst(%dma_wait3A_313 : memref<64x128xf32, #tpu.memory_space<vmem>>)
      %dma_start3A_320 = arith.constant 3 : i32
      %dma_start3A_321 = arith.constant 3 : i32
      %dma_start3A_322 = arith.constant 0 : i32
      %dma_start3A_323 = arith.constant 0 : i32
      %dma_start3A_324 = tpu.memref_slice %arg8[%dma_start3A_320, %dma_start3A_322, %dma_start3A_323] : memref<4x64x128xf32, #tpu.memory_space<vmem>> -> memref<1x64x128xf32, #tpu.memory_space<vmem>>
      %dma_start3A_325 = tpu.memref_squeeze %dma_start3A_324 : memref<1x64x128xf32, #tpu.memory_space<vmem>> -> memref<64x128xf32, #tpu.memory_space<vmem>>
      %dma_start3A_326 = arith.constant 0 : i32
      %dma_start3A_327 = tpu.memref_slice %arg7[%dma_start3A_321, %dma_start3A_326] : memref<4x64xi32, #tpu.memory_space<vmem>> -> memref<1x64xi32, #tpu.memory_space<vmem>>
      %dma_start3A_328 = tpu.memref_squeeze %dma_start3A_327 : memref<1x64xi32, #tpu.memory_space<vmem>> -> memref<64xi32, #tpu.memory_space<vmem>>
      %dma_start3A_329 = arith.constant 0 : i32
      %dma_start3A_330 = arith.constant 0 : i32
      %dma_start3A_331 = tpu.memref_slice %arg24[%dma_start3A_329, %dma_start3A_330] : memref<10000x128xf32, #tpu.memory_space<vmem_shared>> -> memref<10000x128xf32, #tpu.memory_space<vmem_shared>>
      tpu.enqueue_indirect_dma source(%dma_start3A_325 : memref<64x128xf32, #tpu.memory_space<vmem>>) target(%dma_start3A_331 : memref<10000x128xf32, #tpu.memory_space<vmem_shared>>) offsets(%dma_start3A_328 : memref<64xi32, #tpu.memory_space<vmem>>) semaphore(%arg23 : memref<!tpu.dma_semaphore, #tpu.memory_space<semaphore_mem>>) {add = true}
    }
    %scan3A_101 = arith.constant 39 : i32
    %dma_wait3A_102 = arith.constant 2 : i32
    %dma_wait3A_103 = arith.constant 2 : i32
    %dma_wait3A_104 = arith.constant 0 : i32
    %dma_wait3A_105 = arith.constant 0 : i32
    %dma_wait3A_106 = tpu.memref_slice %arg8[%dma_wait3A_102, %dma_wait3A_104, %dma_wait3A_105] : memref<4x64x128xf32, #tpu.memory_space<vmem>> -> memref<1x64x128xf32, #tpu.memory_space<vmem>>
    %dma_wait3A_107 = tpu.memref_squeeze %dma_wait3A_106 : memref<1x64x128xf32, #tpu.memory_space<vmem>> -> memref<64x128xf32, #tpu.memory_space<vmem>>
    %dma_wait3A_108 = arith.constant 0 : i32
    %dma_wait3A_109 = tpu.memref_slice %arg7[%dma_wait3A_103, %dma_wait3A_108] : memref<4x64xi32, #tpu.memory_space<vmem>> -> memref<1x64xi32, #tpu.memory_space<vmem>>
    %dma_wait3A_110 = tpu.memref_squeeze %dma_wait3A_109 : memref<1x64xi32, #tpu.memory_space<vmem>> -> memref<64xi32, #tpu.memory_space<vmem>>
    %dma_wait3A_111 = arith.constant 0 : i32
    %dma_wait3A_112 = arith.constant 0 : i32
    %dma_wait3A_113 = tpu.memref_slice %arg24[%dma_wait3A_111, %dma_wait3A_112] : memref<10000x128xf32, #tpu.memory_space<vmem_shared>> -> memref<10000x128xf32, #tpu.memory_space<vmem_shared>>
    tpu.wait_indirect_dma semaphore(%arg22 : memref<!tpu.dma_semaphore, #tpu.memory_space<semaphore_mem>>) src(%dma_wait3A_107 : memref<64x128xf32, #tpu.memory_space<vmem>>) dst(%dma_wait3A_113 : memref<10000x128xf32, #tpu.memory_space<vmem_shared>>)
    %dma_wait3A_114 = arith.constant 3 : i32
    %dma_wait3A_115 = arith.constant 3 : i32
    %dma_wait3A_116 = arith.constant 0 : i32
    %dma_wait3A_117 = arith.constant 0 : i32
    %dma_wait3A_118 = tpu.memref_slice %arg8[%dma_wait3A_114, %dma_wait3A_116, %dma_wait3A_117] : memref<4x64x128xf32, #tpu.memory_space<vmem>> -> memref<1x64x128xf32, #tpu.memory_space<vmem>>
    %dma_wait3A_119 = tpu.memref_squeeze %dma_wait3A_118 : memref<1x64x128xf32, #tpu.memory_space<vmem>> -> memref<64x128xf32, #tpu.memory_space<vmem>>
    %dma_wait3A_120 = arith.constant 0 : i32
    %dma_wait3A_121 = tpu.memref_slice %arg7[%dma_wait3A_115, %dma_wait3A_120] : memref<4x64xi32, #tpu.memory_space<vmem>> -> memref<1x64xi32, #tpu.memory_space<vmem>>
    %dma_wait3A_122 = tpu.memref_squeeze %dma_wait3A_121 : memref<1x64xi32, #tpu.memory_space<vmem>> -> memref<64xi32, #tpu.memory_space<vmem>>
    %dma_wait3A_123 = arith.constant 0 : i32
    %dma_wait3A_124 = arith.constant 0 : i32
    %dma_wait3A_125 = tpu.memref_slice %arg24[%dma_wait3A_123, %dma_wait3A_124] : memref<10000x128xf32, #tpu.memory_space<vmem_shared>> -> memref<10000x128xf32, #tpu.memory_space<vmem_shared>>
    tpu.wait_indirect_dma semaphore(%arg23 : memref<!tpu.dma_semaphore, #tpu.memory_space<semaphore_mem>>) src(%dma_wait3A_119 : memref<64x128xf32, #tpu.memory_space<vmem>>) dst(%dma_wait3A_125 : memref<10000x128xf32, #tpu.memory_space<vmem_shared>>)
    %add3A_126 = arith.constant 9984 : i32
    %add3A_127 = arith.addi %mul3A_26, %add3A_126 : i32
    "tpu.region"() ({
      %run_scoped3A = tpu.sem_alloc : memref<!tpu.dma_semaphore, #tpu.memory_space<semaphore_mem>>
      %dma_start3A_139 = tpu.memref_slice %arg3[%add3A_127] : memref<320000xi32, #tpu.memory_space<hbm>> -> memref<16xi32, #tpu.memory_space<hbm>>
      %dma_start3A_140 = tpu.memref_slice %arg3[%add3A_127] : memref<320000xi32, #tpu.memory_space<hbm>> -> memref<16xi32, #tpu.memory_space<hbm>>
      tpu.enqueue_dma source(%dma_start3A_140 : memref<16xi32, #tpu.memory_space<hbm>>) target(%arg9 : memref<16xi32, #tpu.memory_space<vmem>>) target_semaphore(%run_scoped3A : memref<!tpu.dma_semaphore, #tpu.memory_space<semaphore_mem>>)
      %dma_wait3A_141 = tpu.memref_slice %arg3[%add3A_127] : memref<320000xi32, #tpu.memory_space<hbm>> -> memref<16xi32, #tpu.memory_space<hbm>>
      %dma_wait3A_142 = tpu.memref_slice %arg3[%add3A_127] : memref<320000xi32, #tpu.memory_space<hbm>> -> memref<16xi32, #tpu.memory_space<hbm>>
      tpu.wait_dma2 semaphore(%run_scoped3A : memref<!tpu.dma_semaphore, #tpu.memory_space<semaphore_mem>>) src(%dma_wait3A_142 : memref<16xi32, #tpu.memory_space<hbm>>) dst(%arg9 : memref<16xi32, #tpu.memory_space<vmem>>)
      tpu.yield
    }) : () -> ()
    "tpu.region"() ({
      %run_scoped3A = tpu.sem_alloc : memref<!tpu.dma_semaphore, #tpu.memory_space<semaphore_mem>>
      %dma_start3A_139 = tpu.memref_slice %arg4[%add3A_127] : memref<320000xi32, #tpu.memory_space<hbm>> -> memref<16xi32, #tpu.memory_space<hbm>>
      %dma_start3A_140 = tpu.memref_slice %arg4[%add3A_127] : memref<320000xi32, #tpu.memory_space<hbm>> -> memref<16xi32, #tpu.memory_space<hbm>>
      tpu.enqueue_dma source(%dma_start3A_140 : memref<16xi32, #tpu.memory_space<hbm>>) target(%arg10 : memref<16xi32, #tpu.memory_space<vmem>>) target_semaphore(%run_scoped3A : memref<!tpu.dma_semaphore, #tpu.memory_space<semaphore_mem>>)
      %dma_wait3A_141 = tpu.memref_slice %arg4[%add3A_127] : memref<320000xi32, #tpu.memory_space<hbm>> -> memref<16xi32, #tpu.memory_space<hbm>>
      %dma_wait3A_142 = tpu.memref_slice %arg4[%add3A_127] : memref<320000xi32, #tpu.memory_space<hbm>> -> memref<16xi32, #tpu.memory_space<hbm>>
      tpu.wait_dma2 semaphore(%run_scoped3A : memref<!tpu.dma_semaphore, #tpu.memory_space<semaphore_mem>>) src(%dma_wait3A_142 : memref<16xi32, #tpu.memory_space<hbm>>) dst(%arg10 : memref<16xi32, #tpu.memory_space<vmem>>)
      tpu.yield
    }) : () -> ()
    "tpu.region"() ({
      %run_scoped3A = tpu.sem_alloc : memref<!tpu.dma_semaphore, #tpu.memory_space<semaphore_mem>>
      %dma_start3A_139 = arith.constant 0 : i32
      %dma_start3A_140 = arith.constant 0 : i32
      %dma_start3A_141 = tpu.memref_slice %arg2[%dma_start3A_139, %dma_start3A_140] : memref<10000x128xf32, #tpu.memory_space<hbm>> -> memref<10000x128xf32, #tpu.memory_space<hbm>>
      tpu.enqueue_indirect_dma source(%dma_start3A_141 : memref<10000x128xf32, #tpu.memory_space<hbm>>) target(%arg11 : memref<16x128xf32, #tpu.memory_space<vmem>>) offsets(%arg9 : memref<16xi32, #tpu.memory_space<vmem>>) semaphore(%run_scoped3A : memref<!tpu.dma_semaphore, #tpu.memory_space<semaphore_mem>>)
      %dma_wait3A_142 = arith.constant 0 : i32
      %dma_wait3A_143 = arith.constant 0 : i32
      %dma_wait3A_144 = tpu.memref_slice %arg2[%dma_wait3A_142, %dma_wait3A_143] : memref<10000x128xf32, #tpu.memory_space<hbm>> -> memref<10000x128xf32, #tpu.memory_space<hbm>>
      tpu.wait_indirect_dma semaphore(%run_scoped3A : memref<!tpu.dma_semaphore, #tpu.memory_space<semaphore_mem>>) src(%dma_wait3A_144 : memref<10000x128xf32, #tpu.memory_space<hbm>>) dst(%arg11 : memref<16x128xf32, #tpu.memory_space<vmem>>)
      tpu.yield
    }) : () -> ()
    "tpu.region"() ({
      %run_scoped3A = tpu.sem_alloc : memref<!tpu.dma_semaphore, #tpu.memory_space<semaphore_mem>>
      %dma_start3A_139 = arith.constant 0 : i32
      %dma_start3A_140 = arith.constant 0 : i32
      %dma_start3A_141 = tpu.memref_slice %arg24[%dma_start3A_139, %dma_start3A_140] : memref<10000x128xf32, #tpu.memory_space<vmem_shared>> -> memref<10000x128xf32, #tpu.memory_space<vmem_shared>>
      tpu.enqueue_indirect_dma source(%arg11 : memref<16x128xf32, #tpu.memory_space<vmem>>) target(%dma_start3A_141 : memref<10000x128xf32, #tpu.memory_space<vmem_shared>>) offsets(%arg10 : memref<16xi32, #tpu.memory_space<vmem>>) semaphore(%run_scoped3A : memref<!tpu.dma_semaphore, #tpu.memory_space<semaphore_mem>>) {add = true}
      %dma_wait3A_142 = arith.constant 0 : i32
      %dma_wait3A_143 = arith.constant 0 : i32
      %dma_wait3A_144 = tpu.memref_slice %arg24[%dma_wait3A_142, %dma_wait3A_143] : memref<10000x128xf32, #tpu.memory_space<vmem_shared>> -> memref<10000x128xf32, #tpu.memory_space<vmem_shared>>
      tpu.wait_indirect_dma semaphore(%run_scoped3A : memref<!tpu.dma_semaphore, #tpu.memory_space<semaphore_mem>>) src(%arg11 : memref<16x128xf32, #tpu.memory_space<vmem>>) dst(%dma_wait3A_144 : memref<10000x128xf32, #tpu.memory_space<vmem_shared>>)
      tpu.yield
    }) : () -> ()
    %barrier3A_128 = arith.constant 0 : index
    tpu.barrier barrier_id(%barrier3A_128)
    %lt3A_129 = arith.constant 2 : i32
    %lt3A_130 = arith.cmpi slt, %arg1, %lt3A_129 : i32
    %convert_element_type3A_131 = arith.extui %lt3A_130 : i1 to i32
    %cond3A_132 = arith.constant 0 : i32
    %cond3A_133 = arith.cmpi ne, %convert_element_type3A_131, %cond3A_132 : i32
    scf.if %cond3A_133 {
      "tpu.region"() ({
        %run_scoped3A = tpu.sem_alloc : memref<!tpu.dma_semaphore, #tpu.memory_space<semaphore_mem>>
        %dma_start3A_139 = arith.constant 0 : i32
        %dma_start3A_140 = tpu.memref_slice %arg5[%arg0, %select_n3A, %dma_start3A_139] : memref<2x10000x128xf32, #tpu.memory_space<hbm>> -> memref<1x632x128xf32, #tpu.memory_space<hbm>>
        %dma_start3A_141 = tpu.memref_squeeze %dma_start3A_140 : memref<1x632x128xf32, #tpu.memory_space<hbm>> -> memref<632x128xf32, #tpu.memory_space<hbm>>
        %dma_start3A_142 = arith.constant 0 : i32
        %dma_start3A_143 = tpu.memref_slice %arg24[%select_n3A, %dma_start3A_142] : memref<10000x128xf32, #tpu.memory_space<vmem_shared>> -> memref<632x128xf32, #tpu.memory_space<vmem_shared>>
        tpu.enqueue_dma source(%dma_start3A_143 : memref<632x128xf32, #tpu.memory_space<vmem_shared>>) target(%dma_start3A_141 : memref<632x128xf32, #tpu.memory_space<hbm>>) target_semaphore(%run_scoped3A : memref<!tpu.dma_semaphore, #tpu.memory_space<semaphore_mem>>)
        %dma_wait3A_144 = arith.constant 0 : i32
        %dma_wait3A_145 = tpu.memref_slice %arg5[%arg0, %select_n3A, %dma_wait3A_144] : memref<2x10000x128xf32, #tpu.memory_space<hbm>> -> memref<1x632x128xf32, #tpu.memory_space<hbm>>
        %dma_wait3A_146 = tpu.memref_squeeze %dma_wait3A_145 : memref<1x632x128xf32, #tpu.memory_space<hbm>> -> memref<632x128xf32, #tpu.memory_space<hbm>>
        %dma_wait3A_147 = arith.constant 0 : i32
        %dma_wait3A_148 = tpu.memref_slice %arg24[%select_n3A, %dma_wait3A_147] : memref<10000x128xf32, #tpu.memory_space<vmem_shared>> -> memref<632x128xf32, #tpu.memory_space<vmem_shared>>
        tpu.wait_dma2 semaphore(%run_scoped3A : memref<!tpu.dma_semaphore, #tpu.memory_space<semaphore_mem>>) src(%dma_wait3A_148 : memref<632x128xf32, #tpu.memory_space<vmem_shared>>) dst(%dma_wait3A_146 : memref<632x128xf32, #tpu.memory_space<hbm>>)
        tpu.yield
      }) : () -> ()
    } else {
    }
    %ge3A_134 = arith.constant 2 : i32
    %ge3A_135 = arith.cmpi sge, %arg1, %ge3A_134 : i32
    %convert_element_type3A_136 = arith.extui %ge3A_135 : i1 to i32
    %cond3A_137 = arith.constant 0 : i32
    %cond3A_138 = arith.cmpi ne, %convert_element_type3A_136, %cond3A_137 : i32
    scf.if %cond3A_138 {
      "tpu.region"() ({
        %run_scoped3A = tpu.sem_alloc : memref<!tpu.dma_semaphore, #tpu.memory_space<semaphore_mem>>
        %dma_start3A_139 = arith.constant 0 : i32
        %dma_start3A_140 = tpu.memref_slice %arg5[%arg0, %select_n3A, %dma_start3A_139] : memref<2x10000x128xf32, #tpu.memory_space<hbm>> -> memref<1x624x128xf32, #tpu.memory_space<hbm>>
        %dma_start3A_141 = tpu.memref_squeeze %dma_start3A_140 : memref<1x624x128xf32, #tpu.memory_space<hbm>> -> memref<624x128xf32, #tpu.memory_space<hbm>>
        %dma_start3A_142 = arith.constant 0 : i32
        %dma_start3A_143 = tpu.memref_slice %arg24[%select_n3A, %dma_start3A_142] : memref<10000x128xf32, #tpu.memory_space<vmem_shared>> -> memref<624x128xf32, #tpu.memory_space<vmem_shared>>
        tpu.enqueue_dma source(%dma_start3A_143 : memref<624x128xf32, #tpu.memory_space<vmem_shared>>) target(%dma_start3A_141 : memref<624x128xf32, #tpu.memory_space<hbm>>) target_semaphore(%run_scoped3A : memref<!tpu.dma_semaphore, #tpu.memory_space<semaphore_mem>>)
        %dma_wait3A_144 = arith.constant 0 : i32
        %dma_wait3A_145 = tpu.memref_slice %arg5[%arg0, %select_n3A, %dma_wait3A_144] : memref<2x10000x128xf32, #tpu.memory_space<hbm>> -> memref<1x624x128xf32, #tpu.memory_space<hbm>>
        %dma_wait3A_146 = tpu.memref_squeeze %dma_wait3A_145 : memref<1x624x128xf32, #tpu.memory_space<hbm>> -> memref<624x128xf32, #tpu.memory_space<hbm>>
        %dma_wait3A_147 = arith.constant 0 : i32
        %dma_wait3A_148 = tpu.memref_slice %arg24[%select_n3A, %dma_wait3A_147] : memref<10000x128xf32, #tpu.memory_space<vmem_shared>> -> memref<624x128xf32, #tpu.memory_space<vmem_shared>>
        tpu.wait_dma2 semaphore(%run_scoped3A : memref<!tpu.dma_semaphore, #tpu.memory_space<semaphore_mem>>) src(%dma_wait3A_148 : memref<624x128xf32, #tpu.memory_space<vmem_shared>>) dst(%dma_wait3A_146 : memref<624x128xf32, #tpu.memory_space<hbm>>)
        tpu.yield
      }) : () -> ()
    } else {
    }
    return
  }
}

#map = affine_map<(d0, d1) -> (0, 0)>
#map1 = affine_map<(d0, d1) -> (0)>
#map2 = affine_map<(d0, d1) -> (0, 0, 0)>
module attributes {stable_mosaic.version = 14 : i64} {
  func.func @_sc_edge_segsum(%arg0: i32, %arg1: i32, %arg2: memref<10000x128xf32, #tpu.memory_space<hbm>>, %arg3: memref<320000xi32, #tpu.memory_space<hbm>>, %arg4: memref<320000xi32, #tpu.memory_space<hbm>>, %arg5: memref<2x10000x128xf32, #tpu.memory_space<hbm>>, %arg6: memref<4x64xi32, #tpu.memory_space<vmem>>, %arg7: memref<4x64xi32, #tpu.memory_space<vmem>>, %arg8: memref<4x64x128xf32, #tpu.memory_space<vmem>>, %arg9: memref<16xi32, #tpu.memory_space<vmem>>, %arg10: memref<16xi32, #tpu.memory_space<vmem>>, %arg11: memref<16x128xf32, #tpu.memory_space<vmem>>, %arg12: memref<!tpu.dma_semaphore, #tpu.memory_space<semaphore_mem>>, %arg13: memref<!tpu.dma_semaphore, #tpu.memory_space<semaphore_mem>>, %arg14: memref<!tpu.dma_semaphore, #tpu.memory_space<semaphore_mem>>, %arg15: memref<!tpu.dma_semaphore, #tpu.memory_space<semaphore_mem>>, %arg16: memref<!tpu.dma_semaphore, #tpu.memory_space<semaphore_mem>>, %arg17: memref<!tpu.dma_semaphore, #tpu.memory_space<semaphore_mem>>, %arg18: memref<!tpu.dma_semaphore, #tpu.memory_space<semaphore_mem>>, %arg19: memref<!tpu.dma_semaphore, #tpu.memory_space<semaphore_mem>>, %arg20: memref<!tpu.dma_semaphore, #tpu.memory_space<semaphore_mem>>, %arg21: memref<!tpu.dma_semaphore, #tpu.memory_space<semaphore_mem>>, %arg22: memref<!tpu.dma_semaphore, #tpu.memory_space<semaphore_mem>>, %arg23: memref<!tpu.dma_semaphore, #tpu.memory_space<semaphore_mem>>, %arg24: memref<10000x128xf32, #tpu.memory_space<vmem_shared>>) attributes {dimension_semantics = [#tpu.dimension_semantics<core_parallel>, #tpu.dimension_semantics<subcore_parallel>], iteration_bounds = array<i64: 2, 16>, scalar_prefetch = 0 : i64, scratch_operands = 19 : i64, tpu.core_type = #tpu.core_type<sc_vector_subcore>, window_params = [{transform_indices = #map}, {transform_indices = #map1}, {transform_indices = #map1}, {transform_indices = #map2}]} {
    %mul3A = arith.constant 16 : i32
    %mul3A_0 = arith.muli %arg0, %mul3A : i32
    %add3A = arith.addi %mul3A_0, %arg1 : i32
    %scan3A = arith.constant 0 : i32
    %scan3A_1 = arith.constant 64 : i32
    %scan3A_2 = arith.addi %scan3A, %scan3A_1 : i32
    %scan3A_3 = arith.constant 1 : i32
    scf.for %scan3A_139 = %scan3A to %scan3A_2 step %scan3A_3  : i32 {
      %mul3A_140 = arith.constant 1 : i32
      %mul3A_141 = arith.muli %scan3A_139, %mul3A_140 : i32
      %add3A_142 = arith.constant 0 : i32
      %add3A_143 = arith.addi %add3A_142, %mul3A_141 : i32
      %scan3A_144 = arith.constant 0 : i32
      %scan3A_145 = arith.constant 8 : i32
      %scan3A_146 = arith.addi %scan3A_144, %scan3A_145 : i32
      %scan3A_147 = arith.constant 1 : i32
      scf.for %scan3A_149 = %scan3A_144 to %scan3A_146 step %scan3A_147  : i32 {
        %mul3A_150 = arith.constant 1 : i32
        %mul3A_151 = arith.muli %scan3A_149, %mul3A_150 : i32
        %add3A_152 = arith.constant 0 : i32
        %add3A_153 = arith.addi %add3A_152, %mul3A_151 : i32
        %broadcast_in_dim3A = arith.constant 0.000000e+00 : f32
        %broadcast_in_dim3A_154 = vector.broadcast %broadcast_in_dim3A : f32 to vector<16xf32>
        %mul3A_155 = arith.constant 16 : i32
        %mul3A_156 = arith.muli %add3A_153, %mul3A_155 : i32
        %swap3A = arith.constant 0 : i32
        %swap3A_157 = arith.index_cast %swap3A : i32 to index
        %swap3A_158 = arith.index_cast %add3A_143 : i32 to index
        %swap3A_159 = arith.index_cast %mul3A_156 : i32 to index
        %swap3A_160 = tpu.vector_load %arg8[%swap3A_157, %swap3A_158, %swap3A_159] {strides = array<i32>} : memref<4x64x128xf32, #tpu.memory_space<vmem>>, vector<1x1x16xf32>,
        %swap3A_161 = vector.shape_cast %swap3A_160 : vector<1x1x16xf32> to vector<16xf32>
        %swap3A_162 = vector.shape_cast %broadcast_in_dim3A_154 : vector<16xf32> to vector<1x1x16xf32>
        tpu.vector_store %arg8[%swap3A_157, %swap3A_158, %swap3A_159], %swap3A_162 {strides = array<i32>} : memref<4x64x128xf32, #tpu.memory_space<vmem>>, vector<1x1x16xf32>,
      }
      %scan3A_148 = arith.constant 8 : i32
    }
    %scan3A_4 = arith.constant 64 : i32
    %lt3A = arith.constant 2 : i32
    %lt3A_5 = arith.cmpi slt, %arg1, %lt3A : i32
    %mul3A_6 = arith.constant 632 : i32
    %mul3A_7 = arith.muli %arg1, %mul3A_6 : i32
    %sub3A = arith.constant 2 : i32
    %sub3A_8 = arith.subi %arg1, %sub3A : i32
    %mul3A_9 = arith.constant 624 : i32
    %mul3A_10 = arith.muli %sub3A_8, %mul3A_9 : i32
    %add3A_11 = arith.constant 1264 : i32
    %add3A_12 = arith.addi %add3A_11, %mul3A_10 : i32
    %select_n3A = arith.select %lt3A_5, %mul3A_7, %add3A_12 : i32
    %scan3A_13 = arith.constant 0 : i32
    %scan3A_14 = arith.constant 9 : i32
    %scan3A_15 = arith.addi %scan3A_13, %scan3A_14 : i32
    %scan3A_16 = arith.constant 1 : i32
    scf.for %scan3A_139 = %scan3A_13 to %scan3A_15 step %scan3A_16  : i32 {
      %mul3A_140 = arith.constant 1 : i32
      %mul3A_141 = arith.muli %scan3A_139, %mul3A_140 : i32
      %add3A_142 = arith.constant 0 : i32
      %add3A_143 = arith.addi %add3A_142, %mul3A_141 : i32
      %mul3A_144 = arith.constant 64 : i32
      %mul3A_145 = arith.muli %add3A_143, %mul3A_144 : i32
      %add3A_146 = arith.addi %select_n3A, %mul3A_145 : i32
      %run_scoped3A = arith.constant 0 : i32
      "tpu.region"() ({
        %run_scoped3A_147 = tpu.sem_alloc : memref<!tpu.dma_semaphore, #tpu.memory_space<semaphore_mem>>
        %dma_start3A_148 = arith.constant 0 : i32
        %dma_start3A_149 = arith.constant 0 : i32
        %dma_start3A_150 = tpu.memref_slice %arg8[%run_scoped3A, %dma_start3A_148, %dma_start3A_149] : memref<4x64x128xf32, #tpu.memory_space<vmem>> -> memref<1x64x128xf32, #tpu.memory_space<vmem>>
        %dma_start3A_151 = tpu.memref_squeeze %dma_start3A_150 : memref<1x64x128xf32, #tpu.memory_space<vmem>> -> memref<64x128xf32, #tpu.memory_space<vmem>>
        %dma_start3A_152 = arith.constant 0 : i32
        %dma_start3A_153 = tpu.memref_slice %arg24[%add3A_146, %dma_start3A_152] : memref<10000x128xf32, #tpu.memory_space<vmem_shared>> -> memref<64x128xf32, #tpu.memory_space<vmem_shared>>
        %dma_start3A_154 = arith.constant 0 : i32
        %dma_start3A_155 = tpu.memref_slice %arg24[%add3A_146, %dma_start3A_154] : memref<10000x128xf32, #tpu.memory_space<vmem_shared>> -> memref<64x128xf32, #tpu.memory_space<vmem_shared>>
        %dma_start3A_156 = arith.constant 0 : i32
        %dma_start3A_157 = arith.constant 0 : i32
        %dma_start3A_158 = tpu.memref_slice %arg8[%run_scoped3A, %dma_start3A_156, %dma_start3A_157] : memref<4x64x128xf32, #tpu.memory_space<vmem>> -> memref<1x64x128xf32, #tpu.memory_space<vmem>>
        %dma_start3A_159 = tpu.memref_squeeze %dma_start3A_158 : memref<1x64x128xf32, #tpu.memory_space<vmem>> -> memref<64x128xf32, #tpu.memory_space<vmem>>
        tpu.enqueue_dma source(%dma_start3A_159 : memref<64x128xf32, #tpu.memory_space<vmem>>) target(%dma_start3A_155 : memref<64x128xf32, #tpu.memory_space<vmem_shared>>) target_semaphore(%run_scoped3A_147 : memref<!tpu.dma_semaphore, #tpu.memory_space<semaphore_mem>>)
        %dma_wait3A_160 = arith.constant 0 : i32
        %dma_wait3A_161 = arith.constant 0 : i32
        %dma_wait3A_162 = tpu.memref_slice %arg8[%run_scoped3A, %dma_wait3A_160, %dma_wait3A_161] : memref<4x64x128xf32, #tpu.memory_space<vmem>> -> memref<1x64x128xf32, #tpu.memory_space<vmem>>
        %dma_wait3A_163 = tpu.memref_squeeze %dma_wait3A_162 : memref<1x64x128xf32, #tpu.memory_space<vmem>> -> memref<64x128xf32, #tpu.memory_space<vmem>>
        %dma_wait3A_164 = arith.constant 0 : i32
        %dma_wait3A_165 = tpu.memref_slice %arg24[%add3A_146, %dma_wait3A_164] : memref<10000x128xf32, #tpu.memory_space<vmem_shared>> -> memref<64x128xf32, #tpu.memory_space<vmem_shared>>
        %dma_wait3A_166 = arith.constant 0 : i32
        %dma_wait3A_167 = tpu.memref_slice %arg24[%add3A_146, %dma_wait3A_166] : memref<10000x128xf32, #tpu.memory_space<vmem_shared>> -> memref<64x128xf32, #tpu.memory_space<vmem_shared>>
        %dma_wait3A_168 = arith.constant 0 : i32
        %dma_wait3A_169 = arith.constant 0 : i32
        %dma_wait3A_170 = tpu.memref_slice %arg8[%run_scoped3A, %dma_wait3A_168, %dma_wait3A_169] : memref<4x64x128xf32, #tpu.memory_space<vmem>> -> memref<1x64x128xf32, #tpu.memory_space<vmem>>
        %dma_wait3A_171 = tpu.memref_squeeze %dma_wait3A_170 : memref<1x64x128xf32, #tpu.memory_space<vmem>> -> memref<64x128xf32, #tpu.memory_space<vmem>>
        tpu.wait_dma2 semaphore(%run_scoped3A_147 : memref<!tpu.dma_semaphore, #tpu.memory_space<semaphore_mem>>) src(%dma_wait3A_171 : memref<64x128xf32, #tpu.memory_space<vmem>>) dst(%dma_wait3A_167 : memref<64x128xf32, #tpu.memory_space<vmem_shared>>)
        tpu.yield
      }) : () -> ()
    }
    %scan3A_17 = arith.constant 9 : i32
    %lt3A_18 = arith.constant 2 : i32
    %lt3A_19 = arith.cmpi slt, %arg1, %lt3A_18 : i32
    %convert_element_type3A = arith.extui %lt3A_19 : i1 to i32
    %cond3A = arith.constant 0 : i32
    %cond3A_20 = arith.cmpi ne, %convert_element_type3A, %cond3A : i32
    scf.if %cond3A_20 {
      %add3A_139 = arith.constant 576 : i32
      %add3A_140 = arith.addi %select_n3A, %add3A_139 : i32
      %run_scoped3A = arith.constant 0 : i32
      "tpu.region"() ({
        %run_scoped3A_141 = tpu.sem_alloc : memref<!tpu.dma_semaphore, #tpu.memory_space<semaphore_mem>>
        %dma_start3A_142 = arith.constant 0 : i32
        %dma_start3A_143 = arith.constant 0 : i32
        %dma_start3A_144 = tpu.memref_slice %arg8[%run_scoped3A, %dma_start3A_142, %dma_start3A_143] : memref<4x64x128xf32, #tpu.memory_space<vmem>> -> memref<1x64x128xf32, #tpu.memory_space<vmem>>
        %dma_start3A_145 = tpu.memref_squeeze %dma_start3A_144 : memref<1x64x128xf32, #tpu.memory_space<vmem>> -> memref<64x128xf32, #tpu.memory_space<vmem>>
        %dma_start3A_146 = arith.constant 0 : i32
        %dma_start3A_147 = arith.constant 0 : i32
        %dma_start3A_148 = tpu.memref_slice %dma_start3A_145[%dma_start3A_146, %dma_start3A_147] : memref<64x128xf32, #tpu.memory_space<vmem>> -> memref<56x128xf32, #tpu.memory_space<vmem>>
        %dma_start3A_149 = arith.constant 0 : i32
        %dma_start3A_150 = tpu.memref_slice %arg24[%add3A_140, %dma_start3A_149] : memref<10000x128xf32, #tpu.memory_space<vmem_shared>> -> memref<56x128xf32, #tpu.memory_space<vmem_shared>>
        %dma_start3A_151 = arith.constant 0 : i32
        %dma_start3A_152 = tpu.memref_slice %arg24[%add3A_140, %dma_start3A_151] : memref<10000x128xf32, #tpu.memory_space<vmem_shared>> -> memref<56x128xf32, #tpu.memory_space<vmem_shared>>
        %dma_start3A_153 = arith.constant 0 : i32
        %dma_start3A_154 = arith.constant 0 : i32
        %dma_start3A_155 = tpu.memref_slice %arg8[%run_scoped3A, %dma_start3A_153, %dma_start3A_154] : memref<4x64x128xf32, #tpu.memory_space<vmem>> -> memref<1x64x128xf32, #tpu.memory_space<vmem>>
        %dma_start3A_156 = tpu.memref_squeeze %dma_start3A_155 : memref<1x64x128xf32, #tpu.memory_space<vmem>> -> memref<64x128xf32, #tpu.memory_space<vmem>>
        %dma_start3A_157 = arith.constant 0 : i32
        %dma_start3A_158 = arith.constant 0 : i32
        %dma_start3A_159 = tpu.memref_slice %dma_start3A_156[%dma_start3A_157, %dma_start3A_158] : memref<64x128xf32, #tpu.memory_space<vmem>> -> memref<56x128xf32, #tpu.memory_space<vmem>>
        tpu.enqueue_dma source(%dma_start3A_159 : memref<56x128xf32, #tpu.memory_space<vmem>>) target(%dma_start3A_152 : memref<56x128xf32, #tpu.memory_space<vmem_shared>>) target_semaphore(%run_scoped3A_141 : memref<!tpu.dma_semaphore, #tpu.memory_space<semaphore_mem>>)
        %dma_wait3A_160 = arith.constant 0 : i32
        %dma_wait3A_161 = arith.constant 0 : i32
        %dma_wait3A_162 = tpu.memref_slice %arg8[%run_scoped3A, %dma_wait3A_160, %dma_wait3A_161] : memref<4x64x128xf32, #tpu.memory_space<vmem>> -> memref<1x64x128xf32, #tpu.memory_space<vmem>>
        %dma_wait3A_163 = tpu.memref_squeeze %dma_wait3A_162 : memref<1x64x128xf32, #tpu.memory_space<vmem>> -> memref<64x128xf32, #tpu.memory_space<vmem>>
        %dma_wait3A_164 = arith.constant 0 : i32
        %dma_wait3A_165 = arith.constant 0 : i32
        %dma_wait3A_166 = tpu.memref_slice %dma_wait3A_163[%dma_wait3A_164, %dma_wait3A_165] : memref<64x128xf32, #tpu.memory_space<vmem>> -> memref<56x128xf32, #tpu.memory_space<vmem>>
        %dma_wait3A_167 = arith.constant 0 : i32
        %dma_wait3A_168 = tpu.memref_slice %arg24[%add3A_140, %dma_wait3A_167] : memref<10000x128xf32, #tpu.memory_space<vmem_shared>> -> memref<56x128xf32, #tpu.memory_space<vmem_shared>>
        %dma_wait3A_169 = arith.constant 0 : i32
        %dma_wait3A_170 = tpu.memref_slice %arg24[%add3A_140, %dma_wait3A_169] : memref<10000x128xf32, #tpu.memory_space<vmem_shared>> -> memref<56x128xf32, #tpu.memory_space<vmem_shared>>
        %dma_wait3A_171 = arith.constant 0 : i32
        %dma_wait3A_172 = arith.constant 0 : i32
        %dma_wait3A_173 = tpu.memref_slice %arg8[%run_scoped3A, %dma_wait3A_171, %dma_wait3A_172] : memref<4x64x128xf32, #tpu.memory_space<vmem>> -> memref<1x64x128xf32, #tpu.memory_space<vmem>>
        %dma_wait3A_174 = tpu.memref_squeeze %dma_wait3A_173 : memref<1x64x128xf32, #tpu.memory_space<vmem>> -> memref<64x128xf32, #tpu.memory_space<vmem>>
        %dma_wait3A_175 = arith.constant 0 : i32
        %dma_wait3A_176 = arith.constant 0 : i32
        %dma_wait3A_177 = tpu.memref_slice %dma_wait3A_174[%dma_wait3A_175, %dma_wait3A_176] : memref<64x128xf32, #tpu.memory_space<vmem>> -> memref<56x128xf32, #tpu.memory_space<vmem>>
        tpu.wait_dma2 semaphore(%run_scoped3A_141 : memref<!tpu.dma_semaphore, #tpu.memory_space<semaphore_mem>>) src(%dma_wait3A_177 : memref<56x128xf32, #tpu.memory_space<vmem>>) dst(%dma_wait3A_170 : memref<56x128xf32, #tpu.memory_space<vmem_shared>>)
        tpu.yield
      }) : () -> ()
    } else {
    }
    %ge3A = arith.constant 2 : i32
    %ge3A_21 = arith.cmpi sge, %arg1, %ge3A : i32
    %convert_element_type3A_22 = arith.extui %ge3A_21 : i1 to i32
    %cond3A_23 = arith.constant 0 : i32
    %cond3A_24 = arith.cmpi ne, %convert_element_type3A_22, %cond3A_23 : i32
    scf.if %cond3A_24 {
      %add3A_139 = arith.constant 576 : i32
      %add3A_140 = arith.addi %select_n3A, %add3A_139 : i32
      %run_scoped3A = arith.constant 0 : i32
      "tpu.region"() ({
        %run_scoped3A_141 = tpu.sem_alloc : memref<!tpu.dma_semaphore, #tpu.memory_space<semaphore_mem>>
        %dma_start3A_142 = arith.constant 0 : i32
        %dma_start3A_143 = arith.constant 0 : i32
        %dma_start3A_144 = tpu.memref_slice %arg8[%run_scoped3A, %dma_start3A_142, %dma_start3A_143] : memref<4x64x128xf32, #tpu.memory_space<vmem>> -> memref<1x64x128xf32, #tpu.memory_space<vmem>>
        %dma_start3A_145 = tpu.memref_squeeze %dma_start3A_144 : memref<1x64x128xf32, #tpu.memory_space<vmem>> -> memref<64x128xf32, #tpu.memory_space<vmem>>
        %dma_start3A_146 = arith.constant 0 : i32
        %dma_start3A_147 = arith.constant 0 : i32
        %dma_start3A_148 = tpu.memref_slice %dma_start3A_145[%dma_start3A_146, %dma_start3A_147] : memref<64x128xf32, #tpu.memory_space<vmem>> -> memref<48x128xf32, #tpu.memory_space<vmem>>
        %dma_start3A_149 = arith.constant 0 : i32
        %dma_start3A_150 = tpu.memref_slice %arg24[%add3A_140, %dma_start3A_149] : memref<10000x128xf32, #tpu.memory_space<vmem_shared>> -> memref<48x128xf32, #tpu.memory_space<vmem_shared>>
        %dma_start3A_151 = arith.constant 0 : i32
        %dma_start3A_152 = tpu.memref_slice %arg24[%add3A_140, %dma_start3A_151] : memref<10000x128xf32, #tpu.memory_space<vmem_shared>> -> memref<48x128xf32, #tpu.memory_space<vmem_shared>>
        %dma_start3A_153 = arith.constant 0 : i32
        %dma_start3A_154 = arith.constant 0 : i32
        %dma_start3A_155 = tpu.memref_slice %arg8[%run_scoped3A, %dma_start3A_153, %dma_start3A_154] : memref<4x64x128xf32, #tpu.memory_space<vmem>> -> memref<1x64x128xf32, #tpu.memory_space<vmem>>
        %dma_start3A_156 = tpu.memref_squeeze %dma_start3A_155 : memref<1x64x128xf32, #tpu.memory_space<vmem>> -> memref<64x128xf32, #tpu.memory_space<vmem>>
        %dma_start3A_157 = arith.constant 0 : i32
        %dma_start3A_158 = arith.constant 0 : i32
        %dma_start3A_159 = tpu.memref_slice %dma_start3A_156[%dma_start3A_157, %dma_start3A_158] : memref<64x128xf32, #tpu.memory_space<vmem>> -> memref<48x128xf32, #tpu.memory_space<vmem>>
        tpu.enqueue_dma source(%dma_start3A_159 : memref<48x128xf32, #tpu.memory_space<vmem>>) target(%dma_start3A_152 : memref<48x128xf32, #tpu.memory_space<vmem_shared>>) target_semaphore(%run_scoped3A_141 : memref<!tpu.dma_semaphore, #tpu.memory_space<semaphore_mem>>)
        %dma_wait3A_160 = arith.constant 0 : i32
        %dma_wait3A_161 = arith.constant 0 : i32
        %dma_wait3A_162 = tpu.memref_slice %arg8[%run_scoped3A, %dma_wait3A_160, %dma_wait3A_161] : memref<4x64x128xf32, #tpu.memory_space<vmem>> -> memref<1x64x128xf32, #tpu.memory_space<vmem>>
        %dma_wait3A_163 = tpu.memref_squeeze %dma_wait3A_162 : memref<1x64x128xf32, #tpu.memory_space<vmem>> -> memref<64x128xf32, #tpu.memory_space<vmem>>
        %dma_wait3A_164 = arith.constant 0 : i32
        %dma_wait3A_165 = arith.constant 0 : i32
        %dma_wait3A_166 = tpu.memref_slice %dma_wait3A_163[%dma_wait3A_164, %dma_wait3A_165] : memref<64x128xf32, #tpu.memory_space<vmem>> -> memref<48x128xf32, #tpu.memory_space<vmem>>
        %dma_wait3A_167 = arith.constant 0 : i32
        %dma_wait3A_168 = tpu.memref_slice %arg24[%add3A_140, %dma_wait3A_167] : memref<10000x128xf32, #tpu.memory_space<vmem_shared>> -> memref<48x128xf32, #tpu.memory_space<vmem_shared>>
        %dma_wait3A_169 = arith.constant 0 : i32
        %dma_wait3A_170 = tpu.memref_slice %arg24[%add3A_140, %dma_wait3A_169] : memref<10000x128xf32, #tpu.memory_space<vmem_shared>> -> memref<48x128xf32, #tpu.memory_space<vmem_shared>>
        %dma_wait3A_171 = arith.constant 0 : i32
        %dma_wait3A_172 = arith.constant 0 : i32
        %dma_wait3A_173 = tpu.memref_slice %arg8[%run_scoped3A, %dma_wait3A_171, %dma_wait3A_172] : memref<4x64x128xf32, #tpu.memory_space<vmem>> -> memref<1x64x128xf32, #tpu.memory_space<vmem>>
        %dma_wait3A_174 = tpu.memref_squeeze %dma_wait3A_173 : memref<1x64x128xf32, #tpu.memory_space<vmem>> -> memref<64x128xf32, #tpu.memory_space<vmem>>
        %dma_wait3A_175 = arith.constant 0 : i32
        %dma_wait3A_176 = arith.constant 0 : i32
        %dma_wait3A_177 = tpu.memref_slice %dma_wait3A_174[%dma_wait3A_175, %dma_wait3A_176] : memref<64x128xf32, #tpu.memory_space<vmem>> -> memref<48x128xf32, #tpu.memory_space<vmem>>
        tpu.wait_dma2 semaphore(%run_scoped3A_141 : memref<!tpu.dma_semaphore, #tpu.memory_space<semaphore_mem>>) src(%dma_wait3A_177 : memref<48x128xf32, #tpu.memory_space<vmem>>) dst(%dma_wait3A_170 : memref<48x128xf32, #tpu.memory_space<vmem_shared>>)
        tpu.yield
      }) : () -> ()
    } else {
    }
    %barrier3A = arith.constant 0 : index
    tpu.barrier barrier_id(%barrier3A)
    %mul3A_25 = arith.constant 10000 : i32
    %mul3A_26 = arith.muli %add3A, %mul3A_25 : i32
    %add3A_27 = arith.constant 0 : i32
    %add3A_28 = arith.addi %mul3A_26, %add3A_27 : i32
    %dma_start3A = arith.constant 0 : i32
    %dma_start3A_29 = arith.constant 0 : i32
    %dma_start3A_30 = tpu.memref_slice %arg6[%dma_start3A, %dma_start3A_29] : memref<4x64xi32, #tpu.memory_space<vmem>> -> memref<1x64xi32, #tpu.memory_space<vmem>>
    %dma_start3A_31 = tpu.memref_squeeze %dma_start3A_30 : memref<1x64xi32, #tpu.memory_space<vmem>> -> memref<64xi32, #tpu.memory_space<vmem>>
    %dma_start3A_32 = tpu.memref_slice %arg3[%add3A_28] : memref<320000xi32, #tpu.memory_space<hbm>> -> memref<64xi32, #tpu.memory_space<hbm>>
    %dma_start3A_33 = arith.constant 0 : i32
    %dma_start3A_34 = tpu.memref_slice %arg6[%dma_start3A, %dma_start3A_33] : memref<4x64xi32, #tpu.memory_space<vmem>> -> memref<1x64xi32, #tpu.memory_space<vmem>>
    %dma_start3A_35 = tpu.memref_squeeze %dma_start3A_34 : memref<1x64xi32, #tpu.memory_space<vmem>> -> memref<64xi32, #tpu.memory_space<vmem>>
    %dma_start3A_36 = tpu.memref_slice %arg3[%add3A_28] : memref<320000xi32, #tpu.memory_space<hbm>> -> memref<64xi32, #tpu.memory_space<hbm>>
    tpu.enqueue_dma source(%dma_start3A_36 : memref<64xi32, #tpu.memory_space<hbm>>) target(%dma_start3A_35 : memref<64xi32, #tpu.memory_space<vmem>>) target_semaphore(%arg16 : memref<!tpu.dma_semaphore, #tpu.memory_space<semaphore_mem>>)
    %dma_start3A_37 = arith.constant 0 : i32
    %dma_start3A_38 = arith.constant 0 : i32
    %dma_start3A_39 = tpu.memref_slice %arg7[%dma_start3A_37, %dma_start3A_38] : memref<4x64xi32, #tpu.memory_space<vmem>> -> memref<1x64xi32, #tpu.memory_space<vmem>>
    %dma_start3A_40 = tpu.memref_squeeze %dma_start3A_39 : memref<1x64xi32, #tpu.memory_space<vmem>> -> memref<64xi32, #tpu.memory_space<vmem>>
    %dma_start3A_41 = tpu.memref_slice %arg4[%add3A_28] : memref<320000xi32, #tpu.memory_space<hbm>> -> memref<64xi32, #tpu.memory_space<hbm>>
    %dma_start3A_42 = arith.constant 0 : i32
    %dma_start3A_43 = tpu.memref_slice %arg7[%dma_start3A_37, %dma_start3A_42] : memref<4x64xi32, #tpu.memory_space<vmem>> -> memref<1x64xi32, #tpu.memory_space<vmem>>
    %dma_start3A_44 = tpu.memref_squeeze %dma_start3A_43 : memref<1x64xi32, #tpu.memory_space<vmem>> -> memref<64xi32, #tpu.memory_space<vmem>>
    %dma_start3A_45 = tpu.memref_slice %arg4[%add3A_28] : memref<320000xi32, #tpu.memory_space<hbm>> -> memref<64xi32, #tpu.memory_space<hbm>>
    tpu.enqueue_dma source(%dma_start3A_45 : memref<64xi32, #tpu.memory_space<hbm>>) target(%dma_start3A_44 : memref<64xi32, #tpu.memory_space<vmem>>) target_semaphore(%arg16 : memref<!tpu.dma_semaphore, #tpu.memory_space<semaphore_mem>>)
    %add3A_46 = arith.constant 64 : i32
    %add3A_47 = arith.addi %mul3A_26, %add3A_46 : i32
    %dma_start3A_48 = arith.constant 1 : i32
    %dma_start3A_49 = arith.constant 0 : i32
    %dma_start3A_50 = tpu.memref_slice %arg6[%dma_start3A_48, %dma_start3A_49] : memref<4x64xi32, #tpu.memory_space<vmem>> -> memref<1x64xi32, #tpu.memory_space<vmem>>
    %dma_start3A_51 = tpu.memref_squeeze %dma_start3A_50 : memref<1x64xi32, #tpu.memory_space<vmem>> -> memref<64xi32, #tpu.memory_space<vmem>>
    %dma_start3A_52 = tpu.memref_slice %arg3[%add3A_47] : memref<320000xi32, #tpu.memory_space<hbm>> -> memref<64xi32, #tpu.memory_space<hbm>>
    %dma_start3A_53 = arith.constant 0 : i32
    %dma_start3A_54 = tpu.memref_slice %arg6[%dma_start3A_48, %dma_start3A_53] : memref<4x64xi32, #tpu.memory_space<vmem>> -> memref<1x64xi32, #tpu.memory_space<vmem>>
    %dma_start3A_55 = tpu.memref_squeeze %dma_start3A_54 : memref<1x64xi32, #tpu.memory_space<vmem>> -> memref<64xi32, #tpu.memory_space<vmem>>
    %dma_start3A_56 = tpu.memref_slice %arg3[%add3A_47] : memref<320000xi32, #tpu.memory_space<hbm>> -> memref<64xi32, #tpu.memory_space<hbm>>
    tpu.enqueue_dma source(%dma_start3A_56 : memref<64xi32, #tpu.memory_space<hbm>>) target(%dma_start3A_55 : memref<64xi32, #tpu.memory_space<vmem>>) target_semaphore(%arg17 : memref<!tpu.dma_semaphore, #tpu.memory_space<semaphore_mem>>)
    %dma_start3A_57 = arith.constant 1 : i32
    %dma_start3A_58 = arith.constant 0 : i32
    %dma_start3A_59 = tpu.memref_slice %arg7[%dma_start3A_57, %dma_start3A_58] : memref<4x64xi32, #tpu.memory_space<vmem>> -> memref<1x64xi32, #tpu.memory_space<vmem>>
    %dma_start3A_60 = tpu.memref_squeeze %dma_start3A_59 : memref<1x64xi32, #tpu.memory_space<vmem>> -> memref<64xi32, #tpu.memory_space<vmem>>
    %dma_start3A_61 = tpu.memref_slice %arg4[%add3A_47] : memref<320000xi32, #tpu.memory_space<hbm>> -> memref<64xi32, #tpu.memory_space<hbm>>
    %dma_start3A_62 = arith.constant 0 : i32
    %dma_start3A_63 = tpu.memref_slice %arg7[%dma_start3A_57, %dma_start3A_62] : memref<4x64xi32, #tpu.memory_space<vmem>> -> memref<1x64xi32, #tpu.memory_space<vmem>>
    %dma_start3A_64 = tpu.memref_squeeze %dma_start3A_63 : memref<1x64xi32, #tpu.memory_space<vmem>> -> memref<64xi32, #tpu.memory_space<vmem>>
    %dma_start3A_65 = tpu.memref_slice %arg4[%add3A_47] : memref<320000xi32, #tpu.memory_space<hbm>> -> memref<64xi32, #tpu.memory_space<hbm>>
    tpu.enqueue_dma source(%dma_start3A_65 : memref<64xi32, #tpu.memory_space<hbm>>) target(%dma_start3A_64 : memref<64xi32, #tpu.memory_space<vmem>>) target_semaphore(%arg17 : memref<!tpu.dma_semaphore, #tpu.memory_space<semaphore_mem>>)
    %add3A_66 = arith.constant 0 : i32
    %add3A_67 = arith.addi %mul3A_26, %add3A_66 : i32
    %dma_wait3A = arith.constant 0 : i32
    %dma_wait3A_68 = arith.constant 0 : i32
    %dma_wait3A_69 = tpu.memref_slice %arg6[%dma_wait3A, %dma_wait3A_68] : memref<4x64xi32, #tpu.memory_space<vmem>> -> memref<1x64xi32, #tpu.memory_space<vmem>>
    %dma_wait3A_70 = tpu.memref_squeeze %dma_wait3A_69 : memref<1x64xi32, #tpu.memory_space<vmem>> -> memref<64xi32, #tpu.memory_space<vmem>>
    %dma_wait3A_71 = tpu.memref_slice %arg3[%add3A_67] : memref<320000xi32, #tpu.memory_space<hbm>> -> memref<64xi32, #tpu.memory_space<hbm>>
    %dma_wait3A_72 = arith.constant 0 : i32
    %dma_wait3A_73 = tpu.memref_slice %arg6[%dma_wait3A, %dma_wait3A_72] : memref<4x64xi32, #tpu.memory_space<vmem>> -> memref<1x64xi32, #tpu.memory_space<vmem>>
    %dma_wait3A_74 = tpu.memref_squeeze %dma_wait3A_73 : memref<1x64xi32, #tpu.memory_space<vmem>> -> memref<64xi32, #tpu.memory_space<vmem>>
    %dma_wait3A_75 = tpu.memref_slice %arg3[%add3A_67] : memref<320000xi32, #tpu.memory_space<hbm>> -> memref<64xi32, #tpu.memory_space<hbm>>
    tpu.wait_dma2 semaphore(%arg16 : memref<!tpu.dma_semaphore, #tpu.memory_space<semaphore_mem>>) src(%dma_wait3A_75 : memref<64xi32, #tpu.memory_space<hbm>>) dst(%dma_wait3A_74 : memref<64xi32, #tpu.memory_space<vmem>>)
    %dma_wait3A_76 = arith.constant 0 : i32
    %dma_wait3A_77 = arith.constant 0 : i32
    %dma_wait3A_78 = tpu.memref_slice %arg7[%dma_wait3A_76, %dma_wait3A_77] : memref<4x64xi32, #tpu.memory_space<vmem>> -> memref<1x64xi32, #tpu.memory_space<vmem>>
    %dma_wait3A_79 = tpu.memref_squeeze %dma_wait3A_78 : memref<1x64xi32, #tpu.memory_space<vmem>> -> memref<64xi32, #tpu.memory_space<vmem>>
    %dma_wait3A_80 = tpu.memref_slice %arg4[%add3A_67] : memref<320000xi32, #tpu.memory_space<hbm>> -> memref<64xi32, #tpu.memory_space<hbm>>
    %dma_wait3A_81 = arith.constant 0 : i32
    %dma_wait3A_82 = tpu.memref_slice %arg7[%dma_wait3A_76, %dma_wait3A_81] : memref<4x64xi32, #tpu.memory_space<vmem>> -> memref<1x64xi32, #tpu.memory_space<vmem>>
    %dma_wait3A_83 = tpu.memref_squeeze %dma_wait3A_82 : memref<1x64xi32, #tpu.memory_space<vmem>> -> memref<64xi32, #tpu.memory_space<vmem>>
    %dma_wait3A_84 = tpu.memref_slice %arg4[%add3A_67] : memref<320000xi32, #tpu.memory_space<hbm>> -> memref<64xi32, #tpu.memory_space<hbm>>
    tpu.wait_dma2 semaphore(%arg16 : memref<!tpu.dma_semaphore, #tpu.memory_space<semaphore_mem>>) src(%dma_wait3A_84 : memref<64xi32, #tpu.memory_space<hbm>>) dst(%dma_wait3A_83 : memref<64xi32, #tpu.memory_space<vmem>>)
    %dma_start3A_85 = arith.constant 0 : i32
    %dma_start3A_86 = arith.constant 0 : i32
    %dma_start3A_87 = arith.constant 0 : i32
    %dma_start3A_88 = arith.constant 0 : i32
    %dma_start3A_89 = tpu.memref_slice %arg8[%dma_start3A_86, %dma_start3A_87, %dma_start3A_88] : memref<4x64x128xf32, #tpu.memory_space<vmem>> -> memref<1x64x128xf32, #tpu.memory_space<vmem>>
    %dma_start3A_90 = tpu.memref_squeeze %dma_start3A_89 : memref<1x64x128xf32, #tpu.memory_space<vmem>> -> memref<64x128xf32, #tpu.memory_space<vmem>>
    %dma_start3A_91 = arith.constant 0 : i32
    %dma_start3A_92 = tpu.memref_slice %arg6[%dma_start3A_85, %dma_start3A_91] : memref<4x64xi32, #tpu.memory_space<vmem>> -> memref<1x64xi32, #tpu.memory_space<vmem>>
    %dma_start3A_93 = tpu.memref_squeeze %dma_start3A_92 : memref<1x64xi32, #tpu.memory_space<vmem>> -> memref<64xi32, #tpu.memory_space<vmem>>
    %dma_start3A_94 = arith.constant 0 : i32
    %dma_start3A_95 = arith.constant 0 : i32
    %dma_start3A_96 = tpu.memref_slice %arg2[%dma_start3A_94, %dma_start3A_95] : memref<10000x128xf32, #tpu.memory_space<hbm>> -> memref<10000x128xf32, #tpu.memory_space<hbm>>
    tpu.enqueue_indirect_dma source(%dma_start3A_96 : memref<10000x128xf32, #tpu.memory_space<hbm>>) target(%dma_start3A_90 : memref<64x128xf32, #tpu.memory_space<vmem>>) offsets(%dma_start3A_93 : memref<64xi32, #tpu.memory_space<vmem>>) semaphore(%arg12 : memref<!tpu.dma_semaphore, #tpu.memory_space<semaphore_mem>>)
    %scan3A_97 = arith.constant 0 : i32
    %scan3A_98 = arith.constant 39 : i32
    %scan3A_99 = arith.addi %scan3A_97, %scan3A_98 : i32
    %scan3A_100 = arith.constant 1 : i32
    scf.for %scan3A_139 = %scan3A_97 to %scan3A_99 step %scan3A_100  : i32 {
      %mul3A_140 = arith.constant 1 : i32
      %mul3A_141 = arith.muli %scan3A_139, %mul3A_140 : i32
      %add3A_142 = arith.constant 0 : i32
      %add3A_143 = arith.addi %add3A_142, %mul3A_141 : i32
      %mul3A_144 = arith.constant 4 : i32
      %mul3A_145 = arith.muli %mul3A_144, %add3A_143 : i32
      %add3A_146 = arith.constant 0 : i32
      %add3A_147 = arith.addi %mul3A_145, %add3A_146 : i32
      %ge3A_148 = arith.constant 2 : i32
      %ge3A_149 = arith.cmpi sge, %add3A_147, %ge3A_148 : i32
      %convert_element_type3A_150 = arith.extui %ge3A_149 : i1 to i32
      %cond3A_151 = arith.constant 0 : i32
      %cond3A_152 = arith.cmpi ne, %convert_element_type3A_150, %cond3A_151 : i32
      scf.if %cond3A_152 {
        %dma_wait3A_332 = arith.constant 2 : i32
        %dma_wait3A_333 = arith.constant 2 : i32
        %dma_wait3A_334 = arith.constant 0 : i32
        %dma_wait3A_335 = arith.constant 0 : i32
        %dma_wait3A_336 = tpu.memref_slice %arg8[%dma_wait3A_332, %dma_wait3A_334, %dma_wait3A_335] : memref<4x64x128xf32, #tpu.memory_space<vmem>> -> memref<1x64x128xf32, #tpu.memory_space<vmem>>
        %dma_wait3A_337 = tpu.memref_squeeze %dma_wait3A_336 : memref<1x64x128xf32, #tpu.memory_space<vmem>> -> memref<64x128xf32, #tpu.memory_space<vmem>>
        %dma_wait3A_338 = arith.constant 0 : i32
        %dma_wait3A_339 = tpu.memref_slice %arg7[%dma_wait3A_333, %dma_wait3A_338] : memref<4x64xi32, #tpu.memory_space<vmem>> -> memref<1x64xi32, #tpu.memory_space<vmem>>
        %dma_wait3A_340 = tpu.memref_squeeze %dma_wait3A_339 : memref<1x64xi32, #tpu.memory_space<vmem>> -> memref<64xi32, #tpu.memory_space<vmem>>
        %dma_wait3A_341 = arith.constant 0 : i32
        %dma_wait3A_342 = arith.constant 0 : i32
        %dma_wait3A_343 = tpu.memref_slice %arg24[%dma_wait3A_341, %dma_wait3A_342] : memref<10000x128xf32, #tpu.memory_space<vmem_shared>> -> memref<10000x128xf32, #tpu.memory_space<vmem_shared>>
        tpu.wait_indirect_dma semaphore(%arg22 : memref<!tpu.dma_semaphore, #tpu.memory_space<semaphore_mem>>) src(%dma_wait3A_337 : memref<64x128xf32, #tpu.memory_space<vmem>>) dst(%dma_wait3A_343 : memref<10000x128xf32, #tpu.memory_space<vmem_shared>>)
      } else {
      }
      %add3A_153 = arith.constant 2 : i32
      %add3A_154 = arith.addi %add3A_147, %add3A_153 : i32
      %lt3A_155 = arith.constant 156 : i32
      %lt3A_156 = arith.cmpi slt, %add3A_154, %lt3A_155 : i32
      %convert_element_type3A_157 = arith.extui %lt3A_156 : i1 to i32
      %cond3A_158 = arith.constant 0 : i32
      %cond3A_159 = arith.cmpi ne, %convert_element_type3A_157, %cond3A_158 : i32
      scf.if %cond3A_159 {
        %add3A_332 = arith.constant 2 : i32
        %add3A_333 = arith.addi %add3A_147, %add3A_332 : i32
        %mul3A_334 = arith.constant 64 : i32
        %mul3A_335 = arith.muli %add3A_333, %mul3A_334 : i32
        %add3A_336 = arith.addi %mul3A_26, %mul3A_335 : i32
        %dma_start3A_337 = arith.constant 2 : i32
        %dma_start3A_338 = arith.constant 0 : i32
        %dma_start3A_339 = tpu.memref_slice %arg6[%dma_start3A_337, %dma_start3A_338] : memref<4x64xi32, #tpu.memory_space<vmem>> -> memref<1x64xi32, #tpu.memory_space<vmem>>
        %dma_start3A_340 = tpu.memref_squeeze %dma_start3A_339 : memref<1x64xi32, #tpu.memory_space<vmem>> -> memref<64xi32, #tpu.memory_space<vmem>>
        %dma_start3A_341 = tpu.memref_slice %arg3[%add3A_336] : memref<320000xi32, #tpu.memory_space<hbm>> -> memref<64xi32, #tpu.memory_space<hbm>>
        %dma_start3A_342 = arith.constant 0 : i32
        %dma_start3A_343 = tpu.memref_slice %arg6[%dma_start3A_337, %dma_start3A_342] : memref<4x64xi32, #tpu.memory_space<vmem>> -> memref<1x64xi32, #tpu.memory_space<vmem>>
        %dma_start3A_344 = tpu.memref_squeeze %dma_start3A_343 : memref<1x64xi32, #tpu.memory_space<vmem>> -> memref<64xi32, #tpu.memory_space<vmem>>
        %dma_start3A_345 = tpu.memref_slice %arg3[%add3A_336] : memref<320000xi32, #tpu.memory_space<hbm>> -> memref<64xi32, #tpu.memory_space<hbm>>
        tpu.enqueue_dma source(%dma_start3A_345 : memref<64xi32, #tpu.memory_space<hbm>>) target(%dma_start3A_344 : memref<64xi32, #tpu.memory_space<vmem>>) target_semaphore(%arg18 : memref<!tpu.dma_semaphore, #tpu.memory_space<semaphore_mem>>)
        %dma_start3A_346 = arith.constant 2 : i32
        %dma_start3A_347 = arith.constant 0 : i32
        %dma_start3A_348 = tpu.memref_slice %arg7[%dma_start3A_346, %dma_start3A_347] : memref<4x64xi32, #tpu.memory_space<vmem>> -> memref<1x64xi32, #tpu.memory_space<vmem>>
        %dma_start3A_349 = tpu.memref_squeeze %dma_start3A_348 : memref<1x64xi32, #tpu.memory_space<vmem>> -> memref<64xi32, #tpu.memory_space<vmem>>
        %dma_start3A_350 = tpu.memref_slice %arg4[%add3A_336] : memref<320000xi32, #tpu.memory_space<hbm>> -> memref<64xi32, #tpu.memory_space<hbm>>
        %dma_start3A_351 = arith.constant 0 : i32
        %dma_start3A_352 = tpu.memref_slice %arg7[%dma_start3A_346, %dma_start3A_351] : memref<4x64xi32, #tpu.memory_space<vmem>> -> memref<1x64xi32, #tpu.memory_space<vmem>>
        %dma_start3A_353 = tpu.memref_squeeze %dma_start3A_352 : memref<1x64xi32, #tpu.memory_space<vmem>> -> memref<64xi32, #tpu.memory_space<vmem>>
        %dma_start3A_354 = tpu.memref_slice %arg4[%add3A_336] : memref<320000xi32, #tpu.memory_space<hbm>> -> memref<64xi32, #tpu.memory_space<hbm>>
        tpu.enqueue_dma source(%dma_start3A_354 : memref<64xi32, #tpu.memory_space<hbm>>) target(%dma_start3A_353 : memref<64xi32, #tpu.memory_space<vmem>>) target_semaphore(%arg18 : memref<!tpu.dma_semaphore, #tpu.memory_space<semaphore_mem>>)
      } else {
      }
      %add3A_160 = arith.constant 1 : i32
      %add3A_161 = arith.addi %add3A_147, %add3A_160 : i32
      %lt3A_162 = arith.constant 156 : i32
      %lt3A_163 = arith.cmpi slt, %add3A_161, %lt3A_162 : i32
      %convert_element_type3A_164 = arith.extui %lt3A_163 : i1 to i32
      %cond3A_165 = arith.constant 0 : i32
      %cond3A_166 = arith.cmpi ne, %convert_element_type3A_164, %cond3A_165 : i32
      scf.if %cond3A_166 {
        %add3A_332 = arith.constant 1 : i32
        %add3A_333 = arith.addi %add3A_147, %add3A_332 : i32
        %mul3A_334 = arith.constant 64 : i32
        %mul3A_335 = arith.muli %add3A_333, %mul3A_334 : i32
        %add3A_336 = arith.addi %mul3A_26, %mul3A_335 : i32
        %dma_wait3A_337 = arith.constant 1 : i32
        %dma_wait3A_338 = arith.constant 0 : i32
        %dma_wait3A_339 = tpu.memref_slice %arg6[%dma_wait3A_337, %dma_wait3A_338] : memref<4x64xi32, #tpu.memory_space<vmem>> -> memref<1x64xi32, #tpu.memory_space<vmem>>
        %dma_wait3A_340 = tpu.memref_squeeze %dma_wait3A_339 : memref<1x64xi32, #tpu.memory_space<vmem>> -> memref<64xi32, #tpu.memory_space<vmem>>
        %dma_wait3A_341 = tpu.memref_slice %arg3[%add3A_336] : memref<320000xi32, #tpu.memory_space<hbm>> -> memref<64xi32, #tpu.memory_space<hbm>>
        %dma_wait3A_342 = arith.constant 0 : i32
        %dma_wait3A_343 = tpu.memref_slice %arg6[%dma_wait3A_337, %dma_wait3A_342] : memref<4x64xi32, #tpu.memory_space<vmem>> -> memref<1x64xi32, #tpu.memory_space<vmem>>
        %dma_wait3A_344 = tpu.memref_squeeze %dma_wait3A_343 : memref<1x64xi32, #tpu.memory_space<vmem>> -> memref<64xi32, #tpu.memory_space<vmem>>
        %dma_wait3A_345 = tpu.memref_slice %arg3[%add3A_336] : memref<320000xi32, #tpu.memory_space<hbm>> -> memref<64xi32, #tpu.memory_space<hbm>>
        tpu.wait_dma2 semaphore(%arg17 : memref<!tpu.dma_semaphore, #tpu.memory_space<semaphore_mem>>) src(%dma_wait3A_345 : memref<64xi32, #tpu.memory_space<hbm>>) dst(%dma_wait3A_344 : memref<64xi32, #tpu.memory_space<vmem>>)
        %dma_wait3A_346 = arith.constant 1 : i32
        %dma_wait3A_347 = arith.constant 0 : i32
        %dma_wait3A_348 = tpu.memref_slice %arg7[%dma_wait3A_346, %dma_wait3A_347] : memref<4x64xi32, #tpu.memory_space<vmem>> -> memref<1x64xi32, #tpu.memory_space<vmem>>
        %dma_wait3A_349 = tpu.memref_squeeze %dma_wait3A_348 : memref<1x64xi32, #tpu.memory_space<vmem>> -> memref<64xi32, #tpu.memory_space<vmem>>
        %dma_wait3A_350 = tpu.memref_slice %arg4[%add3A_336] : memref<320000xi32, #tpu.memory_space<hbm>> -> memref<64xi32, #tpu.memory_space<hbm>>
        %dma_wait3A_351 = arith.constant 0 : i32
        %dma_wait3A_352 = tpu.memref_slice %arg7[%dma_wait3A_346, %dma_wait3A_351] : memref<4x64xi32, #tpu.memory_space<vmem>> -> memref<1x64xi32, #tpu.memory_space<vmem>>
        %dma_wait3A_353 = tpu.memref_squeeze %dma_wait3A_352 : memref<1x64xi32, #tpu.memory_space<vmem>> -> memref<64xi32, #tpu.memory_space<vmem>>
        %dma_wait3A_354 = tpu.memref_slice %arg4[%add3A_336] : memref<320000xi32, #tpu.memory_space<hbm>> -> memref<64xi32, #tpu.memory_space<hbm>>
        tpu.wait_dma2 semaphore(%arg17 : memref<!tpu.dma_semaphore, #tpu.memory_space<semaphore_mem>>) src(%dma_wait3A_354 : memref<64xi32, #tpu.memory_space<hbm>>) dst(%dma_wait3A_353 : memref<64xi32, #tpu.memory_space<vmem>>)
        %dma_start3A_355 = arith.constant 1 : i32
        %dma_start3A_356 = arith.constant 1 : i32
        %dma_start3A_357 = arith.constant 0 : i32
        %dma_start3A_358 = arith.constant 0 : i32
        %dma_start3A_359 = tpu.memref_slice %arg8[%dma_start3A_356, %dma_start3A_357, %dma_start3A_358] : memref<4x64x128xf32, #tpu.memory_space<vmem>> -> memref<1x64x128xf32, #tpu.memory_space<vmem>>
        %dma_start3A_360 = tpu.memref_squeeze %dma_start3A_359 : memref<1x64x128xf32, #tpu.memory_space<vmem>> -> memref<64x128xf32, #tpu.memory_space<vmem>>
        %dma_start3A_361 = arith.constant 0 : i32
        %dma_start3A_362 = tpu.memref_slice %arg6[%dma_start3A_355, %dma_start3A_361] : memref<4x64xi32, #tpu.memory_space<vmem>> -> memref<1x64xi32, #tpu.memory_space<vmem>>
        %dma_start3A_363 = tpu.memref_squeeze %dma_start3A_362 : memref<1x64xi32, #tpu.memory_space<vmem>> -> memref<64xi32, #tpu.memory_space<vmem>>
        %dma_start3A_364 = arith.constant 0 : i32
        %dma_start3A_365 = arith.constant 0 : i32
        %dma_start3A_366 = tpu.memref_slice %arg2[%dma_start3A_364, %dma_start3A_365] : memref<10000x128xf32, #tpu.memory_space<hbm>> -> memref<10000x128xf32, #tpu.memory_space<hbm>>
        tpu.enqueue_indirect_dma source(%dma_start3A_366 : memref<10000x128xf32, #tpu.memory_space<hbm>>) target(%dma_start3A_360 : memref<64x128xf32, #tpu.memory_space<vmem>>) offsets(%dma_start3A_363 : memref<64xi32, #tpu.memory_space<vmem>>) semaphore(%arg13 : memref<!tpu.dma_semaphore, #tpu.memory_space<semaphore_mem>>)
      } else {
      }
      %dma_wait3A_167 = arith.constant 0 : i32
      %dma_wait3A_168 = arith.constant 0 : i32
      %dma_wait3A_169 = arith.constant 0 : i32
      %dma_wait3A_170 = arith.constant 0 : i32
      %dma_wait3A_171 = tpu.memref_slice %arg8[%dma_wait3A_168, %dma_wait3A_169, %dma_wait3A_170] : memref<4x64x128xf32, #tpu.memory_space<vmem>> -> memref<1x64x128xf32, #tpu.memory_space<vmem>>
      %dma_wait3A_172 = tpu.memref_squeeze %dma_wait3A_171 : memref<1x64x128xf32, #tpu.memory_space<vmem>> -> memref<64x128xf32, #tpu.memory_space<vmem>>
      %dma_wait3A_173 = arith.constant 0 : i32
      %dma_wait3A_174 = tpu.memref_slice %arg6[%dma_wait3A_167, %dma_wait3A_173] : memref<4x64xi32, #tpu.memory_space<vmem>> -> memref<1x64xi32, #tpu.memory_space<vmem>>
      %dma_wait3A_175 = tpu.memref_squeeze %dma_wait3A_174 : memref<1x64xi32, #tpu.memory_space<vmem>> -> memref<64xi32, #tpu.memory_space<vmem>>
      %dma_wait3A_176 = arith.constant 0 : i32
      %dma_wait3A_177 = arith.constant 0 : i32
      %dma_wait3A_178 = tpu.memref_slice %arg2[%dma_wait3A_176, %dma_wait3A_177] : memref<10000x128xf32, #tpu.memory_space<hbm>> -> memref<10000x128xf32, #tpu.memory_space<hbm>>
      tpu.wait_indirect_dma semaphore(%arg12 : memref<!tpu.dma_semaphore, #tpu.memory_space<semaphore_mem>>) src(%dma_wait3A_178 : memref<10000x128xf32, #tpu.memory_space<hbm>>) dst(%dma_wait3A_172 : memref<64x128xf32, #tpu.memory_space<vmem>>)
      %dma_start3A_179 = arith.constant 0 : i32
      %dma_start3A_180 = arith.constant 0 : i32
      %dma_start3A_181 = arith.constant 0 : i32
      %dma_start3A_182 = arith.constant 0 : i32
      %dma_start3A_183 = tpu.memref_slice %arg8[%dma_start3A_179, %dma_start3A_181, %dma_start3A_182] : memref<4x64x128xf32, #tpu.memory_space<vmem>> -> memref<1x64x128xf32, #tpu.memory_space<vmem>>
      %dma_start3A_184 = tpu.memref_squeeze %dma_start3A_183 : memref<1x64x128xf32, #tpu.memory_space<vmem>> -> memref<64x128xf32, #tpu.memory_space<vmem>>
      %dma_start3A_185 = arith.constant 0 : i32
      %dma_start3A_186 = tpu.memref_slice %arg7[%dma_start3A_180, %dma_start3A_185] : memref<4x64xi32, #tpu.memory_space<vmem>> -> memref<1x64xi32, #tpu.memory_space<vmem>>
      %dma_start3A_187 = tpu.memref_squeeze %dma_start3A_186 : memref<1x64xi32, #tpu.memory_space<vmem>> -> memref<64xi32, #tpu.memory_space<vmem>>
      %dma_start3A_188 = arith.constant 0 : i32
      %dma_start3A_189 = arith.constant 0 : i32
      %dma_start3A_190 = tpu.memref_slice %arg24[%dma_start3A_188, %dma_start3A_189] : memref<10000x128xf32, #tpu.memory_space<vmem_shared>> -> memref<10000x128xf32, #tpu.memory_space<vmem_shared>>
      tpu.enqueue_indirect_dma source(%dma_start3A_184 : memref<64x128xf32, #tpu.memory_space<vmem>>) target(%dma_start3A_190 : memref<10000x128xf32, #tpu.memory_space<vmem_shared>>) offsets(%dma_start3A_187 : memref<64xi32, #tpu.memory_space<vmem>>) semaphore(%arg20 : memref<!tpu.dma_semaphore, #tpu.memory_space<semaphore_mem>>) {add = true}
      %mul3A_191 = arith.constant 4 : i32
      %mul3A_192 = arith.muli %mul3A_191, %add3A_143 : i32
      %add3A_193 = arith.constant 1 : i32
      %add3A_194 = arith.addi %mul3A_192, %add3A_193 : i32
      %ge3A_195 = arith.constant 2 : i32
      %ge3A_196 = arith.cmpi sge, %add3A_194, %ge3A_195 : i32
      %convert_element_type3A_197 = arith.extui %ge3A_196 : i1 to i32
      %cond3A_198 = arith.constant 0 : i32
      %cond3A_199 = arith.cmpi ne, %convert_element_type3A_197, %cond3A_198 : i32
      scf.if %cond3A_199 {
        %dma_wait3A_332 = arith.constant 3 : i32
        %dma_wait3A_333 = arith.constant 3 : i32
        %dma_wait3A_334 = arith.constant 0 : i32
        %dma_wait3A_335 = arith.constant 0 : i32
        %dma_wait3A_336 = tpu.memref_slice %arg8[%dma_wait3A_332, %dma_wait3A_334, %dma_wait3A_335] : memref<4x64x128xf32, #tpu.memory_space<vmem>> -> memref<1x64x128xf32, #tpu.memory_space<vmem>>
        %dma_wait3A_337 = tpu.memref_squeeze %dma_wait3A_336 : memref<1x64x128xf32, #tpu.memory_space<vmem>> -> memref<64x128xf32, #tpu.memory_space<vmem>>
        %dma_wait3A_338 = arith.constant 0 : i32
        %dma_wait3A_339 = tpu.memref_slice %arg7[%dma_wait3A_333, %dma_wait3A_338] : memref<4x64xi32, #tpu.memory_space<vmem>> -> memref<1x64xi32, #tpu.memory_space<vmem>>
        %dma_wait3A_340 = tpu.memref_squeeze %dma_wait3A_339 : memref<1x64xi32, #tpu.memory_space<vmem>> -> memref<64xi32, #tpu.memory_space<vmem>>
        %dma_wait3A_341 = arith.constant 0 : i32
        %dma_wait3A_342 = arith.constant 0 : i32
        %dma_wait3A_343 = tpu.memref_slice %arg24[%dma_wait3A_341, %dma_wait3A_342] : memref<10000x128xf32, #tpu.memory_space<vmem_shared>> -> memref<10000x128xf32, #tpu.memory_space<vmem_shared>>
        tpu.wait_indirect_dma semaphore(%arg23 : memref<!tpu.dma_semaphore, #tpu.memory_space<semaphore_mem>>) src(%dma_wait3A_337 : memref<64x128xf32, #tpu.memory_space<vmem>>) dst(%dma_wait3A_343 : memref<10000x128xf32, #tpu.memory_space<vmem_shared>>)
      } else {
      }
      %add3A_200 = arith.constant 2 : i32
      %add3A_201 = arith.addi %add3A_194, %add3A_200 : i32
      %lt3A_202 = arith.constant 156 : i32
      %lt3A_203 = arith.cmpi slt, %add3A_201, %lt3A_202 : i32
      %convert_element_type3A_204 = arith.extui %lt3A_203 : i1 to i32
      %cond3A_205 = arith.constant 0 : i32
      %cond3A_206 = arith.cmpi ne, %convert_element_type3A_204, %cond3A_205 : i32
      scf.if %cond3A_206 {
        %add3A_332 = arith.constant 2 : i32
        %add3A_333 = arith.addi %add3A_194, %add3A_332 : i32
        %mul3A_334 = arith.constant 64 : i32
        %mul3A_335 = arith.muli %add3A_333, %mul3A_334 : i32
        %add3A_336 = arith.addi %mul3A_26, %mul3A_335 : i32
        %dma_start3A_337 = arith.constant 3 : i32
        %dma_start3A_338 = arith.constant 0 : i32
        %dma_start3A_339 = tpu.memref_slice %arg6[%dma_start3A_337, %dma_start3A_338] : memref<4x64xi32, #tpu.memory_space<vmem>> -> memref<1x64xi32, #tpu.memory_space<vmem>>
        %dma_start3A_340 = tpu.memref_squeeze %dma_start3A_339 : memref<1x64xi32, #tpu.memory_space<vmem>> -> memref<64xi32, #tpu.memory_space<vmem>>
        %dma_start3A_341 = tpu.memref_slice %arg3[%add3A_336] : memref<320000xi32, #tpu.memory_space<hbm>> -> memref<64xi32, #tpu.memory_space<hbm>>
        %dma_start3A_342 = arith.constant 0 : i32
        %dma_start3A_343 = tpu.memref_slice %arg6[%dma_start3A_337, %dma_start3A_342] : memref<4x64xi32, #tpu.memory_space<vmem>> -> memref<1x64xi32, #tpu.memory_space<vmem>>
        %dma_start3A_344 = tpu.memref_squeeze %dma_start3A_343 : memref<1x64xi32, #tpu.memory_space<vmem>> -> memref<64xi32, #tpu.memory_space<vmem>>
        %dma_start3A_345 = tpu.memref_slice %arg3[%add3A_336] : memref<320000xi32, #tpu.memory_space<hbm>> -> memref<64xi32, #tpu.memory_space<hbm>>
        tpu.enqueue_dma source(%dma_start3A_345 : memref<64xi32, #tpu.memory_space<hbm>>) target(%dma_start3A_344 : memref<64xi32, #tpu.memory_space<vmem>>) target_semaphore(%arg19 : memref<!tpu.dma_semaphore, #tpu.memory_space<semaphore_mem>>)
        %dma_start3A_346 = arith.constant 3 : i32
        %dma_start3A_347 = arith.constant 0 : i32
        %dma_start3A_348 = tpu.memref_slice %arg7[%dma_start3A_346, %dma_start3A_347] : memref<4x64xi32, #tpu.memory_space<vmem>> -> memref<1x64xi32, #tpu.memory_space<vmem>>
        %dma_start3A_349 = tpu.memref_squeeze %dma_start3A_348 : memref<1x64xi32, #tpu.memory_space<vmem>> -> memref<64xi32, #tpu.memory_space<vmem>>
        %dma_start3A_350 = tpu.memref_slice %arg4[%add3A_336] : memref<320000xi32, #tpu.memory_space<hbm>> -> memref<64xi32, #tpu.memory_space<hbm>>
        %dma_start3A_351 = arith.constant 0 : i32
        %dma_start3A_352 = tpu.memref_slice %arg7[%dma_start3A_346, %dma_start3A_351] : memref<4x64xi32, #tpu.memory_space<vmem>> -> memref<1x64xi32, #tpu.memory_space<vmem>>
        %dma_start3A_353 = tpu.memref_squeeze %dma_start3A_352 : memref<1x64xi32, #tpu.memory_space<vmem>> -> memref<64xi32, #tpu.memory_space<vmem>>
        %dma_start3A_354 = tpu.memref_slice %arg4[%add3A_336] : memref<320000xi32, #tpu.memory_space<hbm>> -> memref<64xi32, #tpu.memory_space<hbm>>
        tpu.enqueue_dma source(%dma_start3A_354 : memref<64xi32, #tpu.memory_space<hbm>>) target(%dma_start3A_353 : memref<64xi32, #tpu.memory_space<vmem>>) target_semaphore(%arg19 : memref<!tpu.dma_semaphore, #tpu.memory_space<semaphore_mem>>)
      } else {
      }
      %add3A_207 = arith.constant 1 : i32
      %add3A_208 = arith.addi %add3A_194, %add3A_207 : i32
      %lt3A_209 = arith.constant 156 : i32
      %lt3A_210 = arith.cmpi slt, %add3A_208, %lt3A_209 : i32
      %convert_element_type3A_211 = arith.extui %lt3A_210 : i1 to i32
      %cond3A_212 = arith.constant 0 : i32
      %cond3A_213 = arith.cmpi ne, %convert_element_type3A_211, %cond3A_212 : i32
      scf.if %cond3A_213 {
        %add3A_332 = arith.constant 1 : i32
        %add3A_333 = arith.addi %add3A_194, %add3A_332 : i32
        %mul3A_334 = arith.constant 64 : i32
        %mul3A_335 = arith.muli %add3A_333, %mul3A_334 : i32
        %add3A_336 = arith.addi %mul3A_26, %mul3A_335 : i32
        %dma_wait3A_337 = arith.constant 2 : i32
        %dma_wait3A_338 = arith.constant 0 : i32
        %dma_wait3A_339 = tpu.memref_slice %arg6[%dma_wait3A_337, %dma_wait3A_338] : memref<4x64xi32, #tpu.memory_space<vmem>> -> memref<1x64xi32, #tpu.memory_space<vmem>>
        %dma_wait3A_340 = tpu.memref_squeeze %dma_wait3A_339 : memref<1x64xi32, #tpu.memory_space<vmem>> -> memref<64xi32, #tpu.memory_space<vmem>>
        %dma_wait3A_341 = tpu.memref_slice %arg3[%add3A_336] : memref<320000xi32, #tpu.memory_space<hbm>> -> memref<64xi32, #tpu.memory_space<hbm>>
        %dma_wait3A_342 = arith.constant 0 : i32
        %dma_wait3A_343 = tpu.memref_slice %arg6[%dma_wait3A_337, %dma_wait3A_342] : memref<4x64xi32, #tpu.memory_space<vmem>> -> memref<1x64xi32, #tpu.memory_space<vmem>>
        %dma_wait3A_344 = tpu.memref_squeeze %dma_wait3A_343 : memref<1x64xi32, #tpu.memory_space<vmem>> -> memref<64xi32, #tpu.memory_space<vmem>>
        %dma_wait3A_345 = tpu.memref_slice %arg3[%add3A_336] : memref<320000xi32, #tpu.memory_space<hbm>> -> memref<64xi32, #tpu.memory_space<hbm>>
        tpu.wait_dma2 semaphore(%arg18 : memref<!tpu.dma_semaphore, #tpu.memory_space<semaphore_mem>>) src(%dma_wait3A_345 : memref<64xi32, #tpu.memory_space<hbm>>) dst(%dma_wait3A_344 : memref<64xi32, #tpu.memory_space<vmem>>)
        %dma_wait3A_346 = arith.constant 2 : i32
        %dma_wait3A_347 = arith.constant 0 : i32
        %dma_wait3A_348 = tpu.memref_slice %arg7[%dma_wait3A_346, %dma_wait3A_347] : memref<4x64xi32, #tpu.memory_space<vmem>> -> memref<1x64xi32, #tpu.memory_space<vmem>>
        %dma_wait3A_349 = tpu.memref_squeeze %dma_wait3A_348 : memref<1x64xi32, #tpu.memory_space<vmem>> -> memref<64xi32, #tpu.memory_space<vmem>>
        %dma_wait3A_350 = tpu.memref_slice %arg4[%add3A_336] : memref<320000xi32, #tpu.memory_space<hbm>> -> memref<64xi32, #tpu.memory_space<hbm>>
        %dma_wait3A_351 = arith.constant 0 : i32
        %dma_wait3A_352 = tpu.memref_slice %arg7[%dma_wait3A_346, %dma_wait3A_351] : memref<4x64xi32, #tpu.memory_space<vmem>> -> memref<1x64xi32, #tpu.memory_space<vmem>>
        %dma_wait3A_353 = tpu.memref_squeeze %dma_wait3A_352 : memref<1x64xi32, #tpu.memory_space<vmem>> -> memref<64xi32, #tpu.memory_space<vmem>>
        %dma_wait3A_354 = tpu.memref_slice %arg4[%add3A_336] : memref<320000xi32, #tpu.memory_space<hbm>> -> memref<64xi32, #tpu.memory_space<hbm>>
        tpu.wait_dma2 semaphore(%arg18 : memref<!tpu.dma_semaphore, #tpu.memory_space<semaphore_mem>>) src(%dma_wait3A_354 : memref<64xi32, #tpu.memory_space<hbm>>) dst(%dma_wait3A_353 : memref<64xi32, #tpu.memory_space<vmem>>)
        %dma_start3A_355 = arith.constant 2 : i32
        %dma_start3A_356 = arith.constant 2 : i32
        %dma_start3A_357 = arith.constant 0 : i32
        %dma_start3A_358 = arith.constant 0 : i32
        %dma_start3A_359 = tpu.memref_slice %arg8[%dma_start3A_356, %dma_start3A_357, %dma_start3A_358] : memref<4x64x128xf32, #tpu.memory_space<vmem>> -> memref<1x64x128xf32, #tpu.memory_space<vmem>>
        %dma_start3A_360 = tpu.memref_squeeze %dma_start3A_359 : memref<1x64x128xf32, #tpu.memory_space<vmem>> -> memref<64x128xf32, #tpu.memory_space<vmem>>
        %dma_start3A_361 = arith.constant 0 : i32
        %dma_start3A_362 = tpu.memref_slice %arg6[%dma_start3A_355, %dma_start3A_361] : memref<4x64xi32, #tpu.memory_space<vmem>> -> memref<1x64xi32, #tpu.memory_space<vmem>>
        %dma_start3A_363 = tpu.memref_squeeze %dma_start3A_362 : memref<1x64xi32, #tpu.memory_space<vmem>> -> memref<64xi32, #tpu.memory_space<vmem>>
        %dma_start3A_364 = arith.constant 0 : i32
        %dma_start3A_365 = arith.constant 0 : i32
        %dma_start3A_366 = tpu.memref_slice %arg2[%dma_start3A_364, %dma_start3A_365] : memref<10000x128xf32, #tpu.memory_space<hbm>> -> memref<10000x128xf32, #tpu.memory_space<hbm>>
        tpu.enqueue_indirect_dma source(%dma_start3A_366 : memref<10000x128xf32, #tpu.memory_space<hbm>>) target(%dma_start3A_360 : memref<64x128xf32, #tpu.memory_space<vmem>>) offsets(%dma_start3A_363 : memref<64xi32, #tpu.memory_space<vmem>>) semaphore(%arg14 : memref<!tpu.dma_semaphore, #tpu.memory_space<semaphore_mem>>)
      } else {
      }
      %dma_wait3A_214 = arith.constant 1 : i32
      %dma_wait3A_215 = arith.constant 1 : i32
      %dma_wait3A_216 = arith.constant 0 : i32
      %dma_wait3A_217 = arith.constant 0 : i32
      %dma_wait3A_218 = tpu.memref_slice %arg8[%dma_wait3A_215, %dma_wait3A_216, %dma_wait3A_217] : memref<4x64x128xf32, #tpu.memory_space<vmem>> -> memref<1x64x128xf32, #tpu.memory_space<vmem>>
      %dma_wait3A_219 = tpu.memref_squeeze %dma_wait3A_218 : memref<1x64x128xf32, #tpu.memory_space<vmem>> -> memref<64x128xf32, #tpu.memory_space<vmem>>
      %dma_wait3A_220 = arith.constant 0 : i32
      %dma_wait3A_221 = tpu.memref_slice %arg6[%dma_wait3A_214, %dma_wait3A_220] : memref<4x64xi32, #tpu.memory_space<vmem>> -> memref<1x64xi32, #tpu.memory_space<vmem>>
      %dma_wait3A_222 = tpu.memref_squeeze %dma_wait3A_221 : memref<1x64xi32, #tpu.memory_space<vmem>> -> memref<64xi32, #tpu.memory_space<vmem>>
      %dma_wait3A_223 = arith.constant 0 : i32
      %dma_wait3A_224 = arith.constant 0 : i32
      %dma_wait3A_225 = tpu.memref_slice %arg2[%dma_wait3A_223, %dma_wait3A_224] : memref<10000x128xf32, #tpu.memory_space<hbm>> -> memref<10000x128xf32, #tpu.memory_space<hbm>>
      tpu.wait_indirect_dma semaphore(%arg13 : memref<!tpu.dma_semaphore, #tpu.memory_space<semaphore_mem>>) src(%dma_wait3A_225 : memref<10000x128xf32, #tpu.memory_space<hbm>>) dst(%dma_wait3A_219 : memref<64x128xf32, #tpu.memory_space<vmem>>)
      %dma_start3A_226 = arith.constant 1 : i32
      %dma_start3A_227 = arith.constant 1 : i32
      %dma_start3A_228 = arith.constant 0 : i32
      %dma_start3A_229 = arith.constant 0 : i32
      %dma_start3A_230 = tpu.memref_slice %arg8[%dma_start3A_226, %dma_start3A_228, %dma_start3A_229] : memref<4x64x128xf32, #tpu.memory_space<vmem>> -> memref<1x64x128xf32, #tpu.memory_space<vmem>>
      %dma_start3A_231 = tpu.memref_squeeze %dma_start3A_230 : memref<1x64x128xf32, #tpu.memory_space<vmem>> -> memref<64x128xf32, #tpu.memory_space<vmem>>
      %dma_start3A_232 = arith.constant 0 : i32
      %dma_start3A_233 = tpu.memref_slice %arg7[%dma_start3A_227, %dma_start3A_232] : memref<4x64xi32, #tpu.memory_space<vmem>> -> memref<1x64xi32, #tpu.memory_space<vmem>>
      %dma_start3A_234 = tpu.memref_squeeze %dma_start3A_233 : memref<1x64xi32, #tpu.memory_space<vmem>> -> memref<64xi32, #tpu.memory_space<vmem>>
      %dma_start3A_235 = arith.constant 0 : i32
      %dma_start3A_236 = arith.constant 0 : i32
      %dma_start3A_237 = tpu.memref_slice %arg24[%dma_start3A_235, %dma_start3A_236] : memref<10000x128xf32, #tpu.memory_space<vmem_shared>> -> memref<10000x128xf32, #tpu.memory_space<vmem_shared>>
      tpu.enqueue_indirect_dma source(%dma_start3A_231 : memref<64x128xf32, #tpu.memory_space<vmem>>) target(%dma_start3A_237 : memref<10000x128xf32, #tpu.memory_space<vmem_shared>>) offsets(%dma_start3A_234 : memref<64xi32, #tpu.memory_space<vmem>>) semaphore(%arg21 : memref<!tpu.dma_semaphore, #tpu.memory_space<semaphore_mem>>) {add = true}
      %mul3A_238 = arith.constant 4 : i32
      %mul3A_239 = arith.muli %mul3A_238, %add3A_143 : i32
      %add3A_240 = arith.constant 2 : i32
      %add3A_241 = arith.addi %mul3A_239, %add3A_240 : i32
      %ge3A_242 = arith.constant 2 : i32
      %ge3A_243 = arith.cmpi sge, %add3A_241, %ge3A_242 : i32
      %convert_element_type3A_244 = arith.extui %ge3A_243 : i1 to i32
      %cond3A_245 = arith.constant 0 : i32
      %cond3A_246 = arith.cmpi ne, %convert_element_type3A_244, %cond3A_245 : i32
      scf.if %cond3A_246 {
        %dma_wait3A_332 = arith.constant 0 : i32
        %dma_wait3A_333 = arith.constant 0 : i32
        %dma_wait3A_334 = arith.constant 0 : i32
        %dma_wait3A_335 = arith.constant 0 : i32
        %dma_wait3A_336 = tpu.memref_slice %arg8[%dma_wait3A_332, %dma_wait3A_334, %dma_wait3A_335] : memref<4x64x128xf32, #tpu.memory_space<vmem>> -> memref<1x64x128xf32, #tpu.memory_space<vmem>>
        %dma_wait3A_337 = tpu.memref_squeeze %dma_wait3A_336 : memref<1x64x128xf32, #tpu.memory_space<vmem>> -> memref<64x128xf32, #tpu.memory_space<vmem>>
        %dma_wait3A_338 = arith.constant 0 : i32
        %dma_wait3A_339 = tpu.memref_slice %arg7[%dma_wait3A_333, %dma_wait3A_338] : memref<4x64xi32, #tpu.memory_space<vmem>> -> memref<1x64xi32, #tpu.memory_space<vmem>>
        %dma_wait3A_340 = tpu.memref_squeeze %dma_wait3A_339 : memref<1x64xi32, #tpu.memory_space<vmem>> -> memref<64xi32, #tpu.memory_space<vmem>>
        %dma_wait3A_341 = arith.constant 0 : i32
        %dma_wait3A_342 = arith.constant 0 : i32
        %dma_wait3A_343 = tpu.memref_slice %arg24[%dma_wait3A_341, %dma_wait3A_342] : memref<10000x128xf32, #tpu.memory_space<vmem_shared>> -> memref<10000x128xf32, #tpu.memory_space<vmem_shared>>
        tpu.wait_indirect_dma semaphore(%arg20 : memref<!tpu.dma_semaphore, #tpu.memory_space<semaphore_mem>>) src(%dma_wait3A_337 : memref<64x128xf32, #tpu.memory_space<vmem>>) dst(%dma_wait3A_343 : memref<10000x128xf32, #tpu.memory_space<vmem_shared>>)
      } else {
      }
      %add3A_247 = arith.constant 2 : i32
      %add3A_248 = arith.addi %add3A_241, %add3A_247 : i32
      %lt3A_249 = arith.constant 156 : i32
      %lt3A_250 = arith.cmpi slt, %add3A_248, %lt3A_249 : i32
      %convert_element_type3A_251 = arith.extui %lt3A_250 : i1 to i32
      %cond3A_252 = arith.constant 0 : i32
      %cond3A_253 = arith.cmpi ne, %convert_element_type3A_251, %cond3A_252 : i32
      scf.if %cond3A_253 {
        %add3A_332 = arith.constant 2 : i32
        %add3A_333 = arith.addi %add3A_241, %add3A_332 : i32
        %mul3A_334 = arith.constant 64 : i32
        %mul3A_335 = arith.muli %add3A_333, %mul3A_334 : i32
        %add3A_336 = arith.addi %mul3A_26, %mul3A_335 : i32
        %dma_start3A_337 = arith.constant 0 : i32
        %dma_start3A_338 = arith.constant 0 : i32
        %dma_start3A_339 = tpu.memref_slice %arg6[%dma_start3A_337, %dma_start3A_338] : memref<4x64xi32, #tpu.memory_space<vmem>> -> memref<1x64xi32, #tpu.memory_space<vmem>>
        %dma_start3A_340 = tpu.memref_squeeze %dma_start3A_339 : memref<1x64xi32, #tpu.memory_space<vmem>> -> memref<64xi32, #tpu.memory_space<vmem>>
        %dma_start3A_341 = tpu.memref_slice %arg3[%add3A_336] : memref<320000xi32, #tpu.memory_space<hbm>> -> memref<64xi32, #tpu.memory_space<hbm>>
        %dma_start3A_342 = arith.constant 0 : i32
        %dma_start3A_343 = tpu.memref_slice %arg6[%dma_start3A_337, %dma_start3A_342] : memref<4x64xi32, #tpu.memory_space<vmem>> -> memref<1x64xi32, #tpu.memory_space<vmem>>
        %dma_start3A_344 = tpu.memref_squeeze %dma_start3A_343 : memref<1x64xi32, #tpu.memory_space<vmem>> -> memref<64xi32, #tpu.memory_space<vmem>>
        %dma_start3A_345 = tpu.memref_slice %arg3[%add3A_336] : memref<320000xi32, #tpu.memory_space<hbm>> -> memref<64xi32, #tpu.memory_space<hbm>>
        tpu.enqueue_dma source(%dma_start3A_345 : memref<64xi32, #tpu.memory_space<hbm>>) target(%dma_start3A_344 : memref<64xi32, #tpu.memory_space<vmem>>) target_semaphore(%arg16 : memref<!tpu.dma_semaphore, #tpu.memory_space<semaphore_mem>>)
        %dma_start3A_346 = arith.constant 0 : i32
        %dma_start3A_347 = arith.constant 0 : i32
        %dma_start3A_348 = tpu.memref_slice %arg7[%dma_start3A_346, %dma_start3A_347] : memref<4x64xi32, #tpu.memory_space<vmem>> -> memref<1x64xi32, #tpu.memory_space<vmem>>
        %dma_start3A_349 = tpu.memref_squeeze %dma_start3A_348 : memref<1x64xi32, #tpu.memory_space<vmem>> -> memref<64xi32, #tpu.memory_space<vmem>>
        %dma_start3A_350 = tpu.memref_slice %arg4[%add3A_336] : memref<320000xi32, #tpu.memory_space<hbm>> -> memref<64xi32, #tpu.memory_space<hbm>>
        %dma_start3A_351 = arith.constant 0 : i32
        %dma_start3A_352 = tpu.memref_slice %arg7[%dma_start3A_346, %dma_start3A_351] : memref<4x64xi32, #tpu.memory_space<vmem>> -> memref<1x64xi32, #tpu.memory_space<vmem>>
        %dma_start3A_353 = tpu.memref_squeeze %dma_start3A_352 : memref<1x64xi32, #tpu.memory_space<vmem>> -> memref<64xi32, #tpu.memory_space<vmem>>
        %dma_start3A_354 = tpu.memref_slice %arg4[%add3A_336] : memref<320000xi32, #tpu.memory_space<hbm>> -> memref<64xi32, #tpu.memory_space<hbm>>
        tpu.enqueue_dma source(%dma_start3A_354 : memref<64xi32, #tpu.memory_space<hbm>>) target(%dma_start3A_353 : memref<64xi32, #tpu.memory_space<vmem>>) target_semaphore(%arg16 : memref<!tpu.dma_semaphore, #tpu.memory_space<semaphore_mem>>)
      } else {
      }
      %add3A_254 = arith.constant 1 : i32
      %add3A_255 = arith.addi %add3A_241, %add3A_254 : i32
      %lt3A_256 = arith.constant 156 : i32
      %lt3A_257 = arith.cmpi slt, %add3A_255, %lt3A_256 : i32
      %convert_element_type3A_258 = arith.extui %lt3A_257 : i1 to i32
      %cond3A_259 = arith.constant 0 : i32
      %cond3A_260 = arith.cmpi ne, %convert_element_type3A_258, %cond3A_259 : i32
      scf.if %cond3A_260 {
        %add3A_332 = arith.constant 1 : i32
        %add3A_333 = arith.addi %add3A_241, %add3A_332 : i32
        %mul3A_334 = arith.constant 64 : i32
        %mul3A_335 = arith.muli %add3A_333, %mul3A_334 : i32
        %add3A_336 = arith.addi %mul3A_26, %mul3A_335 : i32
        %dma_wait3A_337 = arith.constant 3 : i32
        %dma_wait3A_338 = arith.constant 0 : i32
        %dma_wait3A_339 = tpu.memref_slice %arg6[%dma_wait3A_337, %dma_wait3A_338] : memref<4x64xi32, #tpu.memory_space<vmem>> -> memref<1x64xi32, #tpu.memory_space<vmem>>
        %dma_wait3A_340 = tpu.memref_squeeze %dma_wait3A_339 : memref<1x64xi32, #tpu.memory_space<vmem>> -> memref<64xi32, #tpu.memory_space<vmem>>
        %dma_wait3A_341 = tpu.memref_slice %arg3[%add3A_336] : memref<320000xi32, #tpu.memory_space<hbm>> -> memref<64xi32, #tpu.memory_space<hbm>>
        %dma_wait3A_342 = arith.constant 0 : i32
        %dma_wait3A_343 = tpu.memref_slice %arg6[%dma_wait3A_337, %dma_wait3A_342] : memref<4x64xi32, #tpu.memory_space<vmem>> -> memref<1x64xi32, #tpu.memory_space<vmem>>
        %dma_wait3A_344 = tpu.memref_squeeze %dma_wait3A_343 : memref<1x64xi32, #tpu.memory_space<vmem>> -> memref<64xi32, #tpu.memory_space<vmem>>
        %dma_wait3A_345 = tpu.memref_slice %arg3[%add3A_336] : memref<320000xi32, #tpu.memory_space<hbm>> -> memref<64xi32, #tpu.memory_space<hbm>>
        tpu.wait_dma2 semaphore(%arg19 : memref<!tpu.dma_semaphore, #tpu.memory_space<semaphore_mem>>) src(%dma_wait3A_345 : memref<64xi32, #tpu.memory_space<hbm>>) dst(%dma_wait3A_344 : memref<64xi32, #tpu.memory_space<vmem>>)
        %dma_wait3A_346 = arith.constant 3 : i32
        %dma_wait3A_347 = arith.constant 0 : i32
        %dma_wait3A_348 = tpu.memref_slice %arg7[%dma_wait3A_346, %dma_wait3A_347] : memref<4x64xi32, #tpu.memory_space<vmem>> -> memref<1x64xi32, #tpu.memory_space<vmem>>
        %dma_wait3A_349 = tpu.memref_squeeze %dma_wait3A_348 : memref<1x64xi32, #tpu.memory_space<vmem>> -> memref<64xi32, #tpu.memory_space<vmem>>
        %dma_wait3A_350 = tpu.memref_slice %arg4[%add3A_336] : memref<320000xi32, #tpu.memory_space<hbm>> -> memref<64xi32, #tpu.memory_space<hbm>>
        %dma_wait3A_351 = arith.constant 0 : i32
        %dma_wait3A_352 = tpu.memref_slice %arg7[%dma_wait3A_346, %dma_wait3A_351] : memref<4x64xi32, #tpu.memory_space<vmem>> -> memref<1x64xi32, #tpu.memory_space<vmem>>
        %dma_wait3A_353 = tpu.memref_squeeze %dma_wait3A_352 : memref<1x64xi32, #tpu.memory_space<vmem>> -> memref<64xi32, #tpu.memory_space<vmem>>
        %dma_wait3A_354 = tpu.memref_slice %arg4[%add3A_336] : memref<320000xi32, #tpu.memory_space<hbm>> -> memref<64xi32, #tpu.memory_space<hbm>>
        tpu.wait_dma2 semaphore(%arg19 : memref<!tpu.dma_semaphore, #tpu.memory_space<semaphore_mem>>) src(%dma_wait3A_354 : memref<64xi32, #tpu.memory_space<hbm>>) dst(%dma_wait3A_353 : memref<64xi32, #tpu.memory_space<vmem>>)
        %dma_start3A_355 = arith.constant 3 : i32
        %dma_start3A_356 = arith.constant 3 : i32
        %dma_start3A_357 = arith.constant 0 : i32
        %dma_start3A_358 = arith.constant 0 : i32
        %dma_start3A_359 = tpu.memref_slice %arg8[%dma_start3A_356, %dma_start3A_357, %dma_start3A_358] : memref<4x64x128xf32, #tpu.memory_space<vmem>> -> memref<1x64x128xf32, #tpu.memory_space<vmem>>
        %dma_start3A_360 = tpu.memref_squeeze %dma_start3A_359 : memref<1x64x128xf32, #tpu.memory_space<vmem>> -> memref<64x128xf32, #tpu.memory_space<vmem>>
        %dma_start3A_361 = arith.constant 0 : i32
        %dma_start3A_362 = tpu.memref_slice %arg6[%dma_start3A_355, %dma_start3A_361] : memref<4x64xi32, #tpu.memory_space<vmem>> -> memref<1x64xi32, #tpu.memory_space<vmem>>
        %dma_start3A_363 = tpu.memref_squeeze %dma_start3A_362 : memref<1x64xi32, #tpu.memory_space<vmem>> -> memref<64xi32, #tpu.memory_space<vmem>>
        %dma_start3A_364 = arith.constant 0 : i32
        %dma_start3A_365 = arith.constant 0 : i32
        %dma_start3A_366 = tpu.memref_slice %arg2[%dma_start3A_364, %dma_start3A_365] : memref<10000x128xf32, #tpu.memory_space<hbm>> -> memref<10000x128xf32, #tpu.memory_space<hbm>>
        tpu.enqueue_indirect_dma source(%dma_start3A_366 : memref<10000x128xf32, #tpu.memory_space<hbm>>) target(%dma_start3A_360 : memref<64x128xf32, #tpu.memory_space<vmem>>) offsets(%dma_start3A_363 : memref<64xi32, #tpu.memory_space<vmem>>) semaphore(%arg15 : memref<!tpu.dma_semaphore, #tpu.memory_space<semaphore_mem>>)
      } else {
      }
      %dma_wait3A_261 = arith.constant 2 : i32
      %dma_wait3A_262 = arith.constant 2 : i32
      %dma_wait3A_263 = arith.constant 0 : i32
      %dma_wait3A_264 = arith.constant 0 : i32
      %dma_wait3A_265 = tpu.memref_slice %arg8[%dma_wait3A_262, %dma_wait3A_263, %dma_wait3A_264] : memref<4x64x128xf32, #tpu.memory_space<vmem>> -> memref<1x64x128xf32, #tpu.memory_space<vmem>>
      %dma_wait3A_266 = tpu.memref_squeeze %dma_wait3A_265 : memref<1x64x128xf32, #tpu.memory_space<vmem>> -> memref<64x128xf32, #tpu.memory_space<vmem>>
      %dma_wait3A_267 = arith.constant 0 : i32
      %dma_wait3A_268 = tpu.memref_slice %arg6[%dma_wait3A_261, %dma_wait3A_267] : memref<4x64xi32, #tpu.memory_space<vmem>> -> memref<1x64xi32, #tpu.memory_space<vmem>>
      %dma_wait3A_269 = tpu.memref_squeeze %dma_wait3A_268 : memref<1x64xi32, #tpu.memory_space<vmem>> -> memref<64xi32, #tpu.memory_space<vmem>>
      %dma_wait3A_270 = arith.constant 0 : i32
      %dma_wait3A_271 = arith.constant 0 : i32
      %dma_wait3A_272 = tpu.memref_slice %arg2[%dma_wait3A_270, %dma_wait3A_271] : memref<10000x128xf32, #tpu.memory_space<hbm>> -> memref<10000x128xf32, #tpu.memory_space<hbm>>
      tpu.wait_indirect_dma semaphore(%arg14 : memref<!tpu.dma_semaphore, #tpu.memory_space<semaphore_mem>>) src(%dma_wait3A_272 : memref<10000x128xf32, #tpu.memory_space<hbm>>) dst(%dma_wait3A_266 : memref<64x128xf32, #tpu.memory_space<vmem>>)
      %dma_start3A_273 = arith.constant 2 : i32
      %dma_start3A_274 = arith.constant 2 : i32
      %dma_start3A_275 = arith.constant 0 : i32
      %dma_start3A_276 = arith.constant 0 : i32
      %dma_start3A_277 = tpu.memref_slice %arg8[%dma_start3A_273, %dma_start3A_275, %dma_start3A_276] : memref<4x64x128xf32, #tpu.memory_space<vmem>> -> memref<1x64x128xf32, #tpu.memory_space<vmem>>
      %dma_start3A_278 = tpu.memref_squeeze %dma_start3A_277 : memref<1x64x128xf32, #tpu.memory_space<vmem>> -> memref<64x128xf32, #tpu.memory_space<vmem>>
      %dma_start3A_279 = arith.constant 0 : i32
      %dma_start3A_280 = tpu.memref_slice %arg7[%dma_start3A_274, %dma_start3A_279] : memref<4x64xi32, #tpu.memory_space<vmem>> -> memref<1x64xi32, #tpu.memory_space<vmem>>
      %dma_start3A_281 = tpu.memref_squeeze %dma_start3A_280 : memref<1x64xi32, #tpu.memory_space<vmem>> -> memref<64xi32, #tpu.memory_space<vmem>>
      %dma_start3A_282 = arith.constant 0 : i32
      %dma_start3A_283 = arith.constant 0 : i32
      %dma_start3A_284 = tpu.memref_slice %arg24[%dma_start3A_282, %dma_start3A_283] : memref<10000x128xf32, #tpu.memory_space<vmem_shared>> -> memref<10000x128xf32, #tpu.memory_space<vmem_shared>>
      tpu.enqueue_indirect_dma source(%dma_start3A_278 : memref<64x128xf32, #tpu.memory_space<vmem>>) target(%dma_start3A_284 : memref<10000x128xf32, #tpu.memory_space<vmem_shared>>) offsets(%dma_start3A_281 : memref<64xi32, #tpu.memory_space<vmem>>) semaphore(%arg22 : memref<!tpu.dma_semaphore, #tpu.memory_space<semaphore_mem>>) {add = true}
      %mul3A_285 = arith.constant 4 : i32
      %mul3A_286 = arith.muli %mul3A_285, %add3A_143 : i32
      %add3A_287 = arith.constant 3 : i32
      %add3A_288 = arith.addi %mul3A_286, %add3A_287 : i32
      %ge3A_289 = arith.constant 2 : i32
      %ge3A_290 = arith.cmpi sge, %add3A_288, %ge3A_289 : i32
      %convert_element_type3A_291 = arith.extui %ge3A_290 : i1 to i32
      %cond3A_292 = arith.constant 0 : i32
      %cond3A_293 = arith.cmpi ne, %convert_element_type3A_291, %cond3A_292 : i32
      scf.if %cond3A_293 {
        %dma_wait3A_332 = arith.constant 1 : i32
        %dma_wait3A_333 = arith.constant 1 : i32
        %dma_wait3A_334 = arith.constant 0 : i32
        %dma_wait3A_335 = arith.constant 0 : i32
        %dma_wait3A_336 = tpu.memref_slice %arg8[%dma_wait3A_332, %dma_wait3A_334, %dma_wait3A_335] : memref<4x64x128xf32, #tpu.memory_space<vmem>> -> memref<1x64x128xf32, #tpu.memory_space<vmem>>
        %dma_wait3A_337 = tpu.memref_squeeze %dma_wait3A_336 : memref<1x64x128xf32, #tpu.memory_space<vmem>> -> memref<64x128xf32, #tpu.memory_space<vmem>>
        %dma_wait3A_338 = arith.constant 0 : i32
        %dma_wait3A_339 = tpu.memref_slice %arg7[%dma_wait3A_333, %dma_wait3A_338] : memref<4x64xi32, #tpu.memory_space<vmem>> -> memref<1x64xi32, #tpu.memory_space<vmem>>
        %dma_wait3A_340 = tpu.memref_squeeze %dma_wait3A_339 : memref<1x64xi32, #tpu.memory_space<vmem>> -> memref<64xi32, #tpu.memory_space<vmem>>
        %dma_wait3A_341 = arith.constant 0 : i32
        %dma_wait3A_342 = arith.constant 0 : i32
        %dma_wait3A_343 = tpu.memref_slice %arg24[%dma_wait3A_341, %dma_wait3A_342] : memref<10000x128xf32, #tpu.memory_space<vmem_shared>> -> memref<10000x128xf32, #tpu.memory_space<vmem_shared>>
        tpu.wait_indirect_dma semaphore(%arg21 : memref<!tpu.dma_semaphore, #tpu.memory_space<semaphore_mem>>) src(%dma_wait3A_337 : memref<64x128xf32, #tpu.memory_space<vmem>>) dst(%dma_wait3A_343 : memref<10000x128xf32, #tpu.memory_space<vmem_shared>>)
      } else {
      }
      %add3A_294 = arith.constant 2 : i32
      %add3A_295 = arith.addi %add3A_288, %add3A_294 : i32
      %lt3A_296 = arith.constant 156 : i32
      %lt3A_297 = arith.cmpi slt, %add3A_295, %lt3A_296 : i32
      %convert_element_type3A_298 = arith.extui %lt3A_297 : i1 to i32
      %cond3A_299 = arith.constant 0 : i32
      %cond3A_300 = arith.cmpi ne, %convert_element_type3A_298, %cond3A_299 : i32
      scf.if %cond3A_300 {
        %add3A_332 = arith.constant 2 : i32
        %add3A_333 = arith.addi %add3A_288, %add3A_332 : i32
        %mul3A_334 = arith.constant 64 : i32
        %mul3A_335 = arith.muli %add3A_333, %mul3A_334 : i32
        %add3A_336 = arith.addi %mul3A_26, %mul3A_335 : i32
        %dma_start3A_337 = arith.constant 1 : i32
        %dma_start3A_338 = arith.constant 0 : i32
        %dma_start3A_339 = tpu.memref_slice %arg6[%dma_start3A_337, %dma_start3A_338] : memref<4x64xi32, #tpu.memory_space<vmem>> -> memref<1x64xi32, #tpu.memory_space<vmem>>
        %dma_start3A_340 = tpu.memref_squeeze %dma_start3A_339 : memref<1x64xi32, #tpu.memory_space<vmem>> -> memref<64xi32, #tpu.memory_space<vmem>>
        %dma_start3A_341 = tpu.memref_slice %arg3[%add3A_336] : memref<320000xi32, #tpu.memory_space<hbm>> -> memref<64xi32, #tpu.memory_space<hbm>>
        %dma_start3A_342 = arith.constant 0 : i32
        %dma_start3A_343 = tpu.memref_slice %arg6[%dma_start3A_337, %dma_start3A_342] : memref<4x64xi32, #tpu.memory_space<vmem>> -> memref<1x64xi32, #tpu.memory_space<vmem>>
        %dma_start3A_344 = tpu.memref_squeeze %dma_start3A_343 : memref<1x64xi32, #tpu.memory_space<vmem>> -> memref<64xi32, #tpu.memory_space<vmem>>
        %dma_start3A_345 = tpu.memref_slice %arg3[%add3A_336] : memref<320000xi32, #tpu.memory_space<hbm>> -> memref<64xi32, #tpu.memory_space<hbm>>
        tpu.enqueue_dma source(%dma_start3A_345 : memref<64xi32, #tpu.memory_space<hbm>>) target(%dma_start3A_344 : memref<64xi32, #tpu.memory_space<vmem>>) target_semaphore(%arg17 : memref<!tpu.dma_semaphore, #tpu.memory_space<semaphore_mem>>)
        %dma_start3A_346 = arith.constant 1 : i32
        %dma_start3A_347 = arith.constant 0 : i32
        %dma_start3A_348 = tpu.memref_slice %arg7[%dma_start3A_346, %dma_start3A_347] : memref<4x64xi32, #tpu.memory_space<vmem>> -> memref<1x64xi32, #tpu.memory_space<vmem>>
        %dma_start3A_349 = tpu.memref_squeeze %dma_start3A_348 : memref<1x64xi32, #tpu.memory_space<vmem>> -> memref<64xi32, #tpu.memory_space<vmem>>
        %dma_start3A_350 = tpu.memref_slice %arg4[%add3A_336] : memref<320000xi32, #tpu.memory_space<hbm>> -> memref<64xi32, #tpu.memory_space<hbm>>
        %dma_start3A_351 = arith.constant 0 : i32
        %dma_start3A_352 = tpu.memref_slice %arg7[%dma_start3A_346, %dma_start3A_351] : memref<4x64xi32, #tpu.memory_space<vmem>> -> memref<1x64xi32, #tpu.memory_space<vmem>>
        %dma_start3A_353 = tpu.memref_squeeze %dma_start3A_352 : memref<1x64xi32, #tpu.memory_space<vmem>> -> memref<64xi32, #tpu.memory_space<vmem>>
        %dma_start3A_354 = tpu.memref_slice %arg4[%add3A_336] : memref<320000xi32, #tpu.memory_space<hbm>> -> memref<64xi32, #tpu.memory_space<hbm>>
        tpu.enqueue_dma source(%dma_start3A_354 : memref<64xi32, #tpu.memory_space<hbm>>) target(%dma_start3A_353 : memref<64xi32, #tpu.memory_space<vmem>>) target_semaphore(%arg17 : memref<!tpu.dma_semaphore, #tpu.memory_space<semaphore_mem>>)
      } else {
      }
      %add3A_301 = arith.constant 1 : i32
      %add3A_302 = arith.addi %add3A_288, %add3A_301 : i32
      %lt3A_303 = arith.constant 156 : i32
      %lt3A_304 = arith.cmpi slt, %add3A_302, %lt3A_303 : i32
      %convert_element_type3A_305 = arith.extui %lt3A_304 : i1 to i32
      %cond3A_306 = arith.constant 0 : i32
      %cond3A_307 = arith.cmpi ne, %convert_element_type3A_305, %cond3A_306 : i32
      scf.if %cond3A_307 {
        %add3A_332 = arith.constant 1 : i32
        %add3A_333 = arith.addi %add3A_288, %add3A_332 : i32
        %mul3A_334 = arith.constant 64 : i32
        %mul3A_335 = arith.muli %add3A_333, %mul3A_334 : i32
        %add3A_336 = arith.addi %mul3A_26, %mul3A_335 : i32
        %dma_wait3A_337 = arith.constant 0 : i32
        %dma_wait3A_338 = arith.constant 0 : i32
        %dma_wait3A_339 = tpu.memref_slice %arg6[%dma_wait3A_337, %dma_wait3A_338] : memref<4x64xi32, #tpu.memory_space<vmem>> -> memref<1x64xi32, #tpu.memory_space<vmem>>
        %dma_wait3A_340 = tpu.memref_squeeze %dma_wait3A_339 : memref<1x64xi32, #tpu.memory_space<vmem>> -> memref<64xi32, #tpu.memory_space<vmem>>
        %dma_wait3A_341 = tpu.memref_slice %arg3[%add3A_336] : memref<320000xi32, #tpu.memory_space<hbm>> -> memref<64xi32, #tpu.memory_space<hbm>>
        %dma_wait3A_342 = arith.constant 0 : i32
        %dma_wait3A_343 = tpu.memref_slice %arg6[%dma_wait3A_337, %dma_wait3A_342] : memref<4x64xi32, #tpu.memory_space<vmem>> -> memref<1x64xi32, #tpu.memory_space<vmem>>
        %dma_wait3A_344 = tpu.memref_squeeze %dma_wait3A_343 : memref<1x64xi32, #tpu.memory_space<vmem>> -> memref<64xi32, #tpu.memory_space<vmem>>
        %dma_wait3A_345 = tpu.memref_slice %arg3[%add3A_336] : memref<320000xi32, #tpu.memory_space<hbm>> -> memref<64xi32, #tpu.memory_space<hbm>>
        tpu.wait_dma2 semaphore(%arg16 : memref<!tpu.dma_semaphore, #tpu.memory_space<semaphore_mem>>) src(%dma_wait3A_345 : memref<64xi32, #tpu.memory_space<hbm>>) dst(%dma_wait3A_344 : memref<64xi32, #tpu.memory_space<vmem>>)
        %dma_wait3A_346 = arith.constant 0 : i32
        %dma_wait3A_347 = arith.constant 0 : i32
        %dma_wait3A_348 = tpu.memref_slice %arg7[%dma_wait3A_346, %dma_wait3A_347] : memref<4x64xi32, #tpu.memory_space<vmem>> -> memref<1x64xi32, #tpu.memory_space<vmem>>
        %dma_wait3A_349 = tpu.memref_squeeze %dma_wait3A_348 : memref<1x64xi32, #tpu.memory_space<vmem>> -> memref<64xi32, #tpu.memory_space<vmem>>
        %dma_wait3A_350 = tpu.memref_slice %arg4[%add3A_336] : memref<320000xi32, #tpu.memory_space<hbm>> -> memref<64xi32, #tpu.memory_space<hbm>>
        %dma_wait3A_351 = arith.constant 0 : i32
        %dma_wait3A_352 = tpu.memref_slice %arg7[%dma_wait3A_346, %dma_wait3A_351] : memref<4x64xi32, #tpu.memory_space<vmem>> -> memref<1x64xi32, #tpu.memory_space<vmem>>
        %dma_wait3A_353 = tpu.memref_squeeze %dma_wait3A_352 : memref<1x64xi32, #tpu.memory_space<vmem>> -> memref<64xi32, #tpu.memory_space<vmem>>
        %dma_wait3A_354 = tpu.memref_slice %arg4[%add3A_336] : memref<320000xi32, #tpu.memory_space<hbm>> -> memref<64xi32, #tpu.memory_space<hbm>>
        tpu.wait_dma2 semaphore(%arg16 : memref<!tpu.dma_semaphore, #tpu.memory_space<semaphore_mem>>) src(%dma_wait3A_354 : memref<64xi32, #tpu.memory_space<hbm>>) dst(%dma_wait3A_353 : memref<64xi32, #tpu.memory_space<vmem>>)
        %dma_start3A_355 = arith.constant 0 : i32
        %dma_start3A_356 = arith.constant 0 : i32
        %dma_start3A_357 = arith.constant 0 : i32
        %dma_start3A_358 = arith.constant 0 : i32
        %dma_start3A_359 = tpu.memref_slice %arg8[%dma_start3A_356, %dma_start3A_357, %dma_start3A_358] : memref<4x64x128xf32, #tpu.memory_space<vmem>> -> memref<1x64x128xf32, #tpu.memory_space<vmem>>
        %dma_start3A_360 = tpu.memref_squeeze %dma_start3A_359 : memref<1x64x128xf32, #tpu.memory_space<vmem>> -> memref<64x128xf32, #tpu.memory_space<vmem>>
        %dma_start3A_361 = arith.constant 0 : i32
        %dma_start3A_362 = tpu.memref_slice %arg6[%dma_start3A_355, %dma_start3A_361] : memref<4x64xi32, #tpu.memory_space<vmem>> -> memref<1x64xi32, #tpu.memory_space<vmem>>
        %dma_start3A_363 = tpu.memref_squeeze %dma_start3A_362 : memref<1x64xi32, #tpu.memory_space<vmem>> -> memref<64xi32, #tpu.memory_space<vmem>>
        %dma_start3A_364 = arith.constant 0 : i32
        %dma_start3A_365 = arith.constant 0 : i32
        %dma_start3A_366 = tpu.memref_slice %arg2[%dma_start3A_364, %dma_start3A_365] : memref<10000x128xf32, #tpu.memory_space<hbm>> -> memref<10000x128xf32, #tpu.memory_space<hbm>>
        tpu.enqueue_indirect_dma source(%dma_start3A_366 : memref<10000x128xf32, #tpu.memory_space<hbm>>) target(%dma_start3A_360 : memref<64x128xf32, #tpu.memory_space<vmem>>) offsets(%dma_start3A_363 : memref<64xi32, #tpu.memory_space<vmem>>) semaphore(%arg12 : memref<!tpu.dma_semaphore, #tpu.memory_space<semaphore_mem>>)
      } else {
      }
      %dma_wait3A_308 = arith.constant 3 : i32
      %dma_wait3A_309 = arith.constant 3 : i32
      %dma_wait3A_310 = arith.constant 0 : i32
      %dma_wait3A_311 = arith.constant 0 : i32
      %dma_wait3A_312 = tpu.memref_slice %arg8[%dma_wait3A_309, %dma_wait3A_310, %dma_wait3A_311] : memref<4x64x128xf32, #tpu.memory_space<vmem>> -> memref<1x64x128xf32, #tpu.memory_space<vmem>>
      %dma_wait3A_313 = tpu.memref_squeeze %dma_wait3A_312 : memref<1x64x128xf32, #tpu.memory_space<vmem>> -> memref<64x128xf32, #tpu.memory_space<vmem>>
      %dma_wait3A_314 = arith.constant 0 : i32
      %dma_wait3A_315 = tpu.memref_slice %arg6[%dma_wait3A_308, %dma_wait3A_314] : memref<4x64xi32, #tpu.memory_space<vmem>> -> memref<1x64xi32, #tpu.memory_space<vmem>>
      %dma_wait3A_316 = tpu.memref_squeeze %dma_wait3A_315 : memref<1x64xi32, #tpu.memory_space<vmem>> -> memref<64xi32, #tpu.memory_space<vmem>>
      %dma_wait3A_317 = arith.constant 0 : i32
      %dma_wait3A_318 = arith.constant 0 : i32
      %dma_wait3A_319 = tpu.memref_slice %arg2[%dma_wait3A_317, %dma_wait3A_318] : memref<10000x128xf32, #tpu.memory_space<hbm>> -> memref<10000x128xf32, #tpu.memory_space<hbm>>
      tpu.wait_indirect_dma semaphore(%arg15 : memref<!tpu.dma_semaphore, #tpu.memory_space<semaphore_mem>>) src(%dma_wait3A_319 : memref<10000x128xf32, #tpu.memory_space<hbm>>) dst(%dma_wait3A_313 : memref<64x128xf32, #tpu.memory_space<vmem>>)
      %dma_start3A_320 = arith.constant 3 : i32
      %dma_start3A_321 = arith.constant 3 : i32
      %dma_start3A_322 = arith.constant 0 : i32
      %dma_start3A_323 = arith.constant 0 : i32
      %dma_start3A_324 = tpu.memref_slice %arg8[%dma_start3A_320, %dma_start3A_322, %dma_start3A_323] : memref<4x64x128xf32, #tpu.memory_space<vmem>> -> memref<1x64x128xf32, #tpu.memory_space<vmem>>
      %dma_start3A_325 = tpu.memref_squeeze %dma_start3A_324 : memref<1x64x128xf32, #tpu.memory_space<vmem>> -> memref<64x128xf32, #tpu.memory_space<vmem>>
      %dma_start3A_326 = arith.constant 0 : i32
      %dma_start3A_327 = tpu.memref_slice %arg7[%dma_start3A_321, %dma_start3A_326] : memref<4x64xi32, #tpu.memory_space<vmem>> -> memref<1x64xi32, #tpu.memory_space<vmem>>
      %dma_start3A_328 = tpu.memref_squeeze %dma_start3A_327 : memref<1x64xi32, #tpu.memory_space<vmem>> -> memref<64xi32, #tpu.memory_space<vmem>>
      %dma_start3A_329 = arith.constant 0 : i32
      %dma_start3A_330 = arith.constant 0 : i32
      %dma_start3A_331 = tpu.memref_slice %arg24[%dma_start3A_329, %dma_start3A_330] : memref<10000x128xf32, #tpu.memory_space<vmem_shared>> -> memref<10000x128xf32, #tpu.memory_space<vmem_shared>>
      tpu.enqueue_indirect_dma source(%dma_start3A_325 : memref<64x128xf32, #tpu.memory_space<vmem>>) target(%dma_start3A_331 : memref<10000x128xf32, #tpu.memory_space<vmem_shared>>) offsets(%dma_start3A_328 : memref<64xi32, #tpu.memory_space<vmem>>) semaphore(%arg23 : memref<!tpu.dma_semaphore, #tpu.memory_space<semaphore_mem>>) {add = true}
    }
    %scan3A_101 = arith.constant 39 : i32
    %dma_wait3A_102 = arith.constant 2 : i32
    %dma_wait3A_103 = arith.constant 2 : i32
    %dma_wait3A_104 = arith.constant 0 : i32
    %dma_wait3A_105 = arith.constant 0 : i32
    %dma_wait3A_106 = tpu.memref_slice %arg8[%dma_wait3A_102, %dma_wait3A_104, %dma_wait3A_105] : memref<4x64x128xf32, #tpu.memory_space<vmem>> -> memref<1x64x128xf32, #tpu.memory_space<vmem>>
    %dma_wait3A_107 = tpu.memref_squeeze %dma_wait3A_106 : memref<1x64x128xf32, #tpu.memory_space<vmem>> -> memref<64x128xf32, #tpu.memory_space<vmem>>
    %dma_wait3A_108 = arith.constant 0 : i32
    %dma_wait3A_109 = tpu.memref_slice %arg7[%dma_wait3A_103, %dma_wait3A_108] : memref<4x64xi32, #tpu.memory_space<vmem>> -> memref<1x64xi32, #tpu.memory_space<vmem>>
    %dma_wait3A_110 = tpu.memref_squeeze %dma_wait3A_109 : memref<1x64xi32, #tpu.memory_space<vmem>> -> memref<64xi32, #tpu.memory_space<vmem>>
    %dma_wait3A_111 = arith.constant 0 : i32
    %dma_wait3A_112 = arith.constant 0 : i32
    %dma_wait3A_113 = tpu.memref_slice %arg24[%dma_wait3A_111, %dma_wait3A_112] : memref<10000x128xf32, #tpu.memory_space<vmem_shared>> -> memref<10000x128xf32, #tpu.memory_space<vmem_shared>>
    tpu.wait_indirect_dma semaphore(%arg22 : memref<!tpu.dma_semaphore, #tpu.memory_space<semaphore_mem>>) src(%dma_wait3A_107 : memref<64x128xf32, #tpu.memory_space<vmem>>) dst(%dma_wait3A_113 : memref<10000x128xf32, #tpu.memory_space<vmem_shared>>)
    %dma_wait3A_114 = arith.constant 3 : i32
    %dma_wait3A_115 = arith.constant 3 : i32
    %dma_wait3A_116 = arith.constant 0 : i32
    %dma_wait3A_117 = arith.constant 0 : i32
    %dma_wait3A_118 = tpu.memref_slice %arg8[%dma_wait3A_114, %dma_wait3A_116, %dma_wait3A_117] : memref<4x64x128xf32, #tpu.memory_space<vmem>> -> memref<1x64x128xf32, #tpu.memory_space<vmem>>
    %dma_wait3A_119 = tpu.memref_squeeze %dma_wait3A_118 : memref<1x64x128xf32, #tpu.memory_space<vmem>> -> memref<64x128xf32, #tpu.memory_space<vmem>>
    %dma_wait3A_120 = arith.constant 0 : i32
    %dma_wait3A_121 = tpu.memref_slice %arg7[%dma_wait3A_115, %dma_wait3A_120] : memref<4x64xi32, #tpu.memory_space<vmem>> -> memref<1x64xi32, #tpu.memory_space<vmem>>
    %dma_wait3A_122 = tpu.memref_squeeze %dma_wait3A_121 : memref<1x64xi32, #tpu.memory_space<vmem>> -> memref<64xi32, #tpu.memory_space<vmem>>
    %dma_wait3A_123 = arith.constant 0 : i32
    %dma_wait3A_124 = arith.constant 0 : i32
    %dma_wait3A_125 = tpu.memref_slice %arg24[%dma_wait3A_123, %dma_wait3A_124] : memref<10000x128xf32, #tpu.memory_space<vmem_shared>> -> memref<10000x128xf32, #tpu.memory_space<vmem_shared>>
    tpu.wait_indirect_dma semaphore(%arg23 : memref<!tpu.dma_semaphore, #tpu.memory_space<semaphore_mem>>) src(%dma_wait3A_119 : memref<64x128xf32, #tpu.memory_space<vmem>>) dst(%dma_wait3A_125 : memref<10000x128xf32, #tpu.memory_space<vmem_shared>>)
    %add3A_126 = arith.constant 9984 : i32
    %add3A_127 = arith.addi %mul3A_26, %add3A_126 : i32
    "tpu.region"() ({
      %run_scoped3A = tpu.sem_alloc : memref<!tpu.dma_semaphore, #tpu.memory_space<semaphore_mem>>
      %dma_start3A_139 = tpu.memref_slice %arg3[%add3A_127] : memref<320000xi32, #tpu.memory_space<hbm>> -> memref<16xi32, #tpu.memory_space<hbm>>
      %dma_start3A_140 = tpu.memref_slice %arg3[%add3A_127] : memref<320000xi32, #tpu.memory_space<hbm>> -> memref<16xi32, #tpu.memory_space<hbm>>
      tpu.enqueue_dma source(%dma_start3A_140 : memref<16xi32, #tpu.memory_space<hbm>>) target(%arg9 : memref<16xi32, #tpu.memory_space<vmem>>) target_semaphore(%run_scoped3A : memref<!tpu.dma_semaphore, #tpu.memory_space<semaphore_mem>>)
      %dma_wait3A_141 = tpu.memref_slice %arg3[%add3A_127] : memref<320000xi32, #tpu.memory_space<hbm>> -> memref<16xi32, #tpu.memory_space<hbm>>
      %dma_wait3A_142 = tpu.memref_slice %arg3[%add3A_127] : memref<320000xi32, #tpu.memory_space<hbm>> -> memref<16xi32, #tpu.memory_space<hbm>>
      tpu.wait_dma2 semaphore(%run_scoped3A : memref<!tpu.dma_semaphore, #tpu.memory_space<semaphore_mem>>) src(%dma_wait3A_142 : memref<16xi32, #tpu.memory_space<hbm>>) dst(%arg9 : memref<16xi32, #tpu.memory_space<vmem>>)
      tpu.yield
    }) : () -> ()
    "tpu.region"() ({
      %run_scoped3A = tpu.sem_alloc : memref<!tpu.dma_semaphore, #tpu.memory_space<semaphore_mem>>
      %dma_start3A_139 = tpu.memref_slice %arg4[%add3A_127] : memref<320000xi32, #tpu.memory_space<hbm>> -> memref<16xi32, #tpu.memory_space<hbm>>
      %dma_start3A_140 = tpu.memref_slice %arg4[%add3A_127] : memref<320000xi32, #tpu.memory_space<hbm>> -> memref<16xi32, #tpu.memory_space<hbm>>
      tpu.enqueue_dma source(%dma_start3A_140 : memref<16xi32, #tpu.memory_space<hbm>>) target(%arg10 : memref<16xi32, #tpu.memory_space<vmem>>) target_semaphore(%run_scoped3A : memref<!tpu.dma_semaphore, #tpu.memory_space<semaphore_mem>>)
      %dma_wait3A_141 = tpu.memref_slice %arg4[%add3A_127] : memref<320000xi32, #tpu.memory_space<hbm>> -> memref<16xi32, #tpu.memory_space<hbm>>
      %dma_wait3A_142 = tpu.memref_slice %arg4[%add3A_127] : memref<320000xi32, #tpu.memory_space<hbm>> -> memref<16xi32, #tpu.memory_space<hbm>>
      tpu.wait_dma2 semaphore(%run_scoped3A : memref<!tpu.dma_semaphore, #tpu.memory_space<semaphore_mem>>) src(%dma_wait3A_142 : memref<16xi32, #tpu.memory_space<hbm>>) dst(%arg10 : memref<16xi32, #tpu.memory_space<vmem>>)
      tpu.yield
    }) : () -> ()
    "tpu.region"() ({
      %run_scoped3A = tpu.sem_alloc : memref<!tpu.dma_semaphore, #tpu.memory_space<semaphore_mem>>
      %dma_start3A_139 = arith.constant 0 : i32
      %dma_start3A_140 = arith.constant 0 : i32
      %dma_start3A_141 = tpu.memref_slice %arg2[%dma_start3A_139, %dma_start3A_140] : memref<10000x128xf32, #tpu.memory_space<hbm>> -> memref<10000x128xf32, #tpu.memory_space<hbm>>
      tpu.enqueue_indirect_dma source(%dma_start3A_141 : memref<10000x128xf32, #tpu.memory_space<hbm>>) target(%arg11 : memref<16x128xf32, #tpu.memory_space<vmem>>) offsets(%arg9 : memref<16xi32, #tpu.memory_space<vmem>>) semaphore(%run_scoped3A : memref<!tpu.dma_semaphore, #tpu.memory_space<semaphore_mem>>)
      %dma_wait3A_142 = arith.constant 0 : i32
      %dma_wait3A_143 = arith.constant 0 : i32
      %dma_wait3A_144 = tpu.memref_slice %arg2[%dma_wait3A_142, %dma_wait3A_143] : memref<10000x128xf32, #tpu.memory_space<hbm>> -> memref<10000x128xf32, #tpu.memory_space<hbm>>
      tpu.wait_indirect_dma semaphore(%run_scoped3A : memref<!tpu.dma_semaphore, #tpu.memory_space<semaphore_mem>>) src(%dma_wait3A_144 : memref<10000x128xf32, #tpu.memory_space<hbm>>) dst(%arg11 : memref<16x128xf32, #tpu.memory_space<vmem>>)
      tpu.yield
    }) : () -> ()
    "tpu.region"() ({
      %run_scoped3A = tpu.sem_alloc : memref<!tpu.dma_semaphore, #tpu.memory_space<semaphore_mem>>
      %dma_start3A_139 = arith.constant 0 : i32
      %dma_start3A_140 = arith.constant 0 : i32
      %dma_start3A_141 = tpu.memref_slice %arg24[%dma_start3A_139, %dma_start3A_140] : memref<10000x128xf32, #tpu.memory_space<vmem_shared>> -> memref<10000x128xf32, #tpu.memory_space<vmem_shared>>
      tpu.enqueue_indirect_dma source(%arg11 : memref<16x128xf32, #tpu.memory_space<vmem>>) target(%dma_start3A_141 : memref<10000x128xf32, #tpu.memory_space<vmem_shared>>) offsets(%arg10 : memref<16xi32, #tpu.memory_space<vmem>>) semaphore(%run_scoped3A : memref<!tpu.dma_semaphore, #tpu.memory_space<semaphore_mem>>) {add = true}
      %dma_wait3A_142 = arith.constant 0 : i32
      %dma_wait3A_143 = arith.constant 0 : i32
      %dma_wait3A_144 = tpu.memref_slice %arg24[%dma_wait3A_142, %dma_wait3A_143] : memref<10000x128xf32, #tpu.memory_space<vmem_shared>> -> memref<10000x128xf32, #tpu.memory_space<vmem_shared>>
      tpu.wait_indirect_dma semaphore(%run_scoped3A : memref<!tpu.dma_semaphore, #tpu.memory_space<semaphore_mem>>) src(%arg11 : memref<16x128xf32, #tpu.memory_space<vmem>>) dst(%dma_wait3A_144 : memref<10000x128xf32, #tpu.memory_space<vmem_shared>>)
      tpu.yield
    }) : () -> ()
    %barrier3A_128 = arith.constant 0 : index
    tpu.barrier barrier_id(%barrier3A_128)
    %lt3A_129 = arith.constant 2 : i32
    %lt3A_130 = arith.cmpi slt, %arg1, %lt3A_129 : i32
    %convert_element_type3A_131 = arith.extui %lt3A_130 : i1 to i32
    %cond3A_132 = arith.constant 0 : i32
    %cond3A_133 = arith.cmpi ne, %convert_element_type3A_131, %cond3A_132 : i32
    scf.if %cond3A_133 {
      "tpu.region"() ({
        %run_scoped3A = tpu.sem_alloc : memref<!tpu.dma_semaphore, #tpu.memory_space<semaphore_mem>>
        %dma_start3A_139 = arith.constant 0 : i32
        %dma_start3A_140 = tpu.memref_slice %arg5[%arg0, %select_n3A, %dma_start3A_139] : memref<2x10000x128xf32, #tpu.memory_space<hbm>> -> memref<1x632x128xf32, #tpu.memory_space<hbm>>
        %dma_start3A_141 = tpu.memref_squeeze %dma_start3A_140 : memref<1x632x128xf32, #tpu.memory_space<hbm>> -> memref<632x128xf32, #tpu.memory_space<hbm>>
        %dma_start3A_142 = arith.constant 0 : i32
        %dma_start3A_143 = tpu.memref_slice %arg24[%select_n3A, %dma_start3A_142] : memref<10000x128xf32, #tpu.memory_space<vmem_shared>> -> memref<632x128xf32, #tpu.memory_space<vmem_shared>>
        tpu.enqueue_dma source(%dma_start3A_143 : memref<632x128xf32, #tpu.memory_space<vmem_shared>>) target(%dma_start3A_141 : memref<632x128xf32, #tpu.memory_space<hbm>>) target_semaphore(%run_scoped3A : memref<!tpu.dma_semaphore, #tpu.memory_space<semaphore_mem>>)
        %dma_wait3A_144 = arith.constant 0 : i32
        %dma_wait3A_145 = tpu.memref_slice %arg5[%arg0, %select_n3A, %dma_wait3A_144] : memref<2x10000x128xf32, #tpu.memory_space<hbm>> -> memref<1x632x128xf32, #tpu.memory_space<hbm>>
        %dma_wait3A_146 = tpu.memref_squeeze %dma_wait3A_145 : memref<1x632x128xf32, #tpu.memory_space<hbm>> -> memref<632x128xf32, #tpu.memory_space<hbm>>
        %dma_wait3A_147 = arith.constant 0 : i32
        %dma_wait3A_148 = tpu.memref_slice %arg24[%select_n3A, %dma_wait3A_147] : memref<10000x128xf32, #tpu.memory_space<vmem_shared>> -> memref<632x128xf32, #tpu.memory_space<vmem_shared>>
        tpu.wait_dma2 semaphore(%run_scoped3A : memref<!tpu.dma_semaphore, #tpu.memory_space<semaphore_mem>>) src(%dma_wait3A_148 : memref<632x128xf32, #tpu.memory_space<vmem_shared>>) dst(%dma_wait3A_146 : memref<632x128xf32, #tpu.memory_space<hbm>>)
        tpu.yield
      }) : () -> ()
    } else {
    }
    %ge3A_134 = arith.constant 2 : i32
    %ge3A_135 = arith.cmpi sge, %arg1, %ge3A_134 : i32
    %convert_element_type3A_136 = arith.extui %ge3A_135 : i1 to i32
    %cond3A_137 = arith.constant 0 : i32
    %cond3A_138 = arith.cmpi ne, %convert_element_type3A_136, %cond3A_137 : i32
    scf.if %cond3A_138 {
      "tpu.region"() ({
        %run_scoped3A = tpu.sem_alloc : memref<!tpu.dma_semaphore, #tpu.memory_space<semaphore_mem>>
        %dma_start3A_139 = arith.constant 0 : i32
        %dma_start3A_140 = tpu.memref_slice %arg5[%arg0, %select_n3A, %dma_start3A_139] : memref<2x10000x128xf32, #tpu.memory_space<hbm>> -> memref<1x624x128xf32, #tpu.memory_space<hbm>>
        %dma_start3A_141 = tpu.memref_squeeze %dma_start3A_140 : memref<1x624x128xf32, #tpu.memory_space<hbm>> -> memref<624x128xf32, #tpu.memory_space<hbm>>
        %dma_start3A_142 = arith.constant 0 : i32
        %dma_start3A_143 = tpu.memref_slice %arg24[%select_n3A, %dma_start3A_142] : memref<10000x128xf32, #tpu.memory_space<vmem_shared>> -> memref<624x128xf32, #tpu.memory_space<vmem_shared>>
        tpu.enqueue_dma source(%dma_start3A_143 : memref<624x128xf32, #tpu.memory_space<vmem_shared>>) target(%dma_start3A_141 : memref<624x128xf32, #tpu.memory_space<hbm>>) target_semaphore(%run_scoped3A : memref<!tpu.dma_semaphore, #tpu.memory_space<semaphore_mem>>)
        %dma_wait3A_144 = arith.constant 0 : i32
        %dma_wait3A_145 = tpu.memref_slice %arg5[%arg0, %select_n3A, %dma_wait3A_144] : memref<2x10000x128xf32, #tpu.memory_space<hbm>> -> memref<1x624x128xf32, #tpu.memory_space<hbm>>
        %dma_wait3A_146 = tpu.memref_squeeze %dma_wait3A_145 : memref<1x624x128xf32, #tpu.memory_space<hbm>> -> memref<624x128xf32, #tpu.memory_space<hbm>>
        %dma_wait3A_147 = arith.constant 0 : i32
        %dma_wait3A_148 = tpu.memref_slice %arg24[%select_n3A, %dma_wait3A_147] : memref<10000x128xf32, #tpu.memory_space<vmem_shared>> -> memref<624x128xf32, #tpu.memory_space<vmem_shared>>
        tpu.wait_dma2 semaphore(%run_scoped3A : memref<!tpu.dma_semaphore, #tpu.memory_space<semaphore_mem>>) src(%dma_wait3A_148 : memref<624x128xf32, #tpu.memory_space<vmem_shared>>) dst(%dma_wait3A_146 : memref<624x128xf32, #tpu.memory_space<hbm>>)
        tpu.yield
      }) : () -> ()
    } else {
    }
    return
  }
}

module attributes {stable_mosaic.version = 14 : i64} {
  func.func @_mid_body(%arg0: i32, %arg1: memref<2000x128xf32, #tpu.memory_space<vmem>>, %arg2: memref<2x2000x128xf32, #tpu.memory_space<vmem>>, %arg3: memref<128x128xf32, #tpu.memory_space<vmem>>, %arg4: memref<128x128xf32, #tpu.memory_space<vmem>>, %arg5: memref<128x128xf32, #tpu.memory_space<vmem>>, %arg6: memref<1x128xf32, #tpu.memory_space<vmem>>, %arg7: memref<1x128xf32, #tpu.memory_space<vmem>>, %arg8: memref<2000x128xf32, #tpu.memory_space<vmem>>) attributes {dimension_semantics = [#tpu.dimension_semantics<arbitrary>], iteration_bounds = array<i64: 5>, scalar_prefetch = 0 : i64, scratch_operands = 0 : i64, tpu.core_type = #tpu.core_type<tc>, window_params = [{transform_indices = @transform_0, window_bounds = array<i64: 2000, 128>}, {transform_indices = @transform_1, window_bounds = array<i64: 2, 2000, 128>}, {pipeline_mode = #tpu.pipeline_mode<synchronous>, transform_indices = @transform_2, window_bounds = array<i64: 128, 128>}, {pipeline_mode = #tpu.pipeline_mode<synchronous>, transform_indices = @transform_3, window_bounds = array<i64: 128, 128>}, {pipeline_mode = #tpu.pipeline_mode<synchronous>, transform_indices = @transform_4, window_bounds = array<i64: 128, 128>}, {pipeline_mode = #tpu.pipeline_mode<synchronous>, transform_indices = @transform_5, window_bounds = array<i64: 1, 128>}, {pipeline_mode = #tpu.pipeline_mode<synchronous>, transform_indices = @transform_6, window_bounds = array<i64: 1, 128>}, {transform_indices = @transform_7, window_bounds = array<i64: 2000, 128>}]} {
    %get3A = arith.constant 0 : index
    %get3A_0 = arith.constant 0 : index
    %get3A_1 = vector.load %arg1[%get3A, %get3A_0] : memref<2000x128xf32, #tpu.memory_space<vmem>>, vector<2000x128xf32>
    %get3A_2 = arith.constant 0 : index
    %get3A_3 = arith.constant 0 : index
    %get3A_4 = arith.constant 0 : index
    %get3A_5 = vector.load %arg2[%get3A_2, %get3A_3, %get3A_4] : memref<2x2000x128xf32, #tpu.memory_space<vmem>>, vector<1x2000x128xf32>
    %get3A_6 = vector.shape_cast %get3A_5 : vector<1x2000x128xf32> to vector<2000x128xf32>
    %add3A = arith.addf %get3A_1, %get3A_6 : vector<2000x128xf32>
    %get3A_7 = arith.constant 1 : index
    %get3A_8 = arith.constant 0 : index
    %get3A_9 = arith.constant 0 : index
    %get3A_10 = vector.load %arg2[%get3A_7, %get3A_8, %get3A_9] : memref<2x2000x128xf32, #tpu.memory_space<vmem>>, vector<1x2000x128xf32>
    %get3A_11 = vector.shape_cast %get3A_10 : vector<1x2000x128xf32> to vector<2000x128xf32>
    %add3A_12 = arith.addf %add3A, %get3A_11 : vector<2000x128xf32>
    %get3A_13 = arith.constant 0 : index
    %get3A_14 = arith.constant 0 : index
    %get3A_15 = vector.load %arg3[%get3A_13, %get3A_14] : memref<128x128xf32, #tpu.memory_space<vmem>>, vector<128x128xf32>
    %dot_general3A = arith.constant dense<0.000000e+00> : vector<2000x128xf32>
    %dot_general3A_16 = tpu.matmul %add3A_12, %get3A_15, %dot_general3A {dimension_numbers = #tpu.dot_dimension_numbers<[1], [0], [0], [1], [0, 0, 1, 1], [], []>, precision = #tpu.contract_precision<fp32>, transpose_lhs_hint = false} : vector<2000x128xf32>, vector<128x128xf32>, vector<2000x128xf32> -> vector<2000x128xf32>
    %get3A_17 = arith.constant 0 : index
    %get3A_18 = arith.constant 0 : index
    %get3A_19 = vector.load %arg6[%get3A_17, %get3A_18] : memref<1x128xf32, #tpu.memory_space<vmem>>, vector<1x128xf32>
    %add3A_20 = vector.broadcast %get3A_19 : vector<1x128xf32> to vector<2000x128xf32>
    %add3A_21 = arith.addf %dot_general3A_16, %add3A_20 : vector<2000x128xf32>
    %max3A = arith.constant 0.000000e+00 : f32
    %max3A_22 = vector.broadcast %max3A : f32 to vector<2000x128xf32>
    %max3A_23 = arith.maximumf %add3A_21, %max3A_22 : vector<2000x128xf32>
    %get3A_24 = arith.constant 0 : index
    %get3A_25 = arith.constant 0 : index
    %get3A_26 = vector.load %arg4[%get3A_24, %get3A_25] : memref<128x128xf32, #tpu.memory_space<vmem>>, vector<128x128xf32>
    %dot_general3A_27 = arith.constant dense<0.000000e+00> : vector<2000x128xf32>
    %dot_general3A_28 = tpu.matmul %max3A_23, %get3A_26, %dot_general3A_27 {dimension_numbers = #tpu.dot_dimension_numbers<[1], [0], [0], [1], [0, 0, 1, 1], [], []>, precision = #tpu.contract_precision<fp32>, transpose_lhs_hint = false} : vector<2000x128xf32>, vector<128x128xf32>, vector<2000x128xf32> -> vector<2000x128xf32>
    %get3A_29 = arith.constant 0 : index
    %get3A_30 = arith.constant 0 : index
    %get3A_31 = vector.load %arg7[%get3A_29, %get3A_30] : memref<1x128xf32, #tpu.memory_space<vmem>>, vector<1x128xf32>
    %add3A_32 = vector.broadcast %get3A_31 : vector<1x128xf32> to vector<2000x128xf32>
    %add3A_33 = arith.addf %dot_general3A_28, %add3A_32 : vector<2000x128xf32>
    %max3A_34 = arith.constant 0.000000e+00 : f32
    %max3A_35 = vector.broadcast %max3A_34 : f32 to vector<2000x128xf32>
    %max3A_36 = arith.maximumf %add3A_33, %max3A_35 : vector<2000x128xf32>
    %get3A_37 = arith.constant 0 : index
    %get3A_38 = arith.constant 0 : index
    %get3A_39 = vector.load %arg5[%get3A_37, %get3A_38] : memref<128x128xf32, #tpu.memory_space<vmem>>, vector<128x128xf32>
    %dot_general3A_40 = arith.constant dense<0.000000e+00> : vector<2000x128xf32>
    %dot_general3A_41 = tpu.matmul %max3A_36, %get3A_39, %dot_general3A_40 {dimension_numbers = #tpu.dot_dimension_numbers<[1], [0], [0], [1], [0, 0, 1, 1], [], []>, precision = #tpu.contract_precision<fp32>, transpose_lhs_hint = false} : vector<2000x128xf32>, vector<128x128xf32>, vector<2000x128xf32> -> vector<2000x128xf32>
    %swap3A = arith.constant 0 : index
    %swap3A_42 = arith.constant 0 : index
    %swap3A_43 = vector.load %arg8[%swap3A, %swap3A_42] : memref<2000x128xf32, #tpu.memory_space<vmem>>, vector<2000x128xf32>
    tpu.vector_store %arg8[%swap3A, %swap3A_42], %dot_general3A_41 {strides = array<i32>} : memref<2000x128xf32, #tpu.memory_space<vmem>>, vector<2000x128xf32>,
    return
  }
  func.func @transform_0(%arg0: i32) -> (i32, i32) {
    %c0_i32 = arith.constant 0 : i32
    %c0_i32_0 = arith.constant 0 : i32
    return %arg0, %c0_i32 : i32, i32
  }
  func.func @transform_1(%arg0: i32) -> (i32, i32, i32) {
    %c0_i32 = arith.constant 0 : i32
    %c0_i32_0 = arith.constant 0 : i32
    %c0_i32_1 = arith.constant 0 : i32
    return %c0_i32, %arg0, %c0_i32_0 : i32, i32, i32
  }
  func.func @transform_2(%arg0: i32) -> (i32, i32) {
    %c0_i32 = arith.constant 0 : i32
    %c0_i32_0 = arith.constant 0 : i32
    %c0_i32_1 = arith.constant 0 : i32
    return %c0_i32, %c0_i32_0 : i32, i32
  }
  func.func @transform_3(%arg0: i32) -> (i32, i32) {
    %c0_i32 = arith.constant 0 : i32
    %c0_i32_0 = arith.constant 0 : i32
    %c0_i32_1 = arith.constant 0 : i32
    return %c0_i32, %c0_i32_0 : i32, i32
  }
  func.func @transform_4(%arg0: i32) -> (i32, i32) {
    %c0_i32 = arith.constant 0 : i32
    %c0_i32_0 = arith.constant 0 : i32
    %c0_i32_1 = arith.constant 0 : i32
    return %c0_i32, %c0_i32_0 : i32, i32
  }
  func.func @transform_5(%arg0: i32) -> (i32, i32) {
    %c0_i32 = arith.constant 0 : i32
    %c0_i32_0 = arith.constant 0 : i32
    %c0_i32_1 = arith.constant 0 : i32
    return %c0_i32, %c0_i32_0 : i32, i32
  }
  func.func @transform_6(%arg0: i32) -> (i32, i32) {
    %c0_i32 = arith.constant 0 : i32
    %c0_i32_0 = arith.constant 0 : i32
    %c0_i32_1 = arith.constant 0 : i32
    return %c0_i32, %c0_i32_0 : i32, i32
  }
  func.func @transform_7(%arg0: i32) -> (i32, i32) {
    %c0_i32 = arith.constant 0 : i32
    %c0_i32_0 = arith.constant 0 : i32
    return %arg0, %c0_i32 : i32, i32
  }
}

module attributes {stable_mosaic.version = 14 : i64} {
  func.func @_fin_body(%arg0: i32, %arg1: memref<2000x128xf32, #tpu.memory_space<vmem>>, %arg2: memref<2x2000x128xf32, #tpu.memory_space<vmem>>, %arg3: memref<128x128xf32, #tpu.memory_space<vmem>>, %arg4: memref<1x128xf32, #tpu.memory_space<vmem>>, %arg5: memref<1x128xf32, #tpu.memory_space<vmem>>, %arg6: memref<128x64xf32, #tpu.memory_space<vmem>>, %arg7: memref<1x64xf32, #tpu.memory_space<vmem>>, %arg8: memref<1x1x2000xi32, #tpu.memory_space<vmem>>, %arg9: memref<64x64xf32, #tpu.memory_space<vmem>>, %arg10: memref<64x128xf32, #tpu.memory_space<vmem>>) attributes {dimension_semantics = [#tpu.dimension_semantics<arbitrary>], iteration_bounds = array<i64: 5>, scalar_prefetch = 0 : i64, scratch_operands = 1 : i64, tpu.core_type = #tpu.core_type<tc>, window_params = [{transform_indices = @transform_0, window_bounds = array<i64: 2000, 128>}, {transform_indices = @transform_1, window_bounds = array<i64: 2, 2000, 128>}, {pipeline_mode = #tpu.pipeline_mode<synchronous>, transform_indices = @transform_2, window_bounds = array<i64: 128, 128>}, {pipeline_mode = #tpu.pipeline_mode<synchronous>, transform_indices = @transform_3, window_bounds = array<i64: 1, 128>}, {pipeline_mode = #tpu.pipeline_mode<synchronous>, transform_indices = @transform_4, window_bounds = array<i64: 1, 128>}, {pipeline_mode = #tpu.pipeline_mode<synchronous>, transform_indices = @transform_5, window_bounds = array<i64: 128, 64>}, {pipeline_mode = #tpu.pipeline_mode<synchronous>, transform_indices = @transform_6, window_bounds = array<i64: 1, 64>}, {transform_indices = @transform_7, window_bounds = array<i64: 1, 1, 2000>}, {pipeline_mode = #tpu.pipeline_mode<synchronous>, transform_indices = @transform_8, window_bounds = array<i64: 64, 64>}]} {
    %get3A = arith.constant 0 : index
    %get3A_0 = arith.constant 0 : index
    %get3A_1 = vector.load %arg1[%get3A, %get3A_0] : memref<2000x128xf32, #tpu.memory_space<vmem>>, vector<2000x128xf32>
    %get3A_2 = arith.constant 0 : index
    %get3A_3 = arith.constant 0 : index
    %get3A_4 = arith.constant 0 : index
    %get3A_5 = vector.load %arg2[%get3A_2, %get3A_3, %get3A_4] : memref<2x2000x128xf32, #tpu.memory_space<vmem>>, vector<1x2000x128xf32>
    %get3A_6 = vector.shape_cast %get3A_5 : vector<1x2000x128xf32> to vector<2000x128xf32>
    %add3A = arith.addf %get3A_1, %get3A_6 : vector<2000x128xf32>
    %get3A_7 = arith.constant 1 : index
    %get3A_8 = arith.constant 0 : index
    %get3A_9 = arith.constant 0 : index
    %get3A_10 = vector.load %arg2[%get3A_7, %get3A_8, %get3A_9] : memref<2x2000x128xf32, #tpu.memory_space<vmem>>, vector<1x2000x128xf32>
    %get3A_11 = vector.shape_cast %get3A_10 : vector<1x2000x128xf32> to vector<2000x128xf32>
    %add3A_12 = arith.addf %add3A, %get3A_11 : vector<2000x128xf32>
    %get3A_13 = arith.constant 0 : index
    %get3A_14 = arith.constant 0 : index
    %get3A_15 = vector.load %arg4[%get3A_13, %get3A_14] : memref<1x128xf32, #tpu.memory_space<vmem>>, vector<1x128xf32>
    %add3A_16 = vector.broadcast %get3A_15 : vector<1x128xf32> to vector<2000x128xf32>
    %add3A_17 = arith.addf %add3A_12, %add3A_16 : vector<2000x128xf32>
    %max3A = arith.constant 0.000000e+00 : f32
    %max3A_18 = vector.broadcast %max3A : f32 to vector<2000x128xf32>
    %max3A_19 = arith.maximumf %add3A_17, %max3A_18 : vector<2000x128xf32>
    %get3A_20 = arith.constant 0 : index
    %get3A_21 = arith.constant 0 : index
    %get3A_22 = vector.load %arg3[%get3A_20, %get3A_21] : memref<128x128xf32, #tpu.memory_space<vmem>>, vector<128x128xf32>
    %dot_general3A = arith.constant dense<0.000000e+00> : vector<2000x128xf32>
    %dot_general3A_23 = tpu.matmul %max3A_19, %get3A_22, %dot_general3A {dimension_numbers = #tpu.dot_dimension_numbers<[1], [0], [0], [1], [0, 0, 1, 1], [], []>, precision = #tpu.contract_precision<fp32>, transpose_lhs_hint = false} : vector<2000x128xf32>, vector<128x128xf32>, vector<2000x128xf32> -> vector<2000x128xf32>
    %get3A_24 = arith.constant 0 : index
    %get3A_25 = arith.constant 0 : index
    %get3A_26 = vector.load %arg5[%get3A_24, %get3A_25] : memref<1x128xf32, #tpu.memory_space<vmem>>, vector<1x128xf32>
    %add3A_27 = vector.broadcast %get3A_26 : vector<1x128xf32> to vector<2000x128xf32>
    %add3A_28 = arith.addf %dot_general3A_23, %add3A_27 : vector<2000x128xf32>
    %max3A_29 = arith.constant 0.000000e+00 : f32
    %max3A_30 = vector.broadcast %max3A_29 : f32 to vector<2000x128xf32>
    %max3A_31 = arith.maximumf %add3A_28, %max3A_30 : vector<2000x128xf32>
    %get3A_32 = arith.constant 0 : index
    %get3A_33 = arith.constant 0 : index
    %get3A_34 = arith.constant 0 : index
    %get3A_35 = vector.load %arg8[%get3A_32, %get3A_33, %get3A_34] : memref<1x1x2000xi32, #tpu.memory_space<vmem>>, vector<1x1x2000xi32>
    %get3A_36 = vector.shape_cast %get3A_35 : vector<1x1x2000xi32> to vector<1x2000xi32>
    %iota3A = tpu.iota {dimensions = array<i32: 0>} : vector<64x2000xi32>
    %eq3A = vector.broadcast %get3A_36 : vector<1x2000xi32> to vector<64x2000xi32>
    %eq3A_37 = arith.cmpi eq, %iota3A, %eq3A : vector<64x2000xi32>
    %convert_element_type3A = arith.extui %eq3A_37 : vector<64x2000xi1> to vector<64x2000xi32>
    %convert_element_type3A_38 = arith.sitofp %convert_element_type3A : vector<64x2000xi32> to vector<64x2000xf32>
    %dot_general3A_39 = arith.constant dense<0.000000e+00> : vector<64x128xf32>
    %dot_general3A_40 = tpu.matmul %convert_element_type3A_38, %max3A_31, %dot_general3A_39 {dimension_numbers = #tpu.dot_dimension_numbers<[1], [0], [0], [1], [0, 0, 1, 1], [], []>, precision = #tpu.contract_precision<fp32>, transpose_lhs_hint = false} : vector<64x2000xf32>, vector<2000x128xf32>, vector<64x128xf32> -> vector<64x128xf32>
    %eq3A_41 = arith.constant 0 : i32
    %eq3A_42 = arith.cmpi eq, %arg0, %eq3A_41 : i32
    %convert_element_type3A_43 = arith.extui %eq3A_42 : i1 to i32
    %cond3A = arith.constant 0 : i32
    %cond3A_44 = arith.cmpi ne, %convert_element_type3A_43, %cond3A : i32
    scf.if %cond3A_44 {
      %swap3A = arith.constant 0 : index
      %swap3A_54 = arith.constant 0 : index
      %swap3A_55 = vector.load %arg10[%swap3A, %swap3A_54] : memref<64x128xf32, #tpu.memory_space<vmem>>, vector<64x128xf32>
      tpu.vector_store %arg10[%swap3A, %swap3A_54], %dot_general3A_40 {strides = array<i32>} : memref<64x128xf32, #tpu.memory_space<vmem>>, vector<64x128xf32>,
    } else {
    }
    %gt3A = arith.constant 0 : i32
    %gt3A_45 = arith.cmpi sgt, %arg0, %gt3A : i32
    %convert_element_type3A_46 = arith.extui %gt3A_45 : i1 to i32
    %cond3A_47 = arith.constant 0 : i32
    %cond3A_48 = arith.cmpi ne, %convert_element_type3A_46, %cond3A_47 : i32
    scf.if %cond3A_48 {
      %get3A_54 = arith.constant 0 : index
      %get3A_55 = arith.constant 0 : index
      %get3A_56 = vector.load %arg10[%get3A_54, %get3A_55] : memref<64x128xf32, #tpu.memory_space<vmem>>, vector<64x128xf32>
      %add3A_57 = arith.addf %get3A_56, %dot_general3A_40 : vector<64x128xf32>
      %swap3A = arith.constant 0 : index
      %swap3A_58 = arith.constant 0 : index
      %swap3A_59 = vector.load %arg10[%swap3A, %swap3A_58] : memref<64x128xf32, #tpu.memory_space<vmem>>, vector<64x128xf32>
      tpu.vector_store %arg10[%swap3A, %swap3A_58], %add3A_57 {strides = array<i32>} : memref<64x128xf32, #tpu.memory_space<vmem>>, vector<64x128xf32>,
    } else {
    }
    %eq3A_49 = arith.constant 4 : i32
    %eq3A_50 = arith.cmpi eq, %arg0, %eq3A_49 : i32
    %convert_element_type3A_51 = arith.extui %eq3A_50 : i1 to i32
    %cond3A_52 = arith.constant 0 : i32
    %cond3A_53 = arith.cmpi ne, %convert_element_type3A_51, %cond3A_52 : i32
    scf.if %cond3A_53 {
      %get3A_54 = arith.constant 0 : index
      %get3A_55 = arith.constant 0 : index
      %get3A_56 = vector.load %arg10[%get3A_54, %get3A_55] : memref<64x128xf32, #tpu.memory_space<vmem>>, vector<64x128xf32>
      %get3A_57 = arith.constant 0 : index
      %get3A_58 = arith.constant 0 : index
      %get3A_59 = vector.load %arg6[%get3A_57, %get3A_58] : memref<128x64xf32, #tpu.memory_space<vmem>>, vector<128x64xf32>
      %dot_general3A_60 = arith.constant dense<0.000000e+00> : vector<64x64xf32>
      %dot_general3A_61 = tpu.matmul %get3A_56, %get3A_59, %dot_general3A_60 {dimension_numbers = #tpu.dot_dimension_numbers<[1], [0], [0], [1], [0, 0, 1, 1], [], []>, precision = #tpu.contract_precision<fp32>, transpose_lhs_hint = false} : vector<64x128xf32>, vector<128x64xf32>, vector<64x64xf32> -> vector<64x64xf32>
      %get3A_62 = arith.constant 0 : index
      %get3A_63 = arith.constant 0 : index
      %get3A_64 = vector.load %arg7[%get3A_62, %get3A_63] : memref<1x64xf32, #tpu.memory_space<vmem>>, vector<1x64xf32>
      %add3A_65 = vector.broadcast %get3A_64 : vector<1x64xf32> to vector<64x64xf32>
      %add3A_66 = arith.addf %dot_general3A_61, %add3A_65 : vector<64x64xf32>
      %swap3A = arith.constant 0 : index
      %swap3A_67 = arith.constant 0 : index
      %swap3A_68 = vector.load %arg9[%swap3A, %swap3A_67] : memref<64x64xf32, #tpu.memory_space<vmem>>, vector<64x64xf32>
      tpu.vector_store %arg9[%swap3A, %swap3A_67], %add3A_66 {strides = array<i32>} : memref<64x64xf32, #tpu.memory_space<vmem>>, vector<64x64xf32>,
    } else {
    }
    return
  }
  func.func @transform_0(%arg0: i32) -> (i32, i32) {
    %c0_i32 = arith.constant 0 : i32
    %c0_i32_0 = arith.constant 0 : i32
    return %arg0, %c0_i32 : i32, i32
  }
  func.func @transform_1(%arg0: i32) -> (i32, i32, i32) {
    %c0_i32 = arith.constant 0 : i32
    %c0_i32_0 = arith.constant 0 : i32
    %c0_i32_1 = arith.constant 0 : i32
    return %c0_i32, %arg0, %c0_i32_0 : i32, i32, i32
  }
  func.func @transform_2(%arg0: i32) -> (i32, i32) {
    %c0_i32 = arith.constant 0 : i32
    %c0_i32_0 = arith.constant 0 : i32
    %c0_i32_1 = arith.constant 0 : i32
    return %c0_i32, %c0_i32_0 : i32, i32
  }
  func.func @transform_3(%arg0: i32) -> (i32, i32) {
    %c0_i32 = arith.constant 0 : i32
    %c0_i32_0 = arith.constant 0 : i32
    %c0_i32_1 = arith.constant 0 : i32
    return %c0_i32, %c0_i32_0 : i32, i32
  }
  func.func @transform_4(%arg0: i32) -> (i32, i32) {
    %c0_i32 = arith.constant 0 : i32
    %c0_i32_0 = arith.constant 0 : i32
    %c0_i32_1 = arith.constant 0 : i32
    return %c0_i32, %c0_i32_0 : i32, i32
  }
  func.func @transform_5(%arg0: i32) -> (i32, i32) {
    %c0_i32 = arith.constant 0 : i32
    %c0_i32_0 = arith.constant 0 : i32
    %c0_i32_1 = arith.constant 0 : i32
    return %c0_i32, %c0_i32_0 : i32, i32
  }
  func.func @transform_6(%arg0: i32) -> (i32, i32) {
    %c0_i32 = arith.constant 0 : i32
    %c0_i32_0 = arith.constant 0 : i32
    %c0_i32_1 = arith.constant 0 : i32
    return %c0_i32, %c0_i32_0 : i32, i32
  }
  func.func @transform_7(%arg0: i32) -> (i32, i32, i32) {
    %c0_i32 = arith.constant 0 : i32
    %c0_i32_0 = arith.constant 0 : i32
    %c0_i32_1 = arith.constant 0 : i32
    return %arg0, %c0_i32, %c0_i32_0 : i32, i32, i32
  }
  func.func @transform_8(%arg0: i32) -> (i32, i32) {
    %c0_i32 = arith.constant 0 : i32
    %c0_i32_0 = arith.constant 0 : i32
    %c0_i32_1 = arith.constant 0 : i32
    return %c0_i32, %c0_i32_0 : i32, i32
  }
}

</mosaic_0001>

<sc_bundles>
// kernel: kernel.6.cloned.1.call-start
scs
__scs_entry_jumppad:
0x0: {  	(pc) =	sbr.rel $0x88, $3  }
0x1: {  	(tag) =	ssettag $0x0;
	lr =	simm.s32 $0x1  }
0x2: {  	[smem:$0x3F8C] =	sst lr;
	_ =	strace $0xD0000000  }
0x3: {  	_ = 	snop  }
0x4: {  	_ = 	snop  }
0x5: {  	_ = 	snop  }
0x6: {  	_ = 	snop  }
0x7: {  	_ = 	snop  }
__scs_overlays_trampoline_lowered:
0x8: {  	[smem:$0x3F9B] =	sst s0  }
0x9: {  	[smem:$0x3F9C] =	sst s1  }
0xa: {  	[smem:$0x3F9D] =	sst s2  }
0xb: {  	[smem:$0x3F9E] =	sst s3  }
0xc: {  	[smem:$0x3F9F] =	sst s4  }
0xd: {  	[smem:$0x3FA0] =	sst s5  }
0xe: {  	[smem:$0x3FA1] =	sst s6  }
0xf: {  	[smem:$0x3FA2] =	sst s7  }
0x10: {  	[smem:$0x3FA3] =	sst s8  }
0x11: {  	[smem:$0x3FA4] =	sst s9;
	s0 =	simm.s32 @!p0 $0x0  }
0x12: {  	s1 =	sld [smem:$0x3F8A];
	s0 =	simm.s32 @p0 $0x1  }
0x13: {  	[smem:$0x3FA5] =	sst s0;
	s0 =	simm.s32 @!p1 $0x0  }
0x14: {  	s2 =	sld [smem:$0x3F89];
	s0 =	simm.s32 @p1 $0x1  }
0x15: {  	[smem:$0x3FA6] =	sst s0;
	s0 =	simm.s32 @!p2 $0x0  }
0x16: {  	s3 =	sld [smem:$0x3FDB];
	s0 =	simm.s32 @p2 $0x1  }
0x17: {  	s4 =	simm.s32 $0x1BF5;
	[smem:$0x3FA8] =	sst s0  }
0x18: {  	s0 =	sld [smem:$0x3F8B];
	_ =	swait.ge [sflag:s4], $0x0  }
0x19: {  	s7 =	sld [smem:$0x3F8C]  }
0x1a: {  	s8 =	sadd.s32 $0xFFFFE003, lr  }
0x1b: {  	s9 =	sadd.s32 $0xFFFFFEF7, lr;
	s5 =	simm.s32 $0xFFFFFFFF;
	p2 =	slt.u32 s8, $0xFFFFF086  }
0x1c: {  	p1 =	slt.u32 s9, $0xF7A;
	s5 =	simm.s32 @!p2 $0x0  }
0x1d: {  	s5 =	simm.s32 @p1 $0x1;
	p0 =	seq.s32 s7, s2  }
0x1e: {  	s7 =	smul.u32 @!p0 $0xF7A, s2;
	p2 =	seq.s32 @!p0 s5, $0x0  }
0x1f: {  	s9 =	smul.u32 $0xF7A, s1;
	s8 =	simm.s32 @!p0 $0x1BF5;
	p2 =	por !p2, p0  }
0x20: {  	[sflag:s8] =	ssyncset.s32 @!p0 $0xFFFFF086;
	s6 =	sadd.s32 @!p0 s3, s7;
	s7 =	simm.s32 @!p0 $0x108  }
0x21: {  	s3 =	sadd.s32 s3, s9;
	s6 =	sadd.s32 @!p0 $0x88, s6;
	s7 =	simm.s32 @p2 $0x1082  }
0x22: {  	[simem:s7], [sflag:s8] =	dma.local @!p0 [hbm:s6], $0xF7A  }
0x23: {  	s9 =	sor.u32 $0xD0000000, s2;
	s6 =	simm.s32 $0x108;
	_ =	swait.ge @!p0 [sflag:s8], $0x0  }
0x24: {  	s3 =	sadd.s32 $0x88, s3;
	s6 =	simm.s32 @!p1 $0x1082;
	[sflag:s4] =	ssyncset.s32 $0xFFFFF086  }
0x25: {  	[simem:s6], [sflag:s4] =	dma.local [hbm:s3], $0xF7A  }
0x26: {  	[smem:$0x3F8C] =	sst s1;
	(tag) =	ssettag s2;
	_ =	strace s9  }
0x27: {  	s1 =	sld [smem:$0x3F9C]  }
0x28: {  	s2 =	sld [smem:$0x3F9D]  }
0x29: {  	s4 =	sld [smem:$0x3F9F]  }
0x2a: {  	p0 =	seq.s32 s5, $0x0;
	s5 =	sld [smem:$0x3FA0]  }
0x2b: {  	s6 =	sld [smem:$0x3FA1]  }
0x2c: {  	s7 =	sld [smem:$0x3FA2]  }
0x2d: {  	s3 =	simm.s32 $0x108;
	s8 =	sld [smem:$0x3FA3]  }
0x2e: {  	s3 =	simm.s32 @!p0 $0x1082;
	s9 =	sld [smem:$0x3FA4]  }
0x2f: {  	lr =	sadd.s32 s0, s3;
	s0 =	sld [smem:$0x3F9B]  }
0x30: {  	s3 =	sld [smem:$0x3F9E]  }
0x31: {  	[smem:$0x3FA7] =	sst s10  }
0x32: {  	s10 =	sld [smem:$0x3FA5];
	_ =	sdelay $0x3  }
0x33: {  	p0 =	seq.s32 s10, $0x1;
	s10 =	sld [smem:$0x3FA7];
	_ =	sdelay $0x3  }
0x34: {  	[smem:$0x3FA7] =	sst s10  }
0x35: {  	s10 =	sld [smem:$0x3FA6];
	_ =	sdelay $0x3  }
0x36: {  	p1 =	seq.s32 s10, $0x1;
	s10 =	sld [smem:$0x3FA7];
	_ =	sdelay $0x3  }
0x37: {  	[smem:$0x3FA7] =	sst s10  }
0x38: {  	s10 =	sld [smem:$0x3FA8]  }
0x39: {  	_ = 	snop;
	(pc) =	sbr.ind lr, $3  }
0x3a: {  	_ = 	snop  }
0x3b: {  	_ = 	snop  }
0x3c: {  	p2 =	seq.s32 s10, $0x1;
	s10 =	sld [smem:$0x3FA7]  }
0x3d: {  	_ =	shalt  }
0x3e: {  	_ =	shalt  }
0x3f: {  	_ =	shalt  }
0x40: {  	_ =	shalt  }
0x41: {  	_ =	shalt  }
0x42: {  	_ =	shalt  }
0x43: {  	_ =	shalt  }
0x44: {  	_ =	shalt  }
0x45: {  	_ =	shalt  }
0x46: {  	_ =	shalt  }
0x47: {  	_ =	shalt  }
0x48: {  	_ =	shalt  }
0x49: {  	_ =	shalt  }
0x4a: {  	_ =	shalt  }
0x4b: {  	_ =	shalt  }
0x4c: {  	_ =	shalt  }
0x4d: {  	_ =	shalt  }
0x4e: {  	_ =	shalt  }
0x4f: {  	_ =	shalt  }
0x50: {  	_ =	shalt  }
0x51: {  	_ =	shalt  }
0x52: {  	_ =	shalt  }
0x53: {  	_ =	shalt  }
0x54: {  	_ =	shalt  }
0x55: {  	_ =	shalt  }
0x56: {  	_ =	shalt  }
0x57: {  	_ =	shalt  }
0x58: {  	_ =	shalt  }
0x59: {  	_ =	shalt  }
0x5a: {  	_ =	shalt  }
0x5b: {  	_ =	shalt  }
0x5c: {  	_ =	shalt  }
0x5d: {  	_ =	shalt  }
0x5e: {  	_ =	shalt  }
0x5f: {  	_ =	shalt  }
0x60: {  	_ =	shalt  }
0x61: {  	_ =	shalt  }
0x62: {  	_ =	shalt  }
0x63: {  	_ =	shalt  }
0x64: {  	_ =	shalt  }
0x65: {  	_ =	shalt  }
0x66: {  	_ =	shalt  }
0x67: {  	_ =	shalt  }
0x68: {  	_ =	shalt  }
0x69: {  	_ =	shalt  }
0x6a: {  	_ =	shalt  }
0x6b: {  	_ =	shalt  }
0x6c: {  	_ =	shalt  }
0x6d: {  	_ =	shalt  }
0x6e: {  	_ =	shalt  }
0x6f: {  	_ =	shalt  }
0x70: {  	_ =	shalt  }
0x71: {  	_ =	shalt  }
0x72: {  	_ =	shalt  }
0x73: {  	_ =	shalt  }
0x74: {  	_ =	shalt  }
0x75: {  	_ =	shalt  }
0x76: {  	_ =	shalt  }
0x77: {  	_ =	shalt  }
0x78: {  	_ =	shalt  }
0x79: {  	_ =	shalt  }
0x7a: {  	_ =	shalt  }
0x7b: {  	_ =	shalt  }
0x7c: {  	_ =	shalt  }
0x7d: {  	_ =	shalt  }
0x7e: {  	_ =	shalt  }
0x7f: {  	_ =	shalt  }
0x80: {  	_ =	shalt  }
0x81: {  	_ =	shalt  }
0x82: {  	_ =	shalt  }
0x83: {  	_ =	shalt  }
0x84: {  	_ =	shalt  }
0x85: {  	_ =	shalt  }
0x86: {  	_ =	shalt  }
0x87: {  	_ =	shalt  }
.Lfunc_end0:
.L_simem_size_0:
called_computation_lowered:
.L_overlay_start_0:
0x88: {  	s2 =	sld [smem:$0x3FD9]  }
0x89: {  	s3 =	sld [smem:$0x3FFE];
	_ =	sdelay $0x1  }
0x8a: {  	s1 =	srdreg.scid  }
0x8b: {  	s0 =	sand.u32 $0x1, s1  }
0x8c: {  	s17 =	sshll.u32 s0, $0xA;
	s2 =	sadd.s32 s3, s2  }
0x8d: {  	s2 =	sadd.s32 s2, s17  }
0x8e: {  	[smem:$0x3FB3] =	sst s2  }
0x8f: {  	_ = 	snop  }
0x90: {  	s2 =	sld [smem:$0x3FC9];
	(tm) =	ssettm $0x1  }
0x91: {  	s18 =	sld [smem:$0x3FFB];
	_ =	sdelay $0x3  }
0x92: {  	_ =	strace s18  }
0x93: {  	s3 =	sld [smem:$0x3FFC];
	_ =	sdelay $0x3  }
0x94: {  	_ =	strace s3  }
0x95: {  	s3 =	sld [smem:$0x3FFD];
	_ =	sdelay $0x3  }
0x96: {  	_ =	strace s3  }
0x97: {  	_ =	strace $0x8FFFFFFF  }
0x98: {  	s19 =	sld [smem:$0x3FDB];
	_ =	sdelay $0x1  }
0x99: {  	s4 =	simm.s32 $_scs_section_size  }
0x9a: {  	s5 =	simm.s32 $_size__tile_overlayer_lowered;
	s6 =	simm.s32 $_tile_overlayer_lowered  }
0x9b: {  	s22 =	simm.s32 $0x1BFF;
	s21 =	sshll.u32 s6, $0x1;
	s3 =	sadd.s32 s4, s19  }
0x9c: {  	s7 =	simm.s32 $0x0;
	s20 =	sshll.u32 s5, $0x1;
	s5 =	sadd.s32 s21, s3  }
0x9d: {  	[timem:s7], [sflag:s22] =	dma.local [hbm:s5], s20  }
0x9e: {  	_ =	swait.ge [sflag:s22], s20  }
0x9f: {  	s4 =	ssub.s32 $0x0, s20;
	[sflag:s22] =	ssyncset.done $0x0  }
0xa0: {  	[sflag:s22] =	ssyncadd.s32 s4;
	_ =	sdelay $0x1  }
0xa1: {  	s23 =	simm.s32 $0x1B8B  }
0xa2: {  	_ =	swait.ge [sflag:s23], $0x1  }
0xa3: {  	[sflag:s23] =	ssyncset.done $0x0  }
0xa4: {  	s25 =	simm.s32 $0x1B8E;
	s24 =	sld [smem:$0x3FFE];
	[sflag:s23] =	ssyncadd.s32 $0xFFFFFFFF  }
0xa5: {  	s26 =	simm.s32 $execute0_lowered;
	[smem:$0x3FD2] =	sst s25  }
0xa6: {  	s5 =	sshll.u32 s26, $0x1;
	_ =	strace $0x80000046;
	[dreg:$0x1] =	wrdreg $0xFFFFFFFF  }
0xa7: {  	s28 =	simm.s32 $_size_execute0_lowered;
	s3 =	sadd.s32 s3, s5;
	[dreg:$0x0] =	wrdreg $0x0  }
0xa8: {  	s5 =	sshll.u32 s28, $0x1;
	[dreg:$0x2] =	wrdreg s3  }
0xa9: {  	[dreg:$0x3] =	wrdreg s5  }
0xaa: {  	[dreg:$0x4] =	wrdreg $0xC0  }
0xab: {  	_ =	task [dreg:s7], $0x5FFFF  }
0xac: {  	[dreg:$0x1] =	wrdreg $0xFFFFFFFF  }
0xad: {  	[dreg:$0x0] =	wrdreg $0x60  }
0xae: {  	[dreg:$0x2] =	wrdreg s2  }
0xaf: {  	[dreg:$0x3] =	wrdreg s24  }
0xb0: {  	[dreg:$0x4] =	wrdreg $0x8D000  }
0xb1: {  	[dreg:$0x5] =	wrdreg $0x9  }
0xb2: {  	_ =	task.clear_ibuf [dreg:s7], $0x6FFFF;
	_ =	strace $0x90000046  }
0xb3: {  	s29 =	simm.s32 $0x9;
	_ =	strace $0x80000048  }
0xb4: {  	_ =	swait.ge [sflag:s29], $0x1  }
0xb5: {  	[sflag:s29] =	ssyncadd.s32 $0xFFFFFFFF  }
0xb6: {  	_ =	strace $0x90000048  }
0xb7: {  	_ =	sfence  }
0xb8: {  	s30 =	sld [smem:$0x0];
	_ =	sdelay $0x2  }
0xb9: {  	s31 =	sshll.u32 s1, $0xD;
	s1 =	sshrl.u32 s1, $0x2  }
0xba: {  	s3 =	sand.u32 $0x4000, s31;
	s1 =	sadd.s32 s1, s30  }
0xbb: {  	s0 =	sor.u32 s3, s0;
	s1 =	sshll.u32 s1, $0x11  }
0xbc: {  	s0 =	sor.u32 s1, s0  }
0xbd: {  	s0 =	sadd.s32 $0x8F2B, s0  }
0xbe: {  	[sflag:s0] =	ssyncadd.remote.s32 $0x1  }
0xbf: {  	_ =	sfence.sel $0xFFFF  }
0xc0: {  	[dreg:$0x0] =	wrdreg $0xFFFFFFFF;
	(pc) =	sbr.abs _section_cstart, $3  }
0xc1: {  	[dreg:$0x1] =	wrdreg $0xFFFFFFFF  }
0xc2: {  	_ =	task.clear_ibuf [dreg:s7], $0x2FFFF;
	_ =	strace $0x9FFFFFFF  }
0xc3: {  	(tm) =	ssettm $0x7FFFFFFF  }
tec
execute0_lowered:
.L_overlay_start_1:
0x0: {  	(tag) =	ssettag $0x1  }
0x1: {  	s1 =	rddreg [dreg:$0x0]  }
0x2: {  	s0 =	rddreg [dreg:$0x1]  }
0x3: {  	s2 =	rddreg [dreg:$0x2];
	s13 =	stileid.u32  }
0x4: {  	s3 =	simm.s32 $0x0;
	s4 =	srdreg.scid;
	s8 =	smul.u32 $0x270, s13  }
0x5: {  	s29 =	simm.s32 $0xD;
	s31 =	simm.s32 $0x4400;
	s11 =	smul.u32 $0x278, s13  }
0x6: {  	s28 =	simm.s32 $0x4;
	[smem:$0x7FF] =	sst s3;
	s12 =	smul.u32 $0x4F000, s13  }
0x7: {  	s6 =	sadd.s32 $0xDA00, s0;
	s30 =	sadd.s32 $0x3C00, s0;
	s22 =	smul.u32 $0x13C00, s13  }
0x8: {  	s4 =	sand.u32 $0x1, s4;
	p0 =	sgt.u32 s13, $0x1;
	s24 =	smul.u32 $0x2710, s13  }
0x9: {  	_ =	strace $0x80000047;
	s7 =	ssub.s32 $0x2, s4;
	s19 =	smul.u32 $0x138800, s4  }
0xa: {  	s10 =	sshll.u32 s4, $0x4;
	s4 =	smul.u32 $0x27100, s4;
	s9 =	sshrl.u32 s7, $0x1  }
0xb: {  	s8 =	sadd.s32 $0x10, s8;
	s15 =	sor.u32 s13, s10;
	s17 =	sshrl.u32 s12, $0x2  }
0xc: {  	s7 =	ssub.s32 s7, s9;
	s11 =	smov.u32 @p0 s8;
	s9 =	smul.u32 $0x2710, s15  }
0xd: {  	s8 =	sshll.u32 s8, $0x7;
	s16 =	sshll.u32 s11, $0x7;
	s11 =	sadd.s32 s17, s2  }
0xe: {  	s4 =	sadd.s32 s24, s4;
	s7 =	smax.u32 s7, $0x1;
	[dreg:$0xb] =	wrdreg s11  }
0xf: {  	s26 =	sadd.s32 s22, s19;
	s22 =	sadd.s32 $0x100, s4;
	[dreg:$0x16] =	wrdreg s7  }
0x10: {  	s8 =	sadd.s32 s8, s2;
	s11 =	sadd.s32 $0x12000, s11;
	[dreg:$0x1c] =	wrdreg s22  }
0x11: {  	s0 =	sadd.s32 $0x17800, s0;
	s8 =	sadd.s32 $0x12000, s8;
	[dreg:$0xc] =	wrdreg s11  }
0x12: {  	s25 =	sadd.s32 s16, s2;
	s9 =	sshrl.u32 s9, $0x3;
	[dreg:$0xd] =	wrdreg s8  }
0x13: {  	s5 =	sadd.s32 $0x140, s4;
	s18 =	sadd.s32 s6, s9;
	[dreg:$0xa] =	wrdreg s25  }
0x14: {  	s22 =	simm.s32 $0x8;
	s20 =	sadd.s32 s30, s9;
	[dreg:$0xe] =	wrdreg s18  }
0x15: {  	s21 =	sadd.s32 $0x8, s9;
	s17 =	sadd.s32 $0x6000, s25;
	[dreg:$0xf] =	wrdreg s20  }
0x16: {  	s8 =	sadd.s32 s19, s16;
	s19 =	sadd.s32 $0x8000, s25;
	[dreg:$0x19] =	wrdreg s17  }
0x17: {  	s9 =	sadd.s32 $0x4E0, s9;
	s24 =	sadd.s32 $0xE000, s25;
	[dreg:$0x1a] =	wrdreg s19  }
0x18: {  	s14 =	sadd.s32 s6, s21;
	s11 =	sadd.s32 s30, s21;
	[dreg:$0x1e] =	wrdreg s24  }
0x19: {  	s23 =	sadd.s32 s6, s9;
	s9 =	sadd.s32 s30, s9;
	[dreg:$0x10] =	wrdreg s14  }
0x1a: {  	s8 =	sshrl.u32 s8, $0x3;
	s21 =	sadd.s32 $0xA000, s25;
	[dreg:$0x11] =	wrdreg s11  }
0x1b: {  	s17 =	simm.s32 $0x300;
	s19 =	simm.s32 $0x7;
	[dreg:$0x12] =	wrdreg s23  }
0x1c: {  	s24 =	simm.s32 $0x3;
	[dreg:$0x13] =	wrdreg s9;
	s9 =	sshrl.u32 s26, $0x3  }
0x1d: {  	s11 =	sadd.s32 $0xC0, s4;
	s14 =	sadd.s32 $0x80, s4;
	[dreg:$0x1b] =	wrdreg s21  }
0x1e: {  	s23 =	sadd.s32 $0xC000, s25;
	s26 =	sadd.s32 $0x10000, s25;
	s21 =	simm.s32 $0x2  }
0x1f: {  	s4 =	simm.s32 $0x9;
	s9 =	sadd.s32 s0, s9;
	[dreg:$0x1d] =	wrdreg s23  }
0x20: {  	s0 =	sadd.s32 s0, s8;
	s8 =	sadd.s32 $0x2000, s25;
	[dreg:$0x1f] =	wrdreg s26  }
0x21: {  	s12 =	sshrl.u32 s11, $0x3;
	s16 =	sshrl.u32 s14, $0x3;
	[dreg:$0x14] =	wrdreg s9  }
0x22: {  	s14 =	simm.s32 $0x280;
	s23 =	simm.s32 $0x380;
	[dreg:$0x15] =	wrdreg s0  }
0x23: {  	s26 =	simm.s32 $0xA;
	s11 =	simm.s32 $0x0;
	[dreg:$0x17] =	wrdreg s8  }
0x24: {  	s0 =	sshrl.u32 s5, $0x3;
	s9 =	sadd.s32 $0x4000, s25;
	s13 =	sadd.s32 s12, s30  }
0x25: {  	s15 =	sadd.s32 s12, s6;
	s18 =	sadd.s32 s16, s30;
	[dreg:$0x18] =	wrdreg s9  }
0x26: {  	s20 =	sadd.s32 s16, s6;
	s5 =	simm.s32 $0x400;
	[dreg:$0x6] =	wrdreg s13  }
0x27: {  	s12 =	simm.s32 $0x40;
	s16 =	simm.s32 $0x100;
	[dreg:$0x7] =	wrdreg s15  }
0x28: {  	s8 =	simm.s32 $0x1;
	s10 =	sadd.s32 s0, s30;
	[dreg:$0x8] =	wrdreg s18  }
0x29: {  	s0 =	sadd.s32 s0, s6;
	[dreg:$0x9] =	wrdreg s20;
	s13 =	simm.s32 $0x80  }
0x2a: {  	s15 =	simm.s32 $0x6;
	s18 =	simm.s32 $0x2400;
	[dreg:$0x4] =	wrdreg s10  }
0x2b: {  	v0 =	vimm.f32 $0.0e+00;
	s20 =	simm.s32 $0x180;
	[dreg:$0x5] =	wrdreg s0;
	s10 =	simm.s32 $0x200  }
.LBB2_1:
0x2c: {  	[smem:$0x7FD] =	sst s11;
	s7 =	simm.s32 $0x0;
	s11 =	simm.s32 $0x200  }
.LBB2_2:
0x2d: {  	p1 =	sne.s32 s11, $0x7E00;
	[tilespmem:s7+$0x470] =	vst v0  }
0x2e: {  	[tilespmem:s7+$0x400] =	vst v0  }
0x2f: {  	[tilespmem:s7+$0x410] =	vst v0  }
.Ltmp0:
0x30: {  	[tilespmem:s7+$0x420] =	vst v0;
	(pc) =	sbr.rel @p1 .LBB2_2-.Ltmp0, $4  }
0x31: {  	[tilespmem:s7+$0x430] =	vst v0  }
0x32: {  	[tilespmem:s7+$0x440] =	vst v0  }
0x33: {  	[tilespmem:s7+$0x450] =	vst v0  }
0x34: {  	[tilespmem:s7+$0x460] =	vst v0;
	s7 =	sshra.s32 s11, $0x2;
	s11 =	sadd.s32 $0x200, s11  }
0x35: {  	[tilespmem:s7+$0x470] =	vst v0  }
0x36: {  	[tilespmem:s7+$0x400] =	vst v0  }
0x37: {  	[tilespmem:s7+$0x410] =	vst v0  }
0x38: {  	[tilespmem:s7+$0x420] =	vst v0  }
0x39: {  	[tilespmem:s7+$0x430] =	vst v0  }
0x3a: {  	[tilespmem:s7+$0x440] =	vst v0  }
0x3b: {  	[tilespmem:s7+$0x450] =	vst v0  }
0x3c: {  	[tilespmem:s7+$0x460] =	vst v0  }
0x3d: {  	[spmem:s25] =	stream.linear.scatter [tilespmem:s5], [sflag:$0xD], $0x2000, $0x38;
	[tilespmem:$0x1C580] =	vst v63  }
0x3e: {  	_ =	swait.ge [sflag:s29], $0x2000  }
0x3f: {  	[sflag:s29] =	ssyncset.done $0x0  }
0x40: {  	s0 =	rddreg [dreg:$0x17];
	[sflag:s29] =	ssyncadd.s32 $0xFFFFE000  }
0x41: {  	[spmem:s0] =	stream.linear.scatter [tilespmem:s5], [sflag:$0xD], $0x2000, $0x38;
	[tilespmem:$0x1C580] =	vst v63  }
0x42: {  	_ =	swait.ge [sflag:s29], $0x2000  }
0x43: {  	[sflag:s29] =	ssyncset.done $0x0  }
0x44: {  	s9 =	rddreg [dreg:$0x18];
	[sflag:s29] =	ssyncadd.s32 $0xFFFFE000  }
0x45: {  	[spmem:s9] =	stream.linear.scatter [tilespmem:s5], [sflag:$0xD], $0x2000, $0x38;
	[tilespmem:$0x1C580] =	vst v63  }
0x46: {  	_ =	swait.ge [sflag:s29], $0x2000  }
0x47: {  	[sflag:s29] =	ssyncset.done $0x0  }
0x48: {  	s11 =	rddreg [dreg:$0x19];
	[sflag:s29] =	ssyncadd.s32 $0xFFFFE000  }
0x49: {  	[spmem:s11] =	stream.linear.scatter [tilespmem:s5], [sflag:$0xD], $0x2000, $0x38;
	[tilespmem:$0x1C580] =	vst v63  }
0x4a: {  	_ =	swait.ge [sflag:s29], $0x2000  }
0x4b: {  	[sflag:s29] =	ssyncset.done $0x0  }
0x4c: {  	s25 =	rddreg [dreg:$0x1a];
	[sflag:s29] =	ssyncadd.s32 $0xFFFFE000  }
0x4d: {  	[spmem:s25] =	stream.linear.scatter [tilespmem:s5], [sflag:$0xD], $0x2000, $0x38;
	[tilespmem:$0x1C580] =	vst v63  }
0x4e: {  	_ =	swait.ge [sflag:s29], $0x2000  }
0x4f: {  	[sflag:s29] =	ssyncset.done $0x0  }
0x50: {  	s7 =	rddreg [dreg:$0x1b];
	[sflag:s29] =	ssyncadd.s32 $0xFFFFE000  }
0x51: {  	[spmem:s7] =	stream.linear.scatter [tilespmem:s5], [sflag:$0xD], $0x2000, $0x38;
	[tilespmem:$0x1C580] =	vst v63  }
0x52: {  	_ =	swait.ge [sflag:s29], $0x2000  }
0x53: {  	[sflag:s29] =	ssyncset.done $0x0  }
0x54: {  	s9 =	rddreg [dreg:$0x1d];
	[sflag:s29] =	ssyncadd.s32 $0xFFFFE000  }
0x55: {  	[spmem:s9] =	stream.linear.scatter [tilespmem:s5], [sflag:$0xD], $0x2000, $0x38;
	[tilespmem:$0x1C580] =	vst v63  }
0x56: {  	_ =	swait.ge [sflag:s29], $0x2000  }
0x57: {  	[sflag:s29] =	ssyncset.done $0x0  }
0x58: {  	s11 =	rddreg [dreg:$0x1e];
	[sflag:s29] =	ssyncadd.s32 $0xFFFFE000  }
0x59: {  	[spmem:s11] =	stream.linear.scatter [tilespmem:s5], [sflag:$0xD], $0x2000, $0x38;
	[tilespmem:$0x1C580] =	vst v63  }
0x5a: {  	_ =	swait.ge [sflag:s29], $0x2000  }
0x5b: {  	[sflag:s29] =	ssyncset.done $0x0  }
0x5c: {  	s25 =	rddreg [dreg:$0x1f];
	[sflag:s29] =	ssyncadd.s32 $0xFFFFE000  }
0x5d: {  	[spmem:s25] =	stream.linear.scatter [tilespmem:s5], [sflag:$0xD], $0x2000, $0x38;
	[tilespmem:$0x1C580] =	vst v63  }
0x5e: {  	_ =	swait.ge [sflag:s29], $0x2000  }
0x5f: {  	[sflag:s29] =	ssyncset.done $0x0  }
0x60: {  	s7 =	simm.s32 @p0 $0x400;
	s0 =	rddreg [dreg:$0xd];
	[sflag:s29] =	ssyncadd.s32 $0xFFFFE000  }
0x61: {  	[spmem:s0] =	stream.linear.scatter @p0 [tilespmem:s7], [sflag:$0xD], $0x1800, $0x38;
	[tilespmem:$0x1C580] =	vst v63  }
0x62: {  	s7 =	simm.s32 @p0 $0xD  }
0x63: {  	_ =	swait.ge @p0 [sflag:s7], $0x1800  }
0x64: {  	[sflag:s7] =	ssyncset.done @p0 $0x0  }
0x65: {  	s0 =	rddreg [dreg:$0xc];
	[sflag:s7] =	ssyncadd.s32 @p0 $0xFFFFE800;
	s7 =	simm.s32 @!p0 $0x400  }
0x66: {  	[spmem:s0] =	stream.linear.scatter @!p0 [tilespmem:s7], [sflag:$0xD], $0x1C00, $0x38;
	[tilespmem:$0x1C580] =	vst v63  }
0x67: {  	s7 =	simm.s32 @!p0 $0xD  }
0x68: {  	_ =	swait.ge @!p0 [sflag:s7], $0x1C00  }
0x69: {  	[sflag:s7] =	ssyncset.done @!p0 $0x0  }
0x6a: {  	[sflag:s7] =	ssyncadd.s32 @!p0 $0xFFFFE400  }
0x6b: {  	[bflag:$0x0] =	sbarrier.arrive $0xFFFF  }
0x6c: {  	s7 =	simm.s32 $0x0;
	s29 =	rddreg [dreg:$0xe]  }
0x6d: {  	[tilespmem:s7], [sflag:$0x5] =	stream.linear.gather [hbm4b:s29+s7], $0x40, $0x38;
	[tilespmem:$0x1C580] =	vst v63  }
0x6e: {  	s9 =	rddreg [dreg:$0xf]  }
0x6f: {  	[tilespmem:s10], [sflag:$0x5] =	stream.linear.gather [hbm4b:s9+s7], $0x40, $0x38;
	[tilespmem:$0x1C580] =	vst v63  }
0x70: {  	s11 =	rddreg [dreg:$0x10]  }
0x71: {  	[tilespmem:s13], [sflag:$0x6] =	stream.linear.gather [hbm4b:s11+s7], $0x40, $0x38;
	[tilespmem:$0x1C580] =	vst v63  }
0x72: {  	s25 =	rddreg [dreg:$0x11];
	s29 =	simm.s32 $0x5  }
0x73: {  	[tilespmem:s14], [sflag:$0x6] =	stream.linear.gather [hbm4b:s25+s7], $0x40, $0x38;
	[tilespmem:$0x1C580] =	vst v63  }
0x74: {  	_ =	swait.ge [sflag:s29], $0x40  }
0x75: {  	[sflag:s29] =	ssyncset.done $0x0  }
0x76: {  	[sflag:s29] =	ssyncadd.s32 $0xFFFFFFC0  }
0x77: {  	_ =	swait.ge [sflag:s29], $0x40  }
0x78: {  	[sflag:s29] =	ssyncset.done $0x0  }
0x79: {  	p1 =	por $0x1, $0x1;
	[sflag:s29] =	ssyncadd.s32 $0xFFFFFFC0  }
0x7a: {  	[tilespmem:s5], [sflag:$0x1] =	stream.indirect.gather [hbm4b:s1+s12], $0x80, s7, s12, $0xb8;
	[tilespmem:$0x1C580] =	vst v63  }
0x7b: {  	s7 =	simm.s32 @!p1 $0xB  }
0x7c: {  	_ =	swait.ge @!p1 [sflag:s7], $0x2000  }
0x7d: {  	s11 =	rddreg [dreg:$0x9];
	[sflag:s7] =	ssyncset.done @!p1 $0x0  }
0x7e: {  	s9 =	rddreg [dreg:$0x8];
	[sflag:s7] =	ssyncadd.s32 @!p1 $0xFFFFE000;
	s29 =	sadd.s32 $0x0, s11  }
0x7f: {  	[tilespmem:s16], [sflag:$0x7] =	stream.linear.gather [hbm4b:s29+s3], $0x40, $0x38;
	[tilespmem:$0x1C580] =	vst v63  }
0x80: {  	s0 =	sadd.s32 $0x0, s9  }
0x81: {  	[tilespmem:s17], [sflag:$0x7] =	stream.linear.gather [hbm4b:s0+s3], $0x40, $0x38;
	[tilespmem:$0x1C580] =	vst v63  }
0x82: {  	_ =	swait.ge [sflag:s15], $0x40  }
0x83: {  	[sflag:s15] =	ssyncset.done $0x0  }
0x84: {  	[sflag:s15] =	ssyncadd.s32 $0xFFFFFFC0  }
0x85: {  	_ =	swait.ge [sflag:s15], $0x40  }
0x86: {  	[sflag:s15] =	ssyncset.done $0x0  }
0x87: {  	[sflag:s15] =	ssyncadd.s32 $0xFFFFFFC0  }
0x88: {  	[tilespmem:s18], [sflag:$0x2] =	stream.indirect.gather [hbm4b:s1+s12], $0x80, s13, s12, $0xb8;
	[tilespmem:$0x1C580] =	vst v63  }
0x89: {  	_ =	swait.ge [sflag:s8], $0x2000  }
0x8a: {  	[sflag:s8] =	ssyncset.done $0x0  }
0x8b: {  	s7 =	simm.s32 @!p1 $0xC;
	[sflag:s8] =	ssyncadd.s32 $0xFFFFE000  }
0x8c: {  	[spmem:s2] =	stream.indirect.scatter.add.f32 [tilespmem:s5], [sflag:$0x9], $0x80, s10, s12, $0xb8;
	[tilespmem:$0x1C580] =	vst v63  }
0x8d: {  	_ =	swait.ge @!p1 [sflag:s7], $0x2000  }
0x8e: {  	s9 =	rddreg [dreg:$0x7];
	[sflag:s7] =	ssyncset.done @!p1 $0x0  }
0x8f: {  	s10 =	rddreg [dreg:$0x6];
	[sflag:s7] =	ssyncadd.s32 @!p1 $0xFFFFE000;
	s13 =	sadd.s32 $0x0, s9  }
0x90: {  	[tilespmem:s20], [sflag:$0x8] =	stream.linear.gather [hbm4b:s13+s3], $0x40, $0x38;
	[tilespmem:$0x1C580] =	vst v63  }
0x91: {  	s29 =	sadd.s32 $0x0, s10  }
0x92: {  	[tilespmem:s23], [sflag:$0x8] =	stream.linear.gather [hbm4b:s29+s3], $0x40, $0x38;
	[tilespmem:$0x1C580] =	vst v63  }
0x93: {  	_ =	swait.ge [sflag:s19], $0x40  }
0x94: {  	[sflag:s19] =	ssyncset.done $0x0  }
0x95: {  	[sflag:s19] =	ssyncadd.s32 $0xFFFFFFC0  }
0x96: {  	_ =	swait.ge [sflag:s19], $0x40  }
0x97: {  	[sflag:s19] =	ssyncset.done $0x0  }
0x98: {  	[sflag:s19] =	ssyncadd.s32 $0xFFFFFFC0  }
0x99: {  	[tilespmem:s31], [sflag:$0x3] =	stream.indirect.gather [hbm4b:s1+s12], $0x80, s16, s12, $0xb8;
	[tilespmem:$0x1C580] =	vst v63  }
0x9a: {  	_ =	swait.ge [sflag:s21], $0x2000  }
0x9b: {  	[sflag:s21] =	ssyncset.done $0x0  }
0x9c: {  	[sflag:s21] =	ssyncadd.s32 $0xFFFFE000  }
0x9d: {  	[spmem:s2] =	stream.indirect.scatter.add.f32 [tilespmem:s18], [sflag:$0xA], $0x80, s14, s12, $0xb8;
	[tilespmem:$0x1C580] =	vst v63  }
0x9e: {  	_ =	swait.ge [sflag:s4], $0x2000  }
0x9f: {  	p1 =	por $0x0, $0x0;
	s0 =	rddreg [dreg:$0x1c]  }
0xa0: {  	[sflag:s4] =	ssyncset.done $0x0;
	s7 =	sshrl.u32 @!p1 s0, $0x3  }
0xa1: {  	s25 =	simm.s32 @!p1 $0x0;
	[sflag:s4] =	ssyncadd.s32 $0xFFFFE000;
	s11 =	sadd.s32 @!p1 s6, s7  }
0xa2: {  	[tilespmem:s25], [sflag:$0x5] =	stream.linear.gather @!p1 [hbm4b:s11+s25], $0x40, $0x38;
	[tilespmem:$0x1C580] =	vst v63  }
0xa3: {  	s7 =	sadd.s32 @!p1 s30, s7;
	s11 =	simm.s32 @!p1 $0x200  }
0xa4: {  	[tilespmem:s11], [sflag:$0x5] =	stream.linear.gather @!p1 [hbm4b:s7+s25], $0x40, $0x38;
	[tilespmem:$0x1C580] =	vst v63  }
0xa5: {  	_ =	swait.ge [sflag:s22], $0x40  }
0xa6: {  	[sflag:s22] =	ssyncset.done $0x0  }
0xa7: {  	[sflag:s22] =	ssyncadd.s32 $0xFFFFFFC0  }
0xa8: {  	_ =	swait.ge [sflag:s22], $0x40  }
0xa9: {  	[sflag:s22] =	ssyncset.done $0x0  }
0xaa: {  	s10 =	simm.s32 $0x6400;
	[sflag:s22] =	ssyncadd.s32 $0xFFFFFFC0  }
0xab: {  	[tilespmem:s10], [sflag:$0x4] =	stream.indirect.gather [hbm4b:s1+s12], $0x80, s20, s12, $0xb8;
	[tilespmem:$0x1C580] =	vst v63  }
0xac: {  	_ =	swait.ge [sflag:s24], $0x2000  }
0xad: {  	[sflag:s24] =	ssyncset.done $0x0  }
0xae: {  	[sflag:s24] =	ssyncadd.s32 $0xFFFFE000  }
0xaf: {  	[spmem:s2] =	stream.indirect.scatter.add.f32 [tilespmem:s31], [sflag:$0xB], $0x80, s17, s12, $0xb8;
	[tilespmem:$0x1C580] =	vst v63  }
0xb0: {  	_ =	swait.ge [sflag:s26], $0x2000  }
0xb1: {  	s29 =	simm.s32 @!p1 $0x80;
	s7 =	rddreg [dreg:$0x5];
	[sflag:s26] =	ssyncset.done $0x0  }
0xb2: {  	s11 =	rddreg [dreg:$0x4];
	[sflag:s26] =	ssyncadd.s32 $0xFFFFE000;
	s7 =	sadd.s32 @!p1 $0x0, s7  }
0xb3: {  	[tilespmem:s29], [sflag:$0x6] =	stream.linear.gather @!p1 [hbm4b:s7+s25], $0x40, $0x38;
	[tilespmem:$0x1C580] =	vst v63  }
0xb4: {  	s7 =	sadd.s32 @!p1 $0x0, s11;
	s11 =	simm.s32 @!p1 $0x280  }
0xb5: {  	[tilespmem:s11], [sflag:$0x6] =	stream.linear.gather @!p1 [hbm4b:s7+s25], $0x40, $0x38;
	[tilespmem:$0x1C580] =	vst v63  }
0xb6: {  	s7 =	simm.s32 @!p1 $0x5  }
0xb7: {  	p2 =	por $0x0, $0x0;
	_ =	swait.ge @!p1 [sflag:s7], $0x40  }
0xb8: {  	s5 =	simm.s32 $0x4400;
	s13 =	smov.u32 s30;
	[sflag:s7] =	ssyncset.done @!p1 $0x0  }
0xb9: {  	s23 =	simm.s32 $0x180;
	s16 =	simm.s32 $0x380;
	[sflag:s7] =	ssyncadd.s32 @!p1 $0xFFFFFFC0  }
0xba: {  	s14 =	simm.s32 $0x80;
	s18 =	simm.s32 $0x300;
	_ =	swait.ge @!p1 [sflag:s7], $0x40  }
0xbb: {  	s30 =	simm.s32 $0x200;
	s20 =	simm.s32 $0x2400;
	[sflag:s7] =	ssyncset.done @!p1 $0x0  }
0xbc: {  	s11 =	simm.s32 @!p1 $0x400;
	[sflag:s7] =	ssyncadd.s32 @!p1 $0xFFFFFFC0;
	s7 =	simm.s32 @!p1 $0x40  }
0xbd: {  	[tilespmem:s11], [sflag:$0x1] =	stream.indirect.gather @!p1 [hbm4b:s1+s7], $0x80, s25, s7, $0xb8;
	[tilespmem:$0x1C580] =	vst v63  }
0xbe: {  	s17 =	simm.s32 $0x100;
	s25 =	simm.s32 $0x20;
	_ =	swait.ge [sflag:s28], $0x2000  }
0xbf: {  	s11 =	simm.s32 $0x40;
	s7 =	sadd.s32 $0x100, s0;
	[sflag:s28] =	ssyncset.done $0x0  }
.LBB2_4:
0xc0: {  	s31 =	simm.s32 @!p2 $0xB;
	[sflag:s28] =	ssyncadd.s32 $0xFFFFE000  }
0xc1: {  	[spmem:s2] =	stream.indirect.scatter.add.f32 [tilespmem:s10], [sflag:$0xC], $0x80, s16, s12, $0xb8;
	[tilespmem:$0x1C580] =	vst v63  }
0xc2: {  	_ =	swait.ge @!p2 [sflag:s31], $0x2000  }
0xc3: {  	[sflag:s31] =	ssyncset.done @!p2 $0x0;
	s0 =	rddreg [dreg:$0x9]  }
0xc4: {  	s9 =	rddreg [dreg:$0x8];
	[sflag:s31] =	ssyncadd.s32 @!p2 $0xFFFFE000;
	s0 =	sadd.s32 s25, s0  }
0xc5: {  	[tilespmem:s17], [sflag:$0x7] =	stream.linear.gather [hbm4b:s0+s3], $0x40, $0x38;
	[tilespmem:$0x1C580] =	vst v63  }
0xc6: {  	s9 =	sadd.s32 s25, s9  }
0xc7: {  	[tilespmem:s18], [sflag:$0x7] =	stream.linear.gather [hbm4b:s9+s3], $0x40, $0x38;
	[tilespmem:$0x1C580] =	vst v63  }
0xc8: {  	_ =	swait.ge [sflag:s15], $0x40  }
0xc9: {  	[sflag:s15] =	ssyncset.done $0x0  }
0xca: {  	[sflag:s15] =	ssyncadd.s32 $0xFFFFFFC0  }
0xcb: {  	_ =	swait.ge [sflag:s15], $0x40  }
0xcc: {  	[sflag:s15] =	ssyncset.done $0x0  }
0xcd: {  	[sflag:s15] =	ssyncadd.s32 $0xFFFFFFC0  }
0xce: {  	[tilespmem:s20], [sflag:$0x2] =	stream.indirect.gather [hbm4b:s1+s12], $0x80, s14, s12, $0xb8;
	[tilespmem:$0x1C580] =	vst v63  }
0xcf: {  	_ =	swait.ge [sflag:s8], $0x2000  }
0xd0: {  	[sflag:s8] =	ssyncset.done $0x0  }
0xd1: {  	s0 =	simm.s32 @!p2 $0xC;
	s9 =	simm.s32 $0x400;
	[sflag:s8] =	ssyncadd.s32 $0xFFFFE000  }
0xd2: {  	[spmem:s2] =	stream.indirect.scatter.add.f32 [tilespmem:s9], [sflag:$0x9], $0x80, s30, s12, $0xb8;
	[tilespmem:$0x1C580] =	vst v63  }
0xd3: {  	_ =	swait.ge @!p2 [sflag:s0], $0x2000  }
0xd4: {  	s31 =	rddreg [dreg:$0x7];
	[sflag:s0] =	ssyncset.done @!p2 $0x0  }
0xd5: {  	s9 =	rddreg [dreg:$0x6];
	[sflag:s0] =	ssyncadd.s32 @!p2 $0xFFFFE000;
	s31 =	sadd.s32 s25, s31  }
0xd6: {  	[tilespmem:s23], [sflag:$0x8] =	stream.linear.gather [hbm4b:s31+s3], $0x40, $0x38;
	[tilespmem:$0x1C580] =	vst v63  }
0xd7: {  	s9 =	sadd.s32 s25, s9  }
0xd8: {  	[tilespmem:s16], [sflag:$0x8] =	stream.linear.gather [hbm4b:s9+s3], $0x40, $0x38;
	[tilespmem:$0x1C580] =	vst v63  }
0xd9: {  	_ =	swait.ge [sflag:s19], $0x40  }
0xda: {  	[sflag:s19] =	ssyncset.done $0x0  }
0xdb: {  	[sflag:s19] =	ssyncadd.s32 $0xFFFFFFC0  }
0xdc: {  	_ =	swait.ge [sflag:s19], $0x40  }
0xdd: {  	[sflag:s19] =	ssyncset.done $0x0  }
0xde: {  	[sflag:s19] =	ssyncadd.s32 $0xFFFFFFC0  }
0xdf: {  	[tilespmem:s5], [sflag:$0x3] =	stream.indirect.gather [hbm4b:s1+s12], $0x80, s17, s12, $0xb8;
	[tilespmem:$0x1C580] =	vst v63  }
0xe0: {  	_ =	swait.ge [sflag:s21], $0x2000  }
0xe1: {  	[sflag:s21] =	ssyncset.done $0x0  }
0xe2: {  	s31 =	simm.s32 $0x280;
	[sflag:s21] =	ssyncadd.s32 $0xFFFFE000  }
0xe3: {  	[spmem:s2] =	stream.indirect.scatter.add.f32 [tilespmem:s20], [sflag:$0xA], $0x80, s31, s12, $0xb8;
	[tilespmem:$0x1C580] =	vst v63  }
0xe4: {  	p2 =	seq.s32 s25, $0x4C0;
	_ =	swait.ge [sflag:s4], $0x2000  }
0xe5: {  	s0 =	sshrl.u32 @!p2 s7, $0x3;
	[sflag:s4] =	ssyncset.done $0x0  }
0xe6: {  	s9 =	sadd.s32 @!p2 s6, s0;
	s31 =	simm.s32 @!p2 $0x0;
	[sflag:s4] =	ssyncadd.s32 $0xFFFFE000  }
0xe7: {  	[tilespmem:s31], [sflag:$0x5] =	stream.linear.gather @!p2 [hbm4b:s9+s31], $0x40, $0x38;
	[tilespmem:$0x1C580] =	vst v63  }
0xe8: {  	s0 =	sadd.s32 @!p2 s13, s0;
	s9 =	simm.s32 @!p2 $0x200  }
0xe9: {  	[tilespmem:s9], [sflag:$0x5] =	stream.linear.gather @!p2 [hbm4b:s0+s31], $0x40, $0x38;
	[tilespmem:$0x1C580] =	vst v63  }
0xea: {  	_ =	swait.ge [sflag:s22], $0x40  }
0xeb: {  	[sflag:s22] =	ssyncset.done $0x0  }
0xec: {  	[sflag:s22] =	ssyncadd.s32 $0xFFFFFFC0  }
0xed: {  	_ =	swait.ge [sflag:s22], $0x40  }
0xee: {  	[sflag:s22] =	ssyncset.done $0x0  }
0xef: {  	[sflag:s22] =	ssyncadd.s32 $0xFFFFFFC0  }
0xf0: {  	[tilespmem:s10], [sflag:$0x4] =	stream.indirect.gather [hbm4b:s1+s12], $0x80, s23, s12, $0xb8;
	[tilespmem:$0x1C580] =	vst v63  }
0xf1: {  	_ =	swait.ge [sflag:s24], $0x2000  }
0xf2: {  	[sflag:s24] =	ssyncset.done $0x0  }
0xf3: {  	[sflag:s24] =	ssyncadd.s32 $0xFFFFE000  }
0xf4: {  	[spmem:s2] =	stream.indirect.scatter.add.f32 [tilespmem:s5], [sflag:$0xB], $0x80, s18, s12, $0xb8;
	[tilespmem:$0x1C580] =	vst v63  }
0xf5: {  	_ =	swait.ge [sflag:s26], $0x2000  }
0xf6: {  	s10 =	simm.s32 @!p2 $0x80;
	s0 =	rddreg [dreg:$0x5];
	[sflag:s26] =	ssyncset.done $0x0  }
0xf7: {  	s9 =	rddreg [dreg:$0x4];
	[sflag:s26] =	ssyncadd.s32 $0xFFFFE000;
	s0 =	sadd.s32 @!p2 s25, s0  }
0xf8: {  	[tilespmem:s10], [sflag:$0x6] =	stream.linear.gather @!p2 [hbm4b:s0+s31], $0x40, $0x38;
	[tilespmem:$0x1C580] =	vst v63  }
0xf9: {  	s0 =	sadd.s32 @!p2 s25, s9;
	s9 =	simm.s32 @!p2 $0x280;
	s10 =	simm.s32 @!p2 $0x5  }
0xfa: {  	[tilespmem:s9], [sflag:$0x6] =	stream.linear.gather @!p2 [hbm4b:s0+s31], $0x40, $0x38;
	[tilespmem:$0x1C580] =	vst v63  }
0xfb: {  	_ =	swait.ge @!p2 [sflag:s10], $0x40  }
0xfc: {  	[sflag:s10] =	ssyncset.done @!p2 $0x0  }
0xfd: {  	s29 =	smov.u32 s11;
	s11 =	sadd.s32 $0x20, s11;
	[sflag:s10] =	ssyncadd.s32 @!p2 $0xFFFFFFC0  }
0xfe: {  	p1 =	sne.s32 s11, $0x4E0;
	_ =	swait.ge @!p2 [sflag:s10], $0x40  }
.Ltmp1:
0xff: {  	[sflag:s10] =	ssyncset.done @!p2 $0x0;
	(pc) =	sbr.rel @p1 .LBB2_4-.Ltmp1, $4  }
0x100: {  	s0 =	simm.s32 @!p2 $0x40;
	s9 =	simm.s32 @!p2 $0x400;
	[sflag:s10] =	ssyncadd.s32 @!p2 $0xFFFFFFC0  }
0x101: {  	[tilespmem:s9], [sflag:$0x1] =	stream.indirect.gather @!p2 [hbm4b:s1+s0], $0x80, s31, s0, $0xb8;
	[tilespmem:$0x1C580] =	vst v63  }
0x102: {  	s7 =	sadd.s32 $0x100, s7;
	s25 =	smov.u32 s29;
	_ =	swait.ge [sflag:s28], $0x2000  }
0x103: {  	s10 =	simm.s32 $0x6400;
	p2 =	seq.s32 s25, $0x0;
	[sflag:s28] =	ssyncset.done $0x0  }
0x104: {  	s0 =	simm.s32 @!p2 $0xB;
	[sflag:s28] =	ssyncadd.s32 $0xFFFFE000  }
0x105: {  	[spmem:s2] =	stream.indirect.scatter.add.f32 [tilespmem:s10], [sflag:$0xC], $0x80, s16, s12, $0xb8;
	[tilespmem:$0x1C580] =	vst v63  }
0x106: {  	_ =	swait.ge @!p2 [sflag:s0], $0x2000  }
0x107: {  	s9 =	rddreg [dreg:$0x9];
	[sflag:s0] =	ssyncset.done @!p2 $0x0  }
0x108: {  	s10 =	rddreg [dreg:$0x8];
	[sflag:s0] =	ssyncadd.s32 @!p2 $0xFFFFE000;
	s9 =	sadd.s32 s25, s9  }
0x109: {  	[tilespmem:s17], [sflag:$0x7] =	stream.linear.gather [hbm4b:s9+s3], $0x40, $0x38;
	[tilespmem:$0x1C580] =	vst v63  }
0x10a: {  	s10 =	sadd.s32 s25, s10  }
0x10b: {  	[tilespmem:s18], [sflag:$0x7] =	stream.linear.gather [hbm4b:s10+s3], $0x40, $0x38;
	[tilespmem:$0x1C580] =	vst v63  }
0x10c: {  	_ =	swait.ge [sflag:s15], $0x40  }
0x10d: {  	[sflag:s15] =	ssyncset.done $0x0  }
0x10e: {  	[sflag:s15] =	ssyncadd.s32 $0xFFFFFFC0  }
0x10f: {  	_ =	swait.ge [sflag:s15], $0x40  }
0x110: {  	[sflag:s15] =	ssyncset.done $0x0  }
0x111: {  	[sflag:s15] =	ssyncadd.s32 $0xFFFFFFC0  }
0x112: {  	[tilespmem:s20], [sflag:$0x2] =	stream.indirect.gather [hbm4b:s1+s12], $0x80, s14, s12, $0xb8;
	[tilespmem:$0x1C580] =	vst v63  }
0x113: {  	_ =	swait.ge [sflag:s8], $0x2000  }
0x114: {  	[sflag:s8] =	ssyncset.done $0x0  }
0x115: {  	s0 =	simm.s32 @!p2 $0xC;
	s14 =	simm.s32 $0x400;
	[sflag:s8] =	ssyncadd.s32 $0xFFFFE000  }
0x116: {  	[spmem:s2] =	stream.indirect.scatter.add.f32 [tilespmem:s14], [sflag:$0x9], $0x80, s30, s12, $0xb8;
	[tilespmem:$0x1C580] =	vst v63  }
0x117: {  	_ =	swait.ge @!p2 [sflag:s0], $0x2000  }
0x118: {  	s10 =	rddreg [dreg:$0x7];
	[sflag:s0] =	ssyncset.done @!p2 $0x0  }
0x119: {  	s14 =	rddreg [dreg:$0x6];
	[sflag:s0] =	ssyncadd.s32 @!p2 $0xFFFFE000;
	s9 =	sadd.s32 s25, s10  }
0x11a: {  	[tilespmem:s23], [sflag:$0x8] =	stream.linear.gather [hbm4b:s9+s3], $0x40, $0x38;
	[tilespmem:$0x1C580] =	vst v63  }
0x11b: {  	s14 =	sadd.s32 s25, s14  }
0x11c: {  	[tilespmem:s16], [sflag:$0x8] =	stream.linear.gather [hbm4b:s14+s3], $0x40, $0x38;
	[tilespmem:$0x1C580] =	vst v63  }
0x11d: {  	_ =	swait.ge [sflag:s19], $0x40  }
0x11e: {  	[sflag:s19] =	ssyncset.done $0x0  }
0x11f: {  	[sflag:s19] =	ssyncadd.s32 $0xFFFFFFC0  }
0x120: {  	_ =	swait.ge [sflag:s19], $0x40  }
0x121: {  	[sflag:s19] =	ssyncset.done $0x0  }
0x122: {  	[sflag:s19] =	ssyncadd.s32 $0xFFFFFFC0  }
0x123: {  	[tilespmem:s5], [sflag:$0x3] =	stream.indirect.gather [hbm4b:s1+s12], $0x80, s17, s12, $0xb8;
	[tilespmem:$0x1C580] =	vst v63  }
0x124: {  	_ =	swait.ge [sflag:s21], $0x2000  }
0x125: {  	[sflag:s21] =	ssyncset.done $0x0  }
0x126: {  	s17 =	simm.s32 $0x280;
	[sflag:s21] =	ssyncadd.s32 $0xFFFFE000  }
0x127: {  	[spmem:s2] =	stream.indirect.scatter.add.f32 [tilespmem:s20], [sflag:$0xA], $0x80, s17, s12, $0xb8;
	[tilespmem:$0x1C580] =	vst v63  }
0x128: {  	p1 =	seq.s32 s25, $0x4C0;
	_ =	swait.ge [sflag:s4], $0x2000  }
0x129: {  	s0 =	sshrl.u32 @!p1 s7, $0x3;
	[sflag:s4] =	ssyncset.done $0x0  }
0x12a: {  	s7 =	sadd.s32 @!p1 s6, s0;
	s9 =	simm.s32 @!p1 $0x0;
	[sflag:s4] =	ssyncadd.s32 $0xFFFFE000  }
0x12b: {  	[tilespmem:s9], [sflag:$0x5] =	stream.linear.gather @!p1 [hbm4b:s7+s9], $0x40, $0x38;
	[tilespmem:$0x1C580] =	vst v63  }
0x12c: {  	s0 =	sadd.s32 @!p1 s13, s0;
	s7 =	simm.s32 @!p1 $0x200  }
0x12d: {  	[tilespmem:s7], [sflag:$0x5] =	stream.linear.gather @!p1 [hbm4b:s0+s9], $0x40, $0x38;
	[tilespmem:$0x1C580] =	vst v63  }
0x12e: {  	_ =	swait.ge [sflag:s22], $0x40  }
0x12f: {  	[sflag:s22] =	ssyncset.done $0x0  }
0x130: {  	[sflag:s22] =	ssyncadd.s32 $0xFFFFFFC0  }
0x131: {  	_ =	swait.ge [sflag:s22], $0x40  }
0x132: {  	[sflag:s22] =	ssyncset.done $0x0  }
0x133: {  	s11 =	simm.s32 $0x6400;
	[sflag:s22] =	ssyncadd.s32 $0xFFFFFFC0  }
0x134: {  	[tilespmem:s11], [sflag:$0x4] =	stream.indirect.gather [hbm4b:s1+s12], $0x80, s23, s12, $0xb8;
	[tilespmem:$0x1C580] =	vst v63  }
0x135: {  	_ =	swait.ge [sflag:s24], $0x2000  }
0x136: {  	[sflag:s24] =	ssyncset.done $0x0  }
0x137: {  	[sflag:s24] =	ssyncadd.s32 $0xFFFFE000  }
0x138: {  	[spmem:s2] =	stream.indirect.scatter.add.f32 [tilespmem:s5], [sflag:$0xB], $0x80, s18, s12, $0xb8;
	[tilespmem:$0x1C580] =	vst v63  }
0x139: {  	_ =	swait.ge [sflag:s26], $0x2000  }
0x13a: {  	s10 =	simm.s32 @!p1 $0x80;
	s0 =	rddreg [dreg:$0x5];
	[sflag:s26] =	ssyncset.done $0x0  }
0x13b: {  	s7 =	rddreg [dreg:$0x4];
	[sflag:s26] =	ssyncadd.s32 $0xFFFFE000;
	s0 =	sadd.s32 @!p1 s25, s0  }
0x13c: {  	[tilespmem:s10], [sflag:$0x6] =	stream.linear.gather @!p1 [hbm4b:s0+s9], $0x40, $0x38;
	[tilespmem:$0x1C580] =	vst v63  }
0x13d: {  	s0 =	sadd.s32 @!p1 s25, s7;
	s7 =	simm.s32 @!p1 $0x280  }
0x13e: {  	[tilespmem:s7], [sflag:$0x6] =	stream.linear.gather @!p1 [hbm4b:s0+s9], $0x40, $0x38;
	[tilespmem:$0x1C580] =	vst v63  }
0x13f: {  	s0 =	simm.s32 @!p1 $0x5  }
0x140: {  	_ =	swait.ge @!p1 [sflag:s0], $0x40  }
0x141: {  	[sflag:s0] =	ssyncset.done @!p1 $0x0  }
0x142: {  	[sflag:s0] =	ssyncadd.s32 @!p1 $0xFFFFFFC0  }
0x143: {  	_ =	swait.ge @!p1 [sflag:s0], $0x40  }
0x144: {  	[sflag:s0] =	ssyncset.done @!p1 $0x0  }
0x145: {  	s7 =	simm.s32 @!p1 $0x400;
	[sflag:s0] =	ssyncadd.s32 @!p1 $0xFFFFFFC0;
	s0 =	simm.s32 @!p1 $0x40  }
0x146: {  	[tilespmem:s7], [sflag:$0x1] =	stream.indirect.gather @!p1 [hbm4b:s1+s0], $0x80, s9, s0, $0xb8;
	[tilespmem:$0x1C580] =	vst v63  }
0x147: {  	_ =	swait.ge [sflag:s28], $0x2000  }
0x148: {  	[sflag:s28] =	ssyncset.done $0x0  }
0x149: {  	s7 =	simm.s32 $0xB;
	[sflag:s28] =	ssyncadd.s32 $0xFFFFE000  }
0x14a: {  	[spmem:s2] =	stream.indirect.scatter.add.f32 [tilespmem:s11], [sflag:$0xC], $0x80, s16, s12, $0xb8;
	[tilespmem:$0x1C580] =	vst v63  }
0x14b: {  	_ =	swait.ge [sflag:s7], $0x2000  }
0x14c: {  	[sflag:s7] =	ssyncset.done $0x0  }
0x14d: {  	s9 =	simm.s32 $0xC;
	[sflag:s7] =	ssyncadd.s32 $0xFFFFE000  }
0x14e: {  	_ =	swait.ge [sflag:s9], $0x2000  }
0x14f: {  	s29 =	simm.s32 $0xD;
	[sflag:s9] =	ssyncset.done $0x0  }
0x150: {  	s11 =	simm.s32 $0x8400;
	s10 =	rddreg [dreg:$0x12];
	[sflag:s9] =	ssyncadd.s32 $0xFFFFE000  }
0x151: {  	[tilespmem:s11], [sflag:$0xD] =	stream.linear.gather [hbm4b:s10+s3], $0x10, $0x38;
	[tilespmem:$0x1C580] =	vst v63  }
0x152: {  	_ =	swait.ge [sflag:s29], $0x10  }
0x153: {  	[sflag:s29] =	ssyncset.done $0x0  }
0x154: {  	s16 =	simm.s32 $0x8480;
	s14 =	rddreg [dreg:$0x13];
	[sflag:s29] =	ssyncadd.s32 $0xFFFFFFF0  }
0x155: {  	[tilespmem:s16], [sflag:$0xD] =	stream.linear.gather [hbm4b:s14+s3], $0x10, $0x38;
	[tilespmem:$0x1C580] =	vst v63  }
0x156: {  	_ =	swait.ge [sflag:s29], $0x10  }
0x157: {  	[sflag:s29] =	ssyncset.done $0x0  }
0x158: {  	s17 =	simm.s32 $0x10;
	s18 =	simm.s32 $0x8500;
	[sflag:s29] =	ssyncadd.s32 $0xFFFFFFF0  }
0x159: {  	[tilespmem:s18], [sflag:$0xD] =	stream.indirect.gather [hbm4b:s1+s17], $0x80, s11, s17, $0xb8;
	[tilespmem:$0x1C580] =	vst v63  }
0x15a: {  	_ =	swait.ge [sflag:s29], $0x800  }
0x15b: {  	[sflag:s29] =	ssyncset.done $0x0  }
0x15c: {  	[sflag:s29] =	ssyncadd.s32 $0xFFFFF800  }
0x15d: {  	[spmem:s2] =	stream.indirect.scatter.add.f32 [tilespmem:s18], [sflag:$0xD], $0x80, s16, s17, $0xb8;
	[tilespmem:$0x1C580] =	vst v63  }
0x15e: {  	_ =	swait.ge [sflag:s29], $0x800  }
0x15f: {  	[sflag:s29] =	ssyncset.done $0x0  }
0x160: {  	[sflag:s29] =	ssyncadd.s32 $0xFFFFF800  }
0x161: {  	s10 =	stileid.u32;
	[bflag:$0x0] =	sbarrier.arrive $0xFFFF  }
0x162: {  	s0 =	sshll.u32 @p0 s10, $0x6;
	s25 =	rddreg [dreg:$0xa]  }
0x163: {  	s0 =	sor.u32 @p0 $0x1C0D, s0;
	s9 =	rddreg [dreg:$0x15];
	s7 =	sshrl.u32 @p0 s25, $0x3  }
0x164: {  	[hbm:s9], [sflag:s0] =	dma.local @p0 [spmem:s7], $0x2700  }
0x165: {  	s0 =	simm.s32 @p0 $0xD  }
0x166: {  	_ =	swait.ge @p0 [sflag:s0], $0x2700  }
0x167: {  	s7 =	sshll.u32 @!p0 s10, $0x6;
	[sflag:s0] =	ssyncset.done @p0 $0x0  }
0x168: {  	[sflag:s0] =	ssyncadd.s32 @p0 $0xFFFFD900;
	s0 =	sor.u32 @!p0 $0x1C0D, s7;
	s7 =	rddreg [dreg:$0xb]  }
0x169: {  	s10 =	rddreg [dreg:$0x14];
	s7 =	sshrl.u32 @!p0 s7, $0x3  }
0x16a: {  	[hbm:s10], [sflag:s0] =	dma.local @!p0 [spmem:s7], $0x2780  }
0x16b: {  	s0 =	simm.s32 @!p0 $0xD  }
0x16c: {  	_ =	swait.ge @!p0 [sflag:s0], $0x2780  }
0x16d: {  	s20 =	sld [smem:$0x7FD];
	_ =	sdelay $0x2  }
0x16e: {  	s23 =	rddreg [dreg:$0x16];
	s11 =	sadd.s32 $0x1, s20  }
0x16f: {  	p1 =	sne.s32 s11, s23  }
.Ltmp2:
0x170: {  	s31 =	simm.s32 $0x4400;
	s30 =	smov.u32 s13;
	(pc) =	sbr.rel @p1 .LBB2_1-.Ltmp2, $4  }
0x171: {  	s13 =	simm.s32 $0x80;
	s5 =	simm.s32 $0x400;
	s14 =	simm.s32 $0x280  }
0x172: {  	s16 =	simm.s32 $0x100;
	s17 =	simm.s32 $0x300;
	s18 =	simm.s32 $0x2400  }
0x173: {  	s9 =	stileid.u32;
	s10 =	simm.s32 $0x200;
	[sflag:s0] =	ssyncset.done @!p0 $0x0  }
0x174: {  	[sflag:s0] =	ssyncadd.s32 @!p0 $0xFFFFD880;
	s20 =	simm.s32 $0x180;
	s23 =	simm.s32 $0x380  }
0x175: {  	_ =	sfence.sel $0x180000  }
0x176: {  	[bflag:$0x0] =	sbarrier.arrive $0xFFFF  }
0x177: {  	_ =	strace $0x90000047  }
0x178: {  	[bflag:$0x2] =	sbarrier.arrive $0xFFFF  }
0x179: {  	p0 =	sne.s32 s9, $0x0;
	s0 =	rddreg [dreg:$0x3]  }
0x17a: {  	s0 =	sadd.s32 @!p0 $0x100000, s0  }
0x17b: {  	[sflag:s0] =	ssyncadd.tile.s32 @!p0 $0x1;
	_ =	shalt  }
.Lfunc_end2:
_tile_overlayer_lowered:
.L_overlay_start_2:
0x17c: {  	(tag) =	ssettag $0x2  }
0x17d: {  	s0 =	rddreg [dreg:$0x0];
	s2 =	stileid.u32  }
0x17e: {  	s1 =	rddreg [dreg:$0x1];
	p0 =	sne.s32 s2, $0x0  }
0x17f: {  	s3 =	rddreg [dreg:$0x2];
	[bflag:$0x3] =	sbarrier.arrive $0xFFFF;
	s2 =	simm.s32 @!p0 $0x1C0D  }
0x180: {  	[timem:s3], [sflag:s2] =	dma.local @!p0 [hbm:s0], s1  }
0x181: {  	s0 =	simm.s32 @!p0 $0xD  }
0x182: {  	_ =	swait.ge @!p0 [sflag:s0], s1  }
0x183: {  	s1 =	ssub.s32 @!p0 $0x0, s1;
	[sflag:s0] =	ssyncset.done @!p0 $0x0  }
0x184: {  	[sflag:s0] =	ssyncadd.s32 @!p0 s1  }
0x185: {  	[bflag:$0x3] =	sbarrier.arrive $0xFFFF  }
0x186: {  	_ =	shalt  }

// kernel: kernel.9.cloned.1.call-start
scs
__scs_entry_jumppad:
0x0: {  	(pc) =	sbr.rel $0x88, $3  }
0x1: {  	(tag) =	ssettag $0x0;
	lr =	simm.s32 $0x1  }
0x2: {  	[smem:$0x3F8C] =	sst lr;
	_ =	strace $0xD0000000  }
0x3: {  	_ = 	snop  }
0x4: {  	_ = 	snop  }
0x5: {  	_ = 	snop  }
0x6: {  	_ = 	snop  }
0x7: {  	_ = 	snop  }
__scs_overlays_trampoline_lowered:
0x8: {  	[smem:$0x3F9B] =	sst s0  }
0x9: {  	[smem:$0x3F9C] =	sst s1  }
0xa: {  	[smem:$0x3F9D] =	sst s2  }
0xb: {  	[smem:$0x3F9E] =	sst s3  }
0xc: {  	[smem:$0x3F9F] =	sst s4  }
0xd: {  	[smem:$0x3FA0] =	sst s5  }
0xe: {  	[smem:$0x3FA1] =	sst s6  }
0xf: {  	[smem:$0x3FA2] =	sst s7  }
0x10: {  	[smem:$0x3FA3] =	sst s8  }
0x11: {  	[smem:$0x3FA4] =	sst s9;
	s0 =	simm.s32 @!p0 $0x0  }
0x12: {  	s1 =	sld [smem:$0x3F8A];
	s0 =	simm.s32 @p0 $0x1  }
0x13: {  	[smem:$0x3FA5] =	sst s0;
	s0 =	simm.s32 @!p1 $0x0  }
0x14: {  	s2 =	sld [smem:$0x3F89];
	s0 =	simm.s32 @p1 $0x1  }
0x15: {  	[smem:$0x3FA6] =	sst s0;
	s0 =	simm.s32 @!p2 $0x0  }
0x16: {  	s3 =	sld [smem:$0x3FDB];
	s0 =	simm.s32 @p2 $0x1  }
0x17: {  	s4 =	simm.s32 $0x1BF5;
	[smem:$0x3FA8] =	sst s0  }
0x18: {  	s0 =	sld [smem:$0x3F8B];
	_ =	swait.ge [sflag:s4], $0x0  }
0x19: {  	s7 =	sld [smem:$0x3F8C]  }
0x1a: {  	s8 =	sadd.s32 $0xFFFFE003, lr  }
0x1b: {  	s9 =	sadd.s32 $0xFFFFFEF7, lr;
	s5 =	simm.s32 $0xFFFFFFFF;
	p2 =	slt.u32 s8, $0xFFFFF086  }
0x1c: {  	p1 =	slt.u32 s9, $0xF7A;
	s5 =	simm.s32 @!p2 $0x0  }
0x1d: {  	s5 =	simm.s32 @p1 $0x1;
	p0 =	seq.s32 s7, s2  }
0x1e: {  	s7 =	smul.u32 @!p0 $0xF7A, s2;
	p2 =	seq.s32 @!p0 s5, $0x0  }
0x1f: {  	s9 =	smul.u32 $0xF7A, s1;
	s8 =	simm.s32 @!p0 $0x1BF5;
	p2 =	por !p2, p0  }
0x20: {  	[sflag:s8] =	ssyncset.s32 @!p0 $0xFFFFF086;
	s6 =	sadd.s32 @!p0 s3, s7;
	s7 =	simm.s32 @!p0 $0x108  }
0x21: {  	s3 =	sadd.s32 s3, s9;
	s6 =	sadd.s32 @!p0 $0x88, s6;
	s7 =	simm.s32 @p2 $0x1082  }
0x22: {  	[simem:s7], [sflag:s8] =	dma.local @!p0 [hbm:s6], $0xF7A  }
0x23: {  	s9 =	sor.u32 $0xD0000000, s2;
	s6 =	simm.s32 $0x108;
	_ =	swait.ge @!p0 [sflag:s8], $0x0  }
0x24: {  	s3 =	sadd.s32 $0x88, s3;
	s6 =	simm.s32 @!p1 $0x1082;
	[sflag:s4] =	ssyncset.s32 $0xFFFFF086  }
0x25: {  	[simem:s6], [sflag:s4] =	dma.local [hbm:s3], $0xF7A  }
0x26: {  	[smem:$0x3F8C] =	sst s1;
	(tag) =	ssettag s2;
	_ =	strace s9  }
0x27: {  	s1 =	sld [smem:$0x3F9C]  }
0x28: {  	s2 =	sld [smem:$0x3F9D]  }
0x29: {  	s4 =	sld [smem:$0x3F9F]  }
0x2a: {  	p0 =	seq.s32 s5, $0x0;
	s5 =	sld [smem:$0x3FA0]  }
0x2b: {  	s6 =	sld [smem:$0x3FA1]  }
0x2c: {  	s7 =	sld [smem:$0x3FA2]  }
0x2d: {  	s3 =	simm.s32 $0x108;
	s8 =	sld [smem:$0x3FA3]  }
0x2e: {  	s3 =	simm.s32 @!p0 $0x1082;
	s9 =	sld [smem:$0x3FA4]  }
0x2f: {  	lr =	sadd.s32 s0, s3;
	s0 =	sld [smem:$0x3F9B]  }
0x30: {  	s3 =	sld [smem:$0x3F9E]  }
0x31: {  	[smem:$0x3FA7] =	sst s10  }
0x32: {  	s10 =	sld [smem:$0x3FA5];
	_ =	sdelay $0x3  }
0x33: {  	p0 =	seq.s32 s10, $0x1;
	s10 =	sld [smem:$0x3FA7];
	_ =	sdelay $0x3  }
0x34: {  	[smem:$0x3FA7] =	sst s10  }
0x35: {  	s10 =	sld [smem:$0x3FA6];
	_ =	sdelay $0x3  }
0x36: {  	p1 =	seq.s32 s10, $0x1;
	s10 =	sld [smem:$0x3FA7];
	_ =	sdelay $0x3  }
0x37: {  	[smem:$0x3FA7] =	sst s10  }
0x38: {  	s10 =	sld [smem:$0x3FA8]  }
0x39: {  	_ = 	snop;
	(pc) =	sbr.ind lr, $3  }
0x3a: {  	_ = 	snop  }
0x3b: {  	_ = 	snop  }
0x3c: {  	p2 =	seq.s32 s10, $0x1;
	s10 =	sld [smem:$0x3FA7]  }
0x3d: {  	_ =	shalt  }
0x3e: {  	_ =	shalt  }
0x3f: {  	_ =	shalt  }
0x40: {  	_ =	shalt  }
0x41: {  	_ =	shalt  }
0x42: {  	_ =	shalt  }
0x43: {  	_ =	shalt  }
0x44: {  	_ =	shalt  }
0x45: {  	_ =	shalt  }
0x46: {  	_ =	shalt  }
0x47: {  	_ =	shalt  }
0x48: {  	_ =	shalt  }
0x49: {  	_ =	shalt  }
0x4a: {  	_ =	shalt  }
0x4b: {  	_ =	shalt  }
0x4c: {  	_ =	shalt  }
0x4d: {  	_ =	shalt  }
0x4e: {  	_ =	shalt  }
0x4f: {  	_ =	shalt  }
0x50: {  	_ =	shalt  }
0x51: {  	_ =	shalt  }
0x52: {  	_ =	shalt  }
0x53: {  	_ =	shalt  }
0x54: {  	_ =	shalt  }
0x55: {  	_ =	shalt  }
0x56: {  	_ =	shalt  }
0x57: {  	_ =	shalt  }
0x58: {  	_ =	shalt  }
0x59: {  	_ =	shalt  }
0x5a: {  	_ =	shalt  }
0x5b: {  	_ =	shalt  }
0x5c: {  	_ =	shalt  }
0x5d: {  	_ =	shalt  }
0x5e: {  	_ =	shalt  }
0x5f: {  	_ =	shalt  }
0x60: {  	_ =	shalt  }
0x61: {  	_ =	shalt  }
0x62: {  	_ =	shalt  }
0x63: {  	_ =	shalt  }
0x64: {  	_ =	shalt  }
0x65: {  	_ =	shalt  }
0x66: {  	_ =	shalt  }
0x67: {  	_ =	shalt  }
0x68: {  	_ =	shalt  }
0x69: {  	_ =	shalt  }
0x6a: {  	_ =	shalt  }
0x6b: {  	_ =	shalt  }
0x6c: {  	_ =	shalt  }
0x6d: {  	_ =	shalt  }
0x6e: {  	_ =	shalt  }
0x6f: {  	_ =	shalt  }
0x70: {  	_ =	shalt  }
0x71: {  	_ =	shalt  }
0x72: {  	_ =	shalt  }
0x73: {  	_ =	shalt  }
0x74: {  	_ =	shalt  }
0x75: {  	_ =	shalt  }
0x76: {  	_ =	shalt  }
0x77: {  	_ =	shalt  }
0x78: {  	_ =	shalt  }
0x79: {  	_ =	shalt  }
0x7a: {  	_ =	shalt  }
0x7b: {  	_ =	shalt  }
0x7c: {  	_ =	shalt  }
0x7d: {  	_ =	shalt  }
0x7e: {  	_ =	shalt  }
0x7f: {  	_ =	shalt  }
0x80: {  	_ =	shalt  }
0x81: {  	_ =	shalt  }
0x82: {  	_ =	shalt  }
0x83: {  	_ =	shalt  }
0x84: {  	_ =	shalt  }
0x85: {  	_ =	shalt  }
0x86: {  	_ =	shalt  }
0x87: {  	_ =	shalt  }
.Lfunc_end0:
.L_simem_size_0:
called_computation.1_lowered:
.L_overlay_start_0:
0x88: {  	s2 =	sld [smem:$0x3FD9]  }
0x89: {  	s3 =	sld [smem:$0x3FFE];
	_ =	sdelay $0x1  }
0x8a: {  	s1 =	srdreg.scid  }
0x8b: {  	s0 =	sand.u32 $0x1, s1  }
0x8c: {  	s16 =	sshll.u32 s0, $0xA;
	s2 =	sadd.s32 s3, s2  }
0x8d: {  	s2 =	sadd.s32 s2, s16  }
0x8e: {  	[smem:$0x3FB3] =	sst s2  }
0x8f: {  	_ = 	snop  }
0x90: {  	(tm) =	ssettm $0x1  }
0x91: {  	s17 =	sld [smem:$0x3FFB];
	_ =	sdelay $0x3  }
0x92: {  	_ =	strace s17  }
0x93: {  	s2 =	sld [smem:$0x3FFC];
	_ =	sdelay $0x3  }
0x94: {  	_ =	strace s2  }
0x95: {  	s2 =	sld [smem:$0x3FFD];
	_ =	sdelay $0x3  }
0x96: {  	_ =	strace s2  }
0x97: {  	_ =	strace $0x8FFFFFFF  }
0x98: {  	s18 =	sld [smem:$0x3FDB];
	_ =	sdelay $0x1  }
0x99: {  	s19 =	simm.s32 $_scs_section_size  }
0x9a: {  	s4 =	simm.s32 $_size__tile_overlayer_lowered;
	s5 =	simm.s32 $_tile_overlayer_lowered  }
0x9b: {  	s22 =	simm.s32 $0x1BFF;
	s21 =	sshll.u32 s5, $0x1;
	s2 =	sadd.s32 s19, s18  }
0x9c: {  	s6 =	simm.s32 $0x0;
	s20 =	sshll.u32 s4, $0x1;
	s4 =	sadd.s32 s21, s2  }
0x9d: {  	[timem:s6], [sflag:s22] =	dma.local [hbm:s4], s20  }
0x9e: {  	_ =	swait.ge [sflag:s22], s20  }
0x9f: {  	s3 =	ssub.s32 $0x0, s20;
	[sflag:s22] =	ssyncset.done $0x0  }
0xa0: {  	[sflag:s22] =	ssyncadd.s32 s3;
	_ =	sdelay $0x1  }
0xa1: {  	s23 =	simm.s32 $0x1B8B  }
0xa2: {  	_ =	swait.ge [sflag:s23], $0x1  }
0xa3: {  	[sflag:s23] =	ssyncset.done $0x0  }
0xa4: {  	s25 =	simm.s32 $0x1B8E;
	s24 =	sld [smem:$0x3FFE];
	[sflag:s23] =	ssyncadd.s32 $0xFFFFFFFF  }
0xa5: {  	s26 =	simm.s32 $execute0_lowered;
	[smem:$0x3FD2] =	sst s25  }
0xa6: {  	s4 =	sshll.u32 s26, $0x1;
	_ =	strace $0x80000049;
	[dreg:$0x1] =	wrdreg $0xFFFFFFFF  }
0xa7: {  	s28 =	simm.s32 $_size_execute0_lowered;
	s2 =	sadd.s32 s2, s4;
	[dreg:$0x0] =	wrdreg $0x0  }
0xa8: {  	s4 =	sshll.u32 s28, $0x1;
	[dreg:$0x2] =	wrdreg s2  }
0xa9: {  	[dreg:$0x3] =	wrdreg s4  }
0xaa: {  	[dreg:$0x4] =	wrdreg $0xC0  }
0xab: {  	_ =	task [dreg:s6], $0x5FFFF  }
0xac: {  	[dreg:$0x1] =	wrdreg $0xFFFFFFFF  }
0xad: {  	[dreg:$0x0] =	wrdreg $0x60  }
0xae: {  	[dreg:$0x2] =	wrdreg s24  }
0xaf: {  	[dreg:$0x3] =	wrdreg $0x8D000  }
0xb0: {  	[dreg:$0x4] =	wrdreg $0x9  }
0xb1: {  	_ =	task.clear_ibuf [dreg:s6], $0x5FFFF;
	_ =	strace $0x90000049  }
0xb2: {  	s29 =	simm.s32 $0x9;
	_ =	strace $0x8000004B  }
0xb3: {  	_ =	swait.ge [sflag:s29], $0x1  }
0xb4: {  	[sflag:s29] =	ssyncadd.s32 $0xFFFFFFFF  }
0xb5: {  	_ =	strace $0x9000004B  }
0xb6: {  	_ =	sfence  }
0xb7: {  	s30 =	sld [smem:$0x0];
	_ =	sdelay $0x2  }
0xb8: {  	s31 =	sshll.u32 s1, $0xD;
	s1 =	sshrl.u32 s1, $0x2  }
0xb9: {  	s3 =	sand.u32 $0x4000, s31;
	s1 =	sadd.s32 s1, s30  }
0xba: {  	s0 =	sor.u32 s3, s0;
	s1 =	sshll.u32 s1, $0x11  }
0xbb: {  	s0 =	sor.u32 s1, s0  }
0xbc: {  	s0 =	sadd.s32 $0x8F2B, s0  }
0xbd: {  	[sflag:s0] =	ssyncadd.remote.s32 $0x1  }
0xbe: {  	_ =	sfence.sel $0xFFFF  }
0xbf: {  	[dreg:$0x0] =	wrdreg $0xFFFFFFFF;
	(pc) =	sbr.abs _section_cstart, $3  }
0xc0: {  	[dreg:$0x1] =	wrdreg $0xFFFFFFFF  }
0xc1: {  	_ =	task.clear_ibuf [dreg:s6], $0x2FFFF;
	_ =	strace $0x9FFFFFFF  }
0xc2: {  	(tm) =	ssettm $0x7FFFFFFF  }
0xc3: {  	_ =	shalt  }
tec
execute0_lowered:
.L_overlay_start_1:
0x0: {  	(tag) =	ssettag $0x1  }
0x1: {  	s0 =	rddreg [dreg:$0x0]  }
0x2: {  	s1 =	rddreg [dreg:$0x1];
	s2 =	simm.s32 $0x0;
	s13 =	stileid.u32  }
0x3: {  	s3 =	srdreg.scid;
	s29 =	simm.s32 $0xD;
	s8 =	smul.u32 $0x270, s13  }
0x4: {  	s31 =	simm.s32 $0x4400;
	s28 =	simm.s32 $0x4;
	s11 =	smul.u32 $0x278, s13  }
0x5: {  	[smem:$0x7FF] =	sst s2;
	s4 =	sadd.s32 $0x17800, s0;
	s12 =	smul.u32 $0x4F000, s13  }
0x6: {  	s6 =	sadd.s32 $0xDA00, s0;
	s30 =	sadd.s32 $0x3C00, s0;
	s22 =	smul.u32 $0x13C00, s13  }
0x7: {  	s3 =	sand.u32 $0x1, s3;
	p0 =	sgt.u32 s13, $0x1;
	s24 =	smul.u32 $0x2710, s13  }
0x8: {  	_ =	strace $0x8000004A;
	s7 =	ssub.s32 $0x2, s3;
	s19 =	smul.u32 $0x138800, s3  }
0x9: {  	s10 =	sshll.u32 s3, $0x4;
	s3 =	smul.u32 $0x27100, s3;
	s9 =	sshrl.u32 s7, $0x1  }
0xa: {  	s8 =	sadd.s32 $0x10, s8;
	s15 =	sor.u32 s13, s10;
	s17 =	sshrl.u32 s12, $0x2  }
0xb: {  	s7 =	ssub.s32 s7, s9;
	s11 =	smov.u32 @p0 s8;
	s9 =	smul.u32 $0x2710, s15  }
0xc: {  	s8 =	sshll.u32 s8, $0x7;
	s16 =	sshll.u32 s11, $0x7;
	s11 =	sadd.s32 s17, s1  }
0xd: {  	s3 =	sadd.s32 s24, s3;
	s7 =	smax.u32 s7, $0x1;
	[dreg:$0xa] =	wrdreg s11  }
0xe: {  	s26 =	sadd.s32 s22, s19;
	s22 =	sadd.s32 $0x100, s3;
	[dreg:$0x15] =	wrdreg s7  }
0xf: {  	s8 =	sadd.s32 s8, s1;
	s11 =	sadd.s32 $0x12000, s11;
	[dreg:$0x1b] =	wrdreg s22  }
0x10: {  	s0 =	sadd.s32 $0x3EA00, s0;
	s8 =	sadd.s32 $0x12000, s8;
	[dreg:$0xb] =	wrdreg s11  }
0x11: {  	s25 =	sadd.s32 s16, s1;
	s9 =	sshrl.u32 s9, $0x3;
	[dreg:$0xc] =	wrdreg s8  }
0x12: {  	s5 =	sadd.s32 $0x140, s3;
	s18 =	sadd.s32 s6, s9;
	[dreg:$0x9] =	wrdreg s25  }
0x13: {  	s22 =	simm.s32 $0x8;
	s20 =	sadd.s32 s30, s9;
	[dreg:$0xd] =	wrdreg s18  }
0x14: {  	s21 =	sadd.s32 $0x8, s9;
	s17 =	sadd.s32 $0x6000, s25;
	[dreg:$0xe] =	wrdreg s20  }
0x15: {  	s8 =	sadd.s32 s19, s16;
	s19 =	sadd.s32 $0x8000, s25;
	[dreg:$0x18] =	wrdreg s17  }
0x16: {  	s9 =	sadd.s32 $0x4E0, s9;
	s24 =	sadd.s32 $0xE000, s25;
	[dreg:$0x19] =	wrdreg s19  }
0x17: {  	s14 =	sadd.s32 s6, s21;
	s11 =	sadd.s32 s30, s21;
	[dreg:$0x1d] =	wrdreg s24  }
0x18: {  	s23 =	sadd.s32 s6, s9;
	s9 =	sadd.s32 s30, s9;
	[dreg:$0xf] =	wrdreg s14  }
0x19: {  	s8 =	sshrl.u32 s8, $0x3;
	s21 =	sadd.s32 $0xA000, s25;
	[dreg:$0x10] =	wrdreg s11  }
0x1a: {  	s17 =	simm.s32 $0x300;
	s19 =	simm.s32 $0x7;
	[dreg:$0x11] =	wrdreg s23  }
0x1b: {  	s24 =	simm.s32 $0x3;
	[dreg:$0x12] =	wrdreg s9;
	s9 =	sshrl.u32 s26, $0x3  }
0x1c: {  	s11 =	sadd.s32 $0xC0, s3;
	s14 =	sadd.s32 $0x80, s3;
	[dreg:$0x1a] =	wrdreg s21  }
0x1d: {  	s23 =	sadd.s32 $0xC000, s25;
	s26 =	sadd.s32 $0x10000, s25;
	s21 =	simm.s32 $0x2  }
0x1e: {  	s3 =	simm.s32 $0x9;
	s9 =	sadd.s32 s0, s9;
	[dreg:$0x1c] =	wrdreg s23  }
0x1f: {  	s0 =	sadd.s32 s0, s8;
	s8 =	sadd.s32 $0x2000, s25;
	[dreg:$0x1e] =	wrdreg s26  }
0x20: {  	s12 =	sshrl.u32 s11, $0x3;
	s16 =	sshrl.u32 s14, $0x3;
	[dreg:$0x13] =	wrdreg s9  }
0x21: {  	s14 =	simm.s32 $0x280;
	s23 =	simm.s32 $0x380;
	[dreg:$0x14] =	wrdreg s0  }
0x22: {  	s26 =	simm.s32 $0xA;
	s11 =	simm.s32 $0x0;
	[dreg:$0x16] =	wrdreg s8  }
0x23: {  	s0 =	sshrl.u32 s5, $0x3;
	s9 =	sadd.s32 $0x4000, s25;
	s13 =	sadd.s32 s12, s30  }
0x24: {  	s15 =	sadd.s32 s12, s6;
	s18 =	sadd.s32 s16, s30;
	[dreg:$0x17] =	wrdreg s9  }
0x25: {  	s20 =	sadd.s32 s16, s6;
	s5 =	simm.s32 $0x400;
	[dreg:$0x5] =	wrdreg s13  }
0x26: {  	s12 =	simm.s32 $0x40;
	s16 =	simm.s32 $0x100;
	[dreg:$0x6] =	wrdreg s15  }
0x27: {  	s8 =	simm.s32 $0x1;
	s10 =	sadd.s32 s0, s30;
	[dreg:$0x7] =	wrdreg s18  }
0x28: {  	s0 =	sadd.s32 s0, s6;
	[dreg:$0x8] =	wrdreg s20;
	s13 =	simm.s32 $0x80  }
0x29: {  	s15 =	simm.s32 $0x6;
	s18 =	simm.s32 $0x2400;
	[dreg:$0x3] =	wrdreg s10  }
0x2a: {  	v0 =	vimm.f32 $0.0e+00;
	s20 =	simm.s32 $0x180;
	[dreg:$0x4] =	wrdreg s0;
	s10 =	simm.s32 $0x200  }
.LBB2_1:
0x2b: {  	[dreg:$0x1f] =	wrdreg s11;
	s7 =	simm.s32 $0x0;
	s11 =	simm.s32 $0x200  }
.LBB2_2:
0x2c: {  	p1 =	sne.s32 s11, $0x7E00;
	[tilespmem:s7+$0x470] =	vst v0  }
0x2d: {  	[tilespmem:s7+$0x400] =	vst v0  }
0x2e: {  	[tilespmem:s7+$0x410] =	vst v0  }
.Ltmp0:
0x2f: {  	[tilespmem:s7+$0x420] =	vst v0;
	(pc) =	sbr.rel @p1 .LBB2_2-.Ltmp0, $4  }
0x30: {  	[tilespmem:s7+$0x430] =	vst v0  }
0x31: {  	[tilespmem:s7+$0x440] =	vst v0  }
0x32: {  	[tilespmem:s7+$0x450] =	vst v0  }
0x33: {  	[tilespmem:s7+$0x460] =	vst v0;
	s7 =	sshra.s32 s11, $0x2;
	s11 =	sadd.s32 $0x200, s11  }
0x34: {  	[tilespmem:s7+$0x470] =	vst v0  }
0x35: {  	[tilespmem:s7+$0x400] =	vst v0  }
0x36: {  	[tilespmem:s7+$0x410] =	vst v0  }
0x37: {  	[tilespmem:s7+$0x420] =	vst v0  }
0x38: {  	[tilespmem:s7+$0x430] =	vst v0  }
0x39: {  	[tilespmem:s7+$0x440] =	vst v0  }
0x3a: {  	[tilespmem:s7+$0x450] =	vst v0  }
0x3b: {  	[tilespmem:s7+$0x460] =	vst v0  }
0x3c: {  	[spmem:s25] =	stream.linear.scatter [tilespmem:s5], [sflag:$0xD], $0x2000, $0x38;
	[tilespmem:$0x1C580] =	vst v63  }
0x3d: {  	_ =	swait.ge [sflag:s29], $0x2000  }
0x3e: {  	[sflag:s29] =	ssyncset.done $0x0  }
0x3f: {  	s0 =	rddreg [dreg:$0x16];
	[sflag:s29] =	ssyncadd.s32 $0xFFFFE000  }
0x40: {  	[spmem:s0] =	stream.linear.scatter [tilespmem:s5], [sflag:$0xD], $0x2000, $0x38;
	[tilespmem:$0x1C580] =	vst v63  }
0x41: {  	_ =	swait.ge [sflag:s29], $0x2000  }
0x42: {  	[sflag:s29] =	ssyncset.done $0x0  }
0x43: {  	s9 =	rddreg [dreg:$0x17];
	[sflag:s29] =	ssyncadd.s32 $0xFFFFE000  }
0x44: {  	[spmem:s9] =	stream.linear.scatter [tilespmem:s5], [sflag:$0xD], $0x2000, $0x38;
	[tilespmem:$0x1C580] =	vst v63  }
0x45: {  	_ =	swait.ge [sflag:s29], $0x2000  }
0x46: {  	[sflag:s29] =	ssyncset.done $0x0  }
0x47: {  	s11 =	rddreg [dreg:$0x18];
	[sflag:s29] =	ssyncadd.s32 $0xFFFFE000  }
0x48: {  	[spmem:s11] =	stream.linear.scatter [tilespmem:s5], [sflag:$0xD], $0x2000, $0x38;
	[tilespmem:$0x1C580] =	vst v63  }
0x49: {  	_ =	swait.ge [sflag:s29], $0x2000  }
0x4a: {  	[sflag:s29] =	ssyncset.done $0x0  }
0x4b: {  	s25 =	rddreg [dreg:$0x19];
	[sflag:s29] =	ssyncadd.s32 $0xFFFFE000  }
0x4c: {  	[spmem:s25] =	stream.linear.scatter [tilespmem:s5], [sflag:$0xD], $0x2000, $0x38;
	[tilespmem:$0x1C580] =	vst v63  }
0x4d: {  	_ =	swait.ge [sflag:s29], $0x2000  }
0x4e: {  	[sflag:s29] =	ssyncset.done $0x0  }
0x4f: {  	s7 =	rddreg [dreg:$0x1a];
	[sflag:s29] =	ssyncadd.s32 $0xFFFFE000  }
0x50: {  	[spmem:s7] =	stream.linear.scatter [tilespmem:s5], [sflag:$0xD], $0x2000, $0x38;
	[tilespmem:$0x1C580] =	vst v63  }
0x51: {  	_ =	swait.ge [sflag:s29], $0x2000  }
0x52: {  	[sflag:s29] =	ssyncset.done $0x0  }
0x53: {  	s9 =	rddreg [dreg:$0x1c];
	[sflag:s29] =	ssyncadd.s32 $0xFFFFE000  }
0x54: {  	[spmem:s9] =	stream.linear.scatter [tilespmem:s5], [sflag:$0xD], $0x2000, $0x38;
	[tilespmem:$0x1C580] =	vst v63  }
0x55: {  	_ =	swait.ge [sflag:s29], $0x2000  }
0x56: {  	[sflag:s29] =	ssyncset.done $0x0  }
0x57: {  	s11 =	rddreg [dreg:$0x1d];
	[sflag:s29] =	ssyncadd.s32 $0xFFFFE000  }
0x58: {  	[spmem:s11] =	stream.linear.scatter [tilespmem:s5], [sflag:$0xD], $0x2000, $0x38;
	[tilespmem:$0x1C580] =	vst v63  }
0x59: {  	_ =	swait.ge [sflag:s29], $0x2000  }
0x5a: {  	[sflag:s29] =	ssyncset.done $0x0  }
0x5b: {  	s25 =	rddreg [dreg:$0x1e];
	[sflag:s29] =	ssyncadd.s32 $0xFFFFE000  }
0x5c: {  	[spmem:s25] =	stream.linear.scatter [tilespmem:s5], [sflag:$0xD], $0x2000, $0x38;
	[tilespmem:$0x1C580] =	vst v63  }
0x5d: {  	_ =	swait.ge [sflag:s29], $0x2000  }
0x5e: {  	[sflag:s29] =	ssyncset.done $0x0  }
0x5f: {  	s7 =	simm.s32 @p0 $0x400;
	s0 =	rddreg [dreg:$0xc];
	[sflag:s29] =	ssyncadd.s32 $0xFFFFE000  }
0x60: {  	[spmem:s0] =	stream.linear.scatter @p0 [tilespmem:s7], [sflag:$0xD], $0x1800, $0x38;
	[tilespmem:$0x1C580] =	vst v63  }
0x61: {  	s7 =	simm.s32 @p0 $0xD  }
0x62: {  	_ =	swait.ge @p0 [sflag:s7], $0x1800  }
0x63: {  	[sflag:s7] =	ssyncset.done @p0 $0x0  }
0x64: {  	s0 =	rddreg [dreg:$0xb];
	[sflag:s7] =	ssyncadd.s32 @p0 $0xFFFFE800;
	s7 =	simm.s32 @!p0 $0x400  }
0x65: {  	[spmem:s0] =	stream.linear.scatter @!p0 [tilespmem:s7], [sflag:$0xD], $0x1C00, $0x38;
	[tilespmem:$0x1C580] =	vst v63  }
0x66: {  	s7 =	simm.s32 @!p0 $0xD  }
0x67: {  	_ =	swait.ge @!p0 [sflag:s7], $0x1C00  }
0x68: {  	[sflag:s7] =	ssyncset.done @!p0 $0x0  }
0x69: {  	[sflag:s7] =	ssyncadd.s32 @!p0 $0xFFFFE400  }
0x6a: {  	[bflag:$0x0] =	sbarrier.arrive $0xFFFF  }
0x6b: {  	s7 =	simm.s32 $0x0;
	s29 =	rddreg [dreg:$0xd]  }
0x6c: {  	[tilespmem:s7], [sflag:$0x5] =	stream.linear.gather [hbm4b:s29+s7], $0x40, $0x38;
	[tilespmem:$0x1C580] =	vst v63  }
0x6d: {  	s9 =	rddreg [dreg:$0xe]  }
0x6e: {  	[tilespmem:s10], [sflag:$0x5] =	stream.linear.gather [hbm4b:s9+s7], $0x40, $0x38;
	[tilespmem:$0x1C580] =	vst v63  }
0x6f: {  	s11 =	rddreg [dreg:$0xf]  }
0x70: {  	[tilespmem:s13], [sflag:$0x6] =	stream.linear.gather [hbm4b:s11+s7], $0x40, $0x38;
	[tilespmem:$0x1C580] =	vst v63  }
0x71: {  	s25 =	rddreg [dreg:$0x10];
	s29 =	simm.s32 $0x5  }
0x72: {  	[tilespmem:s14], [sflag:$0x6] =	stream.linear.gather [hbm4b:s25+s7], $0x40, $0x38;
	[tilespmem:$0x1C580] =	vst v63  }
0x73: {  	_ =	swait.ge [sflag:s29], $0x40  }
0x74: {  	[sflag:s29] =	ssyncset.done $0x0  }
0x75: {  	[sflag:s29] =	ssyncadd.s32 $0xFFFFFFC0  }
0x76: {  	_ =	swait.ge [sflag:s29], $0x40  }
0x77: {  	[sflag:s29] =	ssyncset.done $0x0  }
0x78: {  	p1 =	por $0x1, $0x1;
	[sflag:s29] =	ssyncadd.s32 $0xFFFFFFC0  }
0x79: {  	[tilespmem:s5], [sflag:$0x1] =	stream.indirect.gather [hbm4b:s4+s12], $0x80, s7, s12, $0xb8;
	[tilespmem:$0x1C580] =	vst v63  }
0x7a: {  	s7 =	simm.s32 @!p1 $0xB  }
0x7b: {  	_ =	swait.ge @!p1 [sflag:s7], $0x2000  }
0x7c: {  	s11 =	rddreg [dreg:$0x8];
	[sflag:s7] =	ssyncset.done @!p1 $0x0  }
0x7d: {  	s9 =	rddreg [dreg:$0x7];
	[sflag:s7] =	ssyncadd.s32 @!p1 $0xFFFFE000;
	s29 =	sadd.s32 $0x0, s11  }
0x7e: {  	[tilespmem:s16], [sflag:$0x7] =	stream.linear.gather [hbm4b:s29+s2], $0x40, $0x38;
	[tilespmem:$0x1C580] =	vst v63  }
0x7f: {  	s0 =	sadd.s32 $0x0, s9  }
0x80: {  	[tilespmem:s17], [sflag:$0x7] =	stream.linear.gather [hbm4b:s0+s2], $0x40, $0x38;
	[tilespmem:$0x1C580] =	vst v63  }
0x81: {  	_ =	swait.ge [sflag:s15], $0x40  }
0x82: {  	[sflag:s15] =	ssyncset.done $0x0  }
0x83: {  	[sflag:s15] =	ssyncadd.s32 $0xFFFFFFC0  }
0x84: {  	_ =	swait.ge [sflag:s15], $0x40  }
0x85: {  	[sflag:s15] =	ssyncset.done $0x0  }
0x86: {  	[sflag:s15] =	ssyncadd.s32 $0xFFFFFFC0  }
0x87: {  	[tilespmem:s18], [sflag:$0x2] =	stream.indirect.gather [hbm4b:s4+s12], $0x80, s13, s12, $0xb8;
	[tilespmem:$0x1C580] =	vst v63  }
0x88: {  	_ =	swait.ge [sflag:s8], $0x2000  }
0x89: {  	[sflag:s8] =	ssyncset.done $0x0  }
0x8a: {  	s7 =	simm.s32 @!p1 $0xC;
	[sflag:s8] =	ssyncadd.s32 $0xFFFFE000  }
0x8b: {  	[spmem:s1] =	stream.indirect.scatter.add.f32 [tilespmem:s5], [sflag:$0x9], $0x80, s10, s12, $0xb8;
	[tilespmem:$0x1C580] =	vst v63  }
0x8c: {  	_ =	swait.ge @!p1 [sflag:s7], $0x2000  }
0x8d: {  	s9 =	rddreg [dreg:$0x6];
	[sflag:s7] =	ssyncset.done @!p1 $0x0  }
0x8e: {  	s10 =	rddreg [dreg:$0x5];
	[sflag:s7] =	ssyncadd.s32 @!p1 $0xFFFFE000;
	s13 =	sadd.s32 $0x0, s9  }
0x8f: {  	[tilespmem:s20], [sflag:$0x8] =	stream.linear.gather [hbm4b:s13+s2], $0x40, $0x38;
	[tilespmem:$0x1C580] =	vst v63  }
0x90: {  	s29 =	sadd.s32 $0x0, s10  }
0x91: {  	[tilespmem:s23], [sflag:$0x8] =	stream.linear.gather [hbm4b:s29+s2], $0x40, $0x38;
	[tilespmem:$0x1C580] =	vst v63  }
0x92: {  	_ =	swait.ge [sflag:s19], $0x40  }
0x93: {  	[sflag:s19] =	ssyncset.done $0x0  }
0x94: {  	[sflag:s19] =	ssyncadd.s32 $0xFFFFFFC0  }
0x95: {  	_ =	swait.ge [sflag:s19], $0x40  }
0x96: {  	[sflag:s19] =	ssyncset.done $0x0  }
0x97: {  	[sflag:s19] =	ssyncadd.s32 $0xFFFFFFC0  }
0x98: {  	[tilespmem:s31], [sflag:$0x3] =	stream.indirect.gather [hbm4b:s4+s12], $0x80, s16, s12, $0xb8;
	[tilespmem:$0x1C580] =	vst v63  }
0x99: {  	_ =	swait.ge [sflag:s21], $0x2000  }
0x9a: {  	[sflag:s21] =	ssyncset.done $0x0  }
0x9b: {  	[sflag:s21] =	ssyncadd.s32 $0xFFFFE000  }
0x9c: {  	[spmem:s1] =	stream.indirect.scatter.add.f32 [tilespmem:s18], [sflag:$0xA], $0x80, s14, s12, $0xb8;
	[tilespmem:$0x1C580] =	vst v63  }
0x9d: {  	_ =	swait.ge [sflag:s3], $0x2000  }
0x9e: {  	p1 =	por $0x0, $0x0;
	s0 =	rddreg [dreg:$0x1b]  }
0x9f: {  	[sflag:s3] =	ssyncset.done $0x0;
	s7 =	sshrl.u32 @!p1 s0, $0x3  }
0xa0: {  	s25 =	simm.s32 @!p1 $0x0;
	[sflag:s3] =	ssyncadd.s32 $0xFFFFE000;
	s11 =	sadd.s32 @!p1 s6, s7  }
0xa1: {  	[tilespmem:s25], [sflag:$0x5] =	stream.linear.gather @!p1 [hbm4b:s11+s25], $0x40, $0x38;
	[tilespmem:$0x1C580] =	vst v63  }
0xa2: {  	s7 =	sadd.s32 @!p1 s30, s7;
	s11 =	simm.s32 @!p1 $0x200  }
0xa3: {  	[tilespmem:s11], [sflag:$0x5] =	stream.linear.gather @!p1 [hbm4b:s7+s25], $0x40, $0x38;
	[tilespmem:$0x1C580] =	vst v63  }
0xa4: {  	_ =	swait.ge [sflag:s22], $0x40  }
0xa5: {  	[sflag:s22] =	ssyncset.done $0x0  }
0xa6: {  	[sflag:s22] =	ssyncadd.s32 $0xFFFFFFC0  }
0xa7: {  	_ =	swait.ge [sflag:s22], $0x40  }
0xa8: {  	[sflag:s22] =	ssyncset.done $0x0  }
0xa9: {  	s10 =	simm.s32 $0x6400;
	[sflag:s22] =	ssyncadd.s32 $0xFFFFFFC0  }
0xaa: {  	[tilespmem:s10], [sflag:$0x4] =	stream.indirect.gather [hbm4b:s4+s12], $0x80, s20, s12, $0xb8;
	[tilespmem:$0x1C580] =	vst v63  }
0xab: {  	_ =	swait.ge [sflag:s24], $0x2000  }
0xac: {  	[sflag:s24] =	ssyncset.done $0x0  }
0xad: {  	[sflag:s24] =	ssyncadd.s32 $0xFFFFE000  }
0xae: {  	[spmem:s1] =	stream.indirect.scatter.add.f32 [tilespmem:s31], [sflag:$0xB], $0x80, s17, s12, $0xb8;
	[tilespmem:$0x1C580] =	vst v63  }
0xaf: {  	_ =	swait.ge [sflag:s26], $0x2000  }
0xb0: {  	s29 =	simm.s32 @!p1 $0x80;
	s7 =	rddreg [dreg:$0x4];
	[sflag:s26] =	ssyncset.done $0x0  }
0xb1: {  	s11 =	rddreg [dreg:$0x3];
	[sflag:s26] =	ssyncadd.s32 $0xFFFFE000;
	s7 =	sadd.s32 @!p1 $0x0, s7  }
0xb2: {  	[tilespmem:s29], [sflag:$0x6] =	stream.linear.gather @!p1 [hbm4b:s7+s25], $0x40, $0x38;
	[tilespmem:$0x1C580] =	vst v63  }
0xb3: {  	s7 =	sadd.s32 @!p1 $0x0, s11;
	s11 =	simm.s32 @!p1 $0x280  }
0xb4: {  	[tilespmem:s11], [sflag:$0x6] =	stream.linear.gather @!p1 [hbm4b:s7+s25], $0x40, $0x38;
	[tilespmem:$0x1C580] =	vst v63  }
0xb5: {  	s7 =	simm.s32 @!p1 $0x5  }
0xb6: {  	p2 =	por $0x0, $0x0;
	_ =	swait.ge @!p1 [sflag:s7], $0x40  }
0xb7: {  	s5 =	simm.s32 $0x4400;
	s13 =	smov.u32 s30;
	[sflag:s7] =	ssyncset.done @!p1 $0x0  }
0xb8: {  	s23 =	simm.s32 $0x180;
	s16 =	simm.s32 $0x380;
	[sflag:s7] =	ssyncadd.s32 @!p1 $0xFFFFFFC0  }
0xb9: {  	s14 =	simm.s32 $0x80;
	s18 =	simm.s32 $0x300;
	_ =	swait.ge @!p1 [sflag:s7], $0x40  }
0xba: {  	s30 =	simm.s32 $0x200;
	s20 =	simm.s32 $0x2400;
	[sflag:s7] =	ssyncset.done @!p1 $0x0  }
0xbb: {  	s11 =	simm.s32 @!p1 $0x400;
	[sflag:s7] =	ssyncadd.s32 @!p1 $0xFFFFFFC0;
	s7 =	simm.s32 @!p1 $0x40  }
0xbc: {  	[tilespmem:s11], [sflag:$0x1] =	stream.indirect.gather @!p1 [hbm4b:s4+s7], $0x80, s25, s7, $0xb8;
	[tilespmem:$0x1C580] =	vst v63  }
0xbd: {  	s17 =	simm.s32 $0x100;
	s25 =	simm.s32 $0x20;
	_ =	swait.ge [sflag:s28], $0x2000  }
0xbe: {  	s11 =	simm.s32 $0x40;
	s7 =	sadd.s32 $0x100, s0;
	[sflag:s28] =	ssyncset.done $0x0  }
.LBB2_4:
0xbf: {  	s31 =	simm.s32 @!p2 $0xB;
	[sflag:s28] =	ssyncadd.s32 $0xFFFFE000  }
0xc0: {  	[spmem:s1] =	stream.indirect.scatter.add.f32 [tilespmem:s10], [sflag:$0xC], $0x80, s16, s12, $0xb8;
	[tilespmem:$0x1C580] =	vst v63  }
0xc1: {  	_ =	swait.ge @!p2 [sflag:s31], $0x2000  }
0xc2: {  	[sflag:s31] =	ssyncset.done @!p2 $0x0;
	s0 =	rddreg [dreg:$0x8]  }
0xc3: {  	s9 =	rddreg [dreg:$0x7];
	[sflag:s31] =	ssyncadd.s32 @!p2 $0xFFFFE000;
	s0 =	sadd.s32 s25, s0  }
0xc4: {  	[tilespmem:s17], [sflag:$0x7] =	stream.linear.gather [hbm4b:s0+s2], $0x40, $0x38;
	[tilespmem:$0x1C580] =	vst v63  }
0xc5: {  	s9 =	sadd.s32 s25, s9  }
0xc6: {  	[tilespmem:s18], [sflag:$0x7] =	stream.linear.gather [hbm4b:s9+s2], $0x40, $0x38;
	[tilespmem:$0x1C580] =	vst v63  }
0xc7: {  	_ =	swait.ge [sflag:s15], $0x40  }
0xc8: {  	[sflag:s15] =	ssyncset.done $0x0  }
0xc9: {  	[sflag:s15] =	ssyncadd.s32 $0xFFFFFFC0  }
0xca: {  	_ =	swait.ge [sflag:s15], $0x40  }
0xcb: {  	[sflag:s15] =	ssyncset.done $0x0  }
0xcc: {  	[sflag:s15] =	ssyncadd.s32 $0xFFFFFFC0  }
0xcd: {  	[tilespmem:s20], [sflag:$0x2] =	stream.indirect.gather [hbm4b:s4+s12], $0x80, s14, s12, $0xb8;
	[tilespmem:$0x1C580] =	vst v63  }
0xce: {  	_ =	swait.ge [sflag:s8], $0x2000  }
0xcf: {  	[sflag:s8] =	ssyncset.done $0x0  }
0xd0: {  	s0 =	simm.s32 @!p2 $0xC;
	s9 =	simm.s32 $0x400;
	[sflag:s8] =	ssyncadd.s32 $0xFFFFE000  }
0xd1: {  	[spmem:s1] =	stream.indirect.scatter.add.f32 [tilespmem:s9], [sflag:$0x9], $0x80, s30, s12, $0xb8;
	[tilespmem:$0x1C580] =	vst v63  }
0xd2: {  	_ =	swait.ge @!p2 [sflag:s0], $0x2000  }
0xd3: {  	s31 =	rddreg [dreg:$0x6];
	[sflag:s0] =	ssyncset.done @!p2 $0x0  }
0xd4: {  	s9 =	rddreg [dreg:$0x5];
	[sflag:s0] =	ssyncadd.s32 @!p2 $0xFFFFE000;
	s31 =	sadd.s32 s25, s31  }
0xd5: {  	[tilespmem:s23], [sflag:$0x8] =	stream.linear.gather [hbm4b:s31+s2], $0x40, $0x38;
	[tilespmem:$0x1C580] =	vst v63  }
0xd6: {  	s9 =	sadd.s32 s25, s9  }
0xd7: {  	[tilespmem:s16], [sflag:$0x8] =	stream.linear.gather [hbm4b:s9+s2], $0x40, $0x38;
	[tilespmem:$0x1C580] =	vst v63  }
0xd8: {  	_ =	swait.ge [sflag:s19], $0x40  }
0xd9: {  	[sflag:s19] =	ssyncset.done $0x0  }
0xda: {  	[sflag:s19] =	ssyncadd.s32 $0xFFFFFFC0  }
0xdb: {  	_ =	swait.ge [sflag:s19], $0x40  }
0xdc: {  	[sflag:s19] =	ssyncset.done $0x0  }
0xdd: {  	[sflag:s19] =	ssyncadd.s32 $0xFFFFFFC0  }
0xde: {  	[tilespmem:s5], [sflag:$0x3] =	stream.indirect.gather [hbm4b:s4+s12], $0x80, s17, s12, $0xb8;
	[tilespmem:$0x1C580] =	vst v63  }
0xdf: {  	_ =	swait.ge [sflag:s21], $0x2000  }
0xe0: {  	[sflag:s21] =	ssyncset.done $0x0  }
0xe1: {  	s31 =	simm.s32 $0x280;
	[sflag:s21] =	ssyncadd.s32 $0xFFFFE000  }
0xe2: {  	[spmem:s1] =	stream.indirect.scatter.add.f32 [tilespmem:s20], [sflag:$0xA], $0x80, s31, s12, $0xb8;
	[tilespmem:$0x1C580] =	vst v63  }
0xe3: {  	p2 =	seq.s32 s25, $0x4C0;
	_ =	swait.ge [sflag:s3], $0x2000  }
0xe4: {  	s0 =	sshrl.u32 @!p2 s7, $0x3;
	[sflag:s3] =	ssyncset.done $0x0  }
0xe5: {  	s9 =	sadd.s32 @!p2 s6, s0;
	s31 =	simm.s32 @!p2 $0x0;
	[sflag:s3] =	ssyncadd.s32 $0xFFFFE000  }
0xe6: {  	[tilespmem:s31], [sflag:$0x5] =	stream.linear.gather @!p2 [hbm4b:s9+s31], $0x40, $0x38;
	[tilespmem:$0x1C580] =	vst v63  }
0xe7: {  	s0 =	sadd.s32 @!p2 s13, s0;
	s9 =	simm.s32 @!p2 $0x200  }
0xe8: {  	[tilespmem:s9], [sflag:$0x5] =	stream.linear.gather @!p2 [hbm4b:s0+s31], $0x40, $0x38;
	[tilespmem:$0x1C580] =	vst v63  }
0xe9: {  	_ =	swait.ge [sflag:s22], $0x40  }
0xea: {  	[sflag:s22] =	ssyncset.done $0x0  }
0xeb: {  	[sflag:s22] =	ssyncadd.s32 $0xFFFFFFC0  }
0xec: {  	_ =	swait.ge [sflag:s22], $0x40  }
0xed: {  	[sflag:s22] =	ssyncset.done $0x0  }
0xee: {  	[sflag:s22] =	ssyncadd.s32 $0xFFFFFFC0  }
0xef: {  	[tilespmem:s10], [sflag:$0x4] =	stream.indirect.gather [hbm4b:s4+s12], $0x80, s23, s12, $0xb8;
	[tilespmem:$0x1C580] =	vst v63  }
0xf0: {  	_ =	swait.ge [sflag:s24], $0x2000  }
0xf1: {  	[sflag:s24] =	ssyncset.done $0x0  }
0xf2: {  	[sflag:s24] =	ssyncadd.s32 $0xFFFFE000  }
0xf3: {  	[spmem:s1] =	stream.indirect.scatter.add.f32 [tilespmem:s5], [sflag:$0xB], $0x80, s18, s12, $0xb8;
	[tilespmem:$0x1C580] =	vst v63  }
0xf4: {  	_ =	swait.ge [sflag:s26], $0x2000  }
0xf5: {  	s10 =	simm.s32 @!p2 $0x80;
	s0 =	rddreg [dreg:$0x4];
	[sflag:s26] =	ssyncset.done $0x0  }
0xf6: {  	s9 =	rddreg [dreg:$0x3];
	[sflag:s26] =	ssyncadd.s32 $0xFFFFE000;
	s0 =	sadd.s32 @!p2 s25, s0  }
0xf7: {  	[tilespmem:s10], [sflag:$0x6] =	stream.linear.gather @!p2 [hbm4b:s0+s31], $0x40, $0x38;
	[tilespmem:$0x1C580] =	vst v63  }
0xf8: {  	s0 =	sadd.s32 @!p2 s25, s9;
	s9 =	simm.s32 @!p2 $0x280;
	s10 =	simm.s32 @!p2 $0x5  }
0xf9: {  	[tilespmem:s9], [sflag:$0x6] =	stream.linear.gather @!p2 [hbm4b:s0+s31], $0x40, $0x38;
	[tilespmem:$0x1C580] =	vst v63  }
0xfa: {  	_ =	swait.ge @!p2 [sflag:s10], $0x40  }
0xfb: {  	[sflag:s10] =	ssyncset.done @!p2 $0x0  }
0xfc: {  	s29 =	smov.u32 s11;
	s11 =	sadd.s32 $0x20, s11;
	[sflag:s10] =	ssyncadd.s32 @!p2 $0xFFFFFFC0  }
0xfd: {  	p1 =	sne.s32 s11, $0x4E0;
	_ =	swait.ge @!p2 [sflag:s10], $0x40  }
.Ltmp1:
0xfe: {  	[sflag:s10] =	ssyncset.done @!p2 $0x0;
	(pc) =	sbr.rel @p1 .LBB2_4-.Ltmp1, $4  }
0xff: {  	s0 =	simm.s32 @!p2 $0x40;
	s9 =	simm.s32 @!p2 $0x400;
	[sflag:s10] =	ssyncadd.s32 @!p2 $0xFFFFFFC0  }
0x100: {  	[tilespmem:s9], [sflag:$0x1] =	stream.indirect.gather @!p2 [hbm4b:s4+s0], $0x80, s31, s0, $0xb8;
	[tilespmem:$0x1C580] =	vst v63  }
0x101: {  	s7 =	sadd.s32 $0x100, s7;
	s25 =	smov.u32 s29;
	_ =	swait.ge [sflag:s28], $0x2000  }
0x102: {  	s10 =	simm.s32 $0x6400;
	p2 =	seq.s32 s25, $0x0;
	[sflag:s28] =	ssyncset.done $0x0  }
0x103: {  	s0 =	simm.s32 @!p2 $0xB;
	[sflag:s28] =	ssyncadd.s32 $0xFFFFE000  }
0x104: {  	[spmem:s1] =	stream.indirect.scatter.add.f32 [tilespmem:s10], [sflag:$0xC], $0x80, s16, s12, $0xb8;
	[tilespmem:$0x1C580] =	vst v63  }
0x105: {  	_ =	swait.ge @!p2 [sflag:s0], $0x2000  }
0x106: {  	s9 =	rddreg [dreg:$0x8];
	[sflag:s0] =	ssyncset.done @!p2 $0x0  }
0x107: {  	s10 =	rddreg [dreg:$0x7];
	[sflag:s0] =	ssyncadd.s32 @!p2 $0xFFFFE000;
	s9 =	sadd.s32 s25, s9  }
0x108: {  	[tilespmem:s17], [sflag:$0x7] =	stream.linear.gather [hbm4b:s9+s2], $0x40, $0x38;
	[tilespmem:$0x1C580] =	vst v63  }
0x109: {  	s10 =	sadd.s32 s25, s10  }
0x10a: {  	[tilespmem:s18], [sflag:$0x7] =	stream.linear.gather [hbm4b:s10+s2], $0x40, $0x38;
	[tilespmem:$0x1C580] =	vst v63  }
0x10b: {  	_ =	swait.ge [sflag:s15], $0x40  }
0x10c: {  	[sflag:s15] =	ssyncset.done $0x0  }
0x10d: {  	[sflag:s15] =	ssyncadd.s32 $0xFFFFFFC0  }
0x10e: {  	_ =	swait.ge [sflag:s15], $0x40  }
0x10f: {  	[sflag:s15] =	ssyncset.done $0x0  }
0x110: {  	[sflag:s15] =	ssyncadd.s32 $0xFFFFFFC0  }
0x111: {  	[tilespmem:s20], [sflag:$0x2] =	stream.indirect.gather [hbm4b:s4+s12], $0x80, s14, s12, $0xb8;
	[tilespmem:$0x1C580] =	vst v63  }
0x112: {  	_ =	swait.ge [sflag:s8], $0x2000  }
0x113: {  	[sflag:s8] =	ssyncset.done $0x0  }
0x114: {  	s0 =	simm.s32 @!p2 $0xC;
	s14 =	simm.s32 $0x400;
	[sflag:s8] =	ssyncadd.s32 $0xFFFFE000  }
0x115: {  	[spmem:s1] =	stream.indirect.scatter.add.f32 [tilespmem:s14], [sflag:$0x9], $0x80, s30, s12, $0xb8;
	[tilespmem:$0x1C580] =	vst v63  }
0x116: {  	_ =	swait.ge @!p2 [sflag:s0], $0x2000  }
0x117: {  	s10 =	rddreg [dreg:$0x6];
	[sflag:s0] =	ssyncset.done @!p2 $0x0  }
0x118: {  	s14 =	rddreg [dreg:$0x5];
	[sflag:s0] =	ssyncadd.s32 @!p2 $0xFFFFE000;
	s9 =	sadd.s32 s25, s10  }
0x119: {  	[tilespmem:s23], [sflag:$0x8] =	stream.linear.gather [hbm4b:s9+s2], $0x40, $0x38;
	[tilespmem:$0x1C580] =	vst v63  }
0x11a: {  	s14 =	sadd.s32 s25, s14  }
0x11b: {  	[tilespmem:s16], [sflag:$0x8] =	stream.linear.gather [hbm4b:s14+s2], $0x40, $0x38;
	[tilespmem:$0x1C580] =	vst v63  }
0x11c: {  	_ =	swait.ge [sflag:s19], $0x40  }
0x11d: {  	[sflag:s19] =	ssyncset.done $0x0  }
0x11e: {  	[sflag:s19] =	ssyncadd.s32 $0xFFFFFFC0  }
0x11f: {  	_ =	swait.ge [sflag:s19], $0x40  }
0x120: {  	[sflag:s19] =	ssyncset.done $0x0  }
0x121: {  	[sflag:s19] =	ssyncadd.s32 $0xFFFFFFC0  }
0x122: {  	[tilespmem:s5], [sflag:$0x3] =	stream.indirect.gather [hbm4b:s4+s12], $0x80, s17, s12, $0xb8;
	[tilespmem:$0x1C580] =	vst v63  }
0x123: {  	_ =	swait.ge [sflag:s21], $0x2000  }
0x124: {  	[sflag:s21] =	ssyncset.done $0x0  }
0x125: {  	s17 =	simm.s32 $0x280;
	[sflag:s21] =	ssyncadd.s32 $0xFFFFE000  }
0x126: {  	[spmem:s1] =	stream.indirect.scatter.add.f32 [tilespmem:s20], [sflag:$0xA], $0x80, s17, s12, $0xb8;
	[tilespmem:$0x1C580] =	vst v63  }
0x127: {  	p1 =	seq.s32 s25, $0x4C0;
	_ =	swait.ge [sflag:s3], $0x2000  }
0x128: {  	s0 =	sshrl.u32 @!p1 s7, $0x3;
	[sflag:s3] =	ssyncset.done $0x0  }
0x129: {  	s7 =	sadd.s32 @!p1 s6, s0;
	s9 =	simm.s32 @!p1 $0x0;
	[sflag:s3] =	ssyncadd.s32 $0xFFFFE000  }
0x12a: {  	[tilespmem:s9], [sflag:$0x5] =	stream.linear.gather @!p1 [hbm4b:s7+s9], $0x40, $0x38;
	[tilespmem:$0x1C580] =	vst v63  }
0x12b: {  	s0 =	sadd.s32 @!p1 s13, s0;
	s7 =	simm.s32 @!p1 $0x200  }
0x12c: {  	[tilespmem:s7], [sflag:$0x5] =	stream.linear.gather @!p1 [hbm4b:s0+s9], $0x40, $0x38;
	[tilespmem:$0x1C580] =	vst v63  }
0x12d: {  	_ =	swait.ge [sflag:s22], $0x40  }
0x12e: {  	[sflag:s22] =	ssyncset.done $0x0  }
0x12f: {  	[sflag:s22] =	ssyncadd.s32 $0xFFFFFFC0  }
0x130: {  	_ =	swait.ge [sflag:s22], $0x40  }
0x131: {  	[sflag:s22] =	ssyncset.done $0x0  }
0x132: {  	s11 =	simm.s32 $0x6400;
	[sflag:s22] =	ssyncadd.s32 $0xFFFFFFC0  }
0x133: {  	[tilespmem:s11], [sflag:$0x4] =	stream.indirect.gather [hbm4b:s4+s12], $0x80, s23, s12, $0xb8;
	[tilespmem:$0x1C580] =	vst v63  }
0x134: {  	_ =	swait.ge [sflag:s24], $0x2000  }
0x135: {  	[sflag:s24] =	ssyncset.done $0x0  }
0x136: {  	[sflag:s24] =	ssyncadd.s32 $0xFFFFE000  }
0x137: {  	[spmem:s1] =	stream.indirect.scatter.add.f32 [tilespmem:s5], [sflag:$0xB], $0x80, s18, s12, $0xb8;
	[tilespmem:$0x1C580] =	vst v63  }
0x138: {  	_ =	swait.ge [sflag:s26], $0x2000  }
0x139: {  	s10 =	simm.s32 @!p1 $0x80;
	s0 =	rddreg [dreg:$0x4];
	[sflag:s26] =	ssyncset.done $0x0  }
0x13a: {  	s7 =	rddreg [dreg:$0x3];
	[sflag:s26] =	ssyncadd.s32 $0xFFFFE000;
	s0 =	sadd.s32 @!p1 s25, s0  }
0x13b: {  	[tilespmem:s10], [sflag:$0x6] =	stream.linear.gather @!p1 [hbm4b:s0+s9], $0x40, $0x38;
	[tilespmem:$0x1C580] =	vst v63  }
0x13c: {  	s0 =	sadd.s32 @!p1 s25, s7;
	s7 =	simm.s32 @!p1 $0x280  }
0x13d: {  	[tilespmem:s7], [sflag:$0x6] =	stream.linear.gather @!p1 [hbm4b:s0+s9], $0x40, $0x38;
	[tilespmem:$0x1C580] =	vst v63  }
0x13e: {  	s0 =	simm.s32 @!p1 $0x5  }
0x13f: {  	_ =	swait.ge @!p1 [sflag:s0], $0x40  }
0x140: {  	[sflag:s0] =	ssyncset.done @!p1 $0x0  }
0x141: {  	[sflag:s0] =	ssyncadd.s32 @!p1 $0xFFFFFFC0  }
0x142: {  	_ =	swait.ge @!p1 [sflag:s0], $0x40  }
0x143: {  	[sflag:s0] =	ssyncset.done @!p1 $0x0  }
0x144: {  	s7 =	simm.s32 @!p1 $0x400;
	[sflag:s0] =	ssyncadd.s32 @!p1 $0xFFFFFFC0;
	s0 =	simm.s32 @!p1 $0x40  }
0x145: {  	[tilespmem:s7], [sflag:$0x1] =	stream.indirect.gather @!p1 [hbm4b:s4+s0], $0x80, s9, s0, $0xb8;
	[tilespmem:$0x1C580] =	vst v63  }
0x146: {  	_ =	swait.ge [sflag:s28], $0x2000  }
0x147: {  	[sflag:s28] =	ssyncset.done $0x0  }
0x148: {  	s7 =	simm.s32 $0xB;
	[sflag:s28] =	ssyncadd.s32 $0xFFFFE000  }
0x149: {  	[spmem:s1] =	stream.indirect.scatter.add.f32 [tilespmem:s11], [sflag:$0xC], $0x80, s16, s12, $0xb8;
	[tilespmem:$0x1C580] =	vst v63  }
0x14a: {  	_ =	swait.ge [sflag:s7], $0x2000  }
0x14b: {  	[sflag:s7] =	ssyncset.done $0x0  }
0x14c: {  	s9 =	simm.s32 $0xC;
	[sflag:s7] =	ssyncadd.s32 $0xFFFFE000  }
0x14d: {  	_ =	swait.ge [sflag:s9], $0x2000  }
0x14e: {  	s29 =	simm.s32 $0xD;
	[sflag:s9] =	ssyncset.done $0x0  }
0x14f: {  	s11 =	simm.s32 $0x8400;
	s10 =	rddreg [dreg:$0x11];
	[sflag:s9] =	ssyncadd.s32 $0xFFFFE000  }
0x150: {  	[tilespmem:s11], [sflag:$0xD] =	stream.linear.gather [hbm4b:s10+s2], $0x10, $0x38;
	[tilespmem:$0x1C580] =	vst v63  }
0x151: {  	_ =	swait.ge [sflag:s29], $0x10  }
0x152: {  	[sflag:s29] =	ssyncset.done $0x0  }
0x153: {  	s16 =	simm.s32 $0x8480;
	s14 =	rddreg [dreg:$0x12];
	[sflag:s29] =	ssyncadd.s32 $0xFFFFFFF0  }
0x154: {  	[tilespmem:s16], [sflag:$0xD] =	stream.linear.gather [hbm4b:s14+s2], $0x10, $0x38;
	[tilespmem:$0x1C580] =	vst v63  }
0x155: {  	_ =	swait.ge [sflag:s29], $0x10  }
0x156: {  	[sflag:s29] =	ssyncset.done $0x0  }
0x157: {  	s17 =	simm.s32 $0x10;
	s18 =	simm.s32 $0x8500;
	[sflag:s29] =	ssyncadd.s32 $0xFFFFFFF0  }
0x158: {  	[tilespmem:s18], [sflag:$0xD] =	stream.indirect.gather [hbm4b:s4+s17], $0x80, s11, s17, $0xb8;
	[tilespmem:$0x1C580] =	vst v63  }
0x159: {  	_ =	swait.ge [sflag:s29], $0x800  }
0x15a: {  	[sflag:s29] =	ssyncset.done $0x0  }
0x15b: {  	[sflag:s29] =	ssyncadd.s32 $0xFFFFF800  }
0x15c: {  	[spmem:s1] =	stream.indirect.scatter.add.f32 [tilespmem:s18], [sflag:$0xD], $0x80, s16, s17, $0xb8;
	[tilespmem:$0x1C580] =	vst v63  }
0x15d: {  	_ =	swait.ge [sflag:s29], $0x800  }
0x15e: {  	[sflag:s29] =	ssyncset.done $0x0  }
0x15f: {  	[sflag:s29] =	ssyncadd.s32 $0xFFFFF800  }
0x160: {  	s10 =	stileid.u32;
	[bflag:$0x0] =	sbarrier.arrive $0xFFFF  }
0x161: {  	s0 =	sshll.u32 @p0 s10, $0x6;
	s25 =	rddreg [dreg:$0x9]  }
0x162: {  	s0 =	sor.u32 @p0 $0x1C0D, s0;
	s9 =	rddreg [dreg:$0x14];
	s7 =	sshrl.u32 @p0 s25, $0x3  }
0x163: {  	[hbm:s9], [sflag:s0] =	dma.local @p0 [spmem:s7], $0x2700  }
0x164: {  	s0 =	simm.s32 @p0 $0xD  }
0x165: {  	_ =	swait.ge @p0 [sflag:s0], $0x2700  }
0x166: {  	s7 =	sshll.u32 @!p0 s10, $0x6;
	[sflag:s0] =	ssyncset.done @p0 $0x0  }
0x167: {  	[sflag:s0] =	ssyncadd.s32 @p0 $0xFFFFD900;
	s0 =	sor.u32 @!p0 $0x1C0D, s7;
	s7 =	rddreg [dreg:$0xa]  }
0x168: {  	s10 =	rddreg [dreg:$0x13];
	s7 =	sshrl.u32 @!p0 s7, $0x3  }
0x169: {  	[hbm:s10], [sflag:s0] =	dma.local @!p0 [spmem:s7], $0x2780  }
0x16a: {  	s0 =	simm.s32 @!p0 $0xD  }
0x16b: {  	_ =	swait.ge @!p0 [sflag:s0], $0x2780  }
0x16c: {  	s20 =	rddreg [dreg:$0x1f]  }
0x16d: {  	s23 =	rddreg [dreg:$0x15];
	s11 =	sadd.s32 $0x1, s20  }
0x16e: {  	p1 =	sne.s32 s11, s23  }
.Ltmp2:
0x16f: {  	s31 =	simm.s32 $0x4400;
	s30 =	smov.u32 s13;
	(pc) =	sbr.rel @p1 .LBB2_1-.Ltmp2, $4  }
0x170: {  	s13 =	simm.s32 $0x80;
	s5 =	simm.s32 $0x400;
	s14 =	simm.s32 $0x280  }
0x171: {  	s16 =	simm.s32 $0x100;
	s17 =	simm.s32 $0x300;
	s18 =	simm.s32 $0x2400  }
0x172: {  	s9 =	stileid.u32;
	s10 =	simm.s32 $0x200;
	[sflag:s0] =	ssyncset.done @!p0 $0x0  }
0x173: {  	[sflag:s0] =	ssyncadd.s32 @!p0 $0xFFFFD880;
	s20 =	simm.s32 $0x180;
	s23 =	simm.s32 $0x380  }
0x174: {  	_ =	sfence.sel $0x180000  }
0x175: {  	[bflag:$0x0] =	sbarrier.arrive $0xFFFF  }
0x176: {  	_ =	strace $0x9000004A  }
0x177: {  	[bflag:$0x2] =	sbarrier.arrive $0xFFFF  }
0x178: {  	p0 =	sne.s32 s9, $0x0;
	s0 =	rddreg [dreg:$0x2]  }
0x179: {  	s0 =	sadd.s32 @!p0 $0x100000, s0  }
0x17a: {  	[sflag:s0] =	ssyncadd.tile.s32 @!p0 $0x1;
	_ =	shalt  }
.Lfunc_end2:
_tile_overlayer_lowered:
.L_overlay_start_2:
0x17b: {  	(tag) =	ssettag $0x2  }
0x17c: {  	s0 =	rddreg [dreg:$0x0];
	s2 =	stileid.u32  }
0x17d: {  	s1 =	rddreg [dreg:$0x1];
	p0 =	sne.s32 s2, $0x0  }
0x17e: {  	s3 =	rddreg [dreg:$0x2];
	[bflag:$0x3] =	sbarrier.arrive $0xFFFF;
	s2 =	simm.s32 @!p0 $0x1C0D  }
0x17f: {  	[timem:s3], [sflag:s2] =	dma.local @!p0 [hbm:s0], s1  }
0x180: {  	s0 =	simm.s32 @!p0 $0xD  }
0x181: {  	_ =	swait.ge @!p0 [sflag:s0], s1  }
0x182: {  	s1 =	ssub.s32 @!p0 $0x0, s1;
	[sflag:s0] =	ssyncset.done @!p0 $0x0  }
0x183: {  	[sflag:s0] =	ssyncadd.s32 @!p0 s1  }
0x184: {  	[bflag:$0x3] =	sbarrier.arrive $0xFFFF  }
0x185: {  	_ =	shalt  }

</sc_bundles>
